<compile_context>
chip_gen: v7x
topology: tpu7x:2x2x1
jax: 0.10.2.dev20260603
libtpu: 0.0.44.dev20260713+nightly
codegen_flags: <defaults>
</compile_context>

<pallas_src>
import functools

import jax
import jax.numpy as jnp
from jax import lax
from jax.experimental import pallas as pl
from jax.experimental.pallas import tpu as pltpu
from jax.experimental.pallas import tpu_sc as plsc

N = 10000
D = 128
E = 320000

NC = 2
NS = 16
NW = NC * NS
NPAD = 10240
CHUNK = 128
EPW = 10240
NSTEP = EPW // CHUNK
EPAD = EPW * NW
RPS = NPAD // NS
F32 = jnp.float32

_mesh = plsc.VectorSubcoreMesh(core_axis_name="c", subcore_axis_name="s")



@functools.partial(
    pl.kernel,
    out_type=(
        jax.ShapeDtypeStruct((NPAD,), F32),
        jax.ShapeDtypeStruct((NPAD,), F32),
    ),
    mesh=_mesh,
    scratch_types=[
        pltpu.VMEM((NSTEP, CHUNK), jnp.int32),
        pltpu.VMEM((CHUNK,), F32),
        pltpu.VMEM((RPS,), F32),
        pltpu.VMEM_SHARED((NPAD,), F32),
    ],
)
def _sc_degree(dst_ref, out0, out1, idx_d, ones, zbuf, degacc):
    c = lax.axis_index("c")
    s = lax.axis_index("s")
    w = c * NS + s
    pltpu.sync_copy(dst_ref.at[pl.ds(w * NSTEP, NSTEP)], idx_d)

    one16 = jnp.ones((16,), F32)
    zero16 = jnp.zeros((16,), F32)
    for l in range(CHUNK // 16):
        ones[pl.ds(l * 16, 16)] = one16

    def zfill(k, carry):
        zbuf[pl.ds(pl.multiple_of(k * 16, 16), 16)] = zero16
        return carry

    lax.fori_loop(0, RPS // 16, zfill, 0)
    pltpu.sync_copy(zbuf, degacc.at[pl.ds(s * RPS, RPS)])
    plsc.subcore_barrier()

    def body(i, carry):
        pltpu.sync_copy(ones, degacc.at[idx_d.at[i]], add=True)
        return carry

    lax.fori_loop(0, NSTEP, body, 0)
    plsc.subcore_barrier()

    pltpu.sync_copy(degacc.at[pl.ds(s * RPS, RPS)], zbuf)

    @pl.when(c == 0)
    def _():
        pltpu.sync_copy(zbuf, out0.at[pl.ds(s * RPS, RPS)])

    @pl.when(c == 1)
    def _():
        pltpu.sync_copy(zbuf, out1.at[pl.ds(s * RPS, RPS)])


@functools.partial(
    pl.kernel,
    out_type=(
        jax.ShapeDtypeStruct((NPAD, D), F32),
        jax.ShapeDtypeStruct((NPAD, D), F32),
    ),
    mesh=_mesh,
    scratch_types=[
        pltpu.VMEM((EPW,), jnp.int32),
        pltpu.VMEM((NSTEP // 2, CHUNK), jnp.int32),
        pltpu.VMEM((CHUNK, D), F32),
        pltpu.VMEM((CHUNK, D), F32),
        pltpu.VMEM_SHARED((NPAD, D), F32),
        pltpu.SemaphoreType.DMA,
        pltpu.SemaphoreType.DMA,
        pltpu.SemaphoreType.DMA,
    ],
)
def _sc_prop(src_ref, dst_ref, g_ref, out0, out1, idx_s, idx_d, ra, rb, acc,
             sema, semb, semz):
    HSTEP = NSTEP // 2
    c = lax.axis_index("c")
    s = lax.axis_index("s")
    w = c * NS + s
    soff = pl.multiple_of(w * EPW, 8)
    pltpu.async_copy(src_ref.at[pl.ds(soff, EPW)], idx_s, sema)
    pltpu.async_copy(dst_ref.at[pl.ds(w * NSTEP, HSTEP)], idx_d, semb)

    def sidx(j):
        return idx_s.at[pl.ds(pl.multiple_of(j * CHUNK, 8), CHUNK)]

    zero16 = jnp.zeros((16,), F32)

    def zfill(r, carry):
        for l in range(D // 16):
            rb[r, pl.ds(l * 16, 16)] = zero16
        return carry

    lax.fori_loop(0, CHUNK, zfill, 0)

    for k in range(RPS // CHUNK):
        pltpu.async_copy(rb, acc.at[pl.ds(s * RPS + k * CHUNK, CHUNK)], semz)
    for k in range(RPS // CHUNK):
        pltpu.make_async_copy(rb, acc.at[pl.ds(s * RPS + k * CHUNK, CHUNK)],
                              semz).wait()
    pltpu.make_async_copy(src_ref.at[pl.ds(soff, EPW)], idx_s, sema).wait()
    pltpu.make_async_copy(dst_ref.at[pl.ds(w * NSTEP, HSTEP)], idx_d,
                          semb).wait()
    plsc.subcore_barrier()

    pltpu.async_copy(g_ref.at[sidx(0)], ra, sema)

    def body(i, carry):
        j0 = 2 * i
        r0 = lax.rem(j0, HSTEP)

        @pl.when(j0 == HSTEP)
        def _():
            pltpu.sync_copy(dst_ref.at[pl.ds(w * NSTEP + HSTEP, HSTEP)],
                            idx_d)

        pltpu.async_copy(g_ref.at[sidx(j0 + 1)], rb, semb)
        pltpu.make_async_copy(g_ref.at[sidx(j0)], ra, sema).wait()
        pltpu.sync_copy(ra, acc.at[idx_d.at[r0]], add=True)

        @pl.when(i < NSTEP // 2 - 1)
        def _():
            pltpu.async_copy(g_ref.at[sidx(j0 + 2)], ra, sema)

        pltpu.make_async_copy(g_ref.at[sidx(j0 + 1)], rb, semb).wait()
        pltpu.sync_copy(rb, acc.at[idx_d.at[r0 + 1]], add=True)
        return carry

    lax.fori_loop(0, NSTEP // 2, body, 0)
    plsc.subcore_barrier()

    def do_wb(out_ref):
        bufs = (ra, rb)
        nk = RPS // CHUNK
        for k in range(nk):
            buf = bufs[k % 2]
            off = s * RPS + k * CHUNK
            if k >= 2:
                poff = s * RPS + (k - 2) * CHUNK
                pltpu.make_async_copy(buf, out_ref.at[pl.ds(poff, CHUNK)],
                                      semz).wait()
            pltpu.sync_copy(acc.at[pl.ds(off, CHUNK)], buf)
            pltpu.async_copy(buf, out_ref.at[pl.ds(off, CHUNK)], semz)
        for k in range(nk - 2, nk):
            buf = bufs[k % 2]
            off = s * RPS + k * CHUNK
            pltpu.make_async_copy(buf, out_ref.at[pl.ds(off, CHUNK)],
                                  semz).wait()

    @pl.when(c == 0)
    def _():
        do_wb(out0)

    @pl.when(c == 1)
    def _():
        do_wb(out1)



BM = 2000
GRID = N // BM

_row = lambda i: (i, 0)
_all = lambda i: (0, 0)


def _tc_mm_body(x_ref, w_ref, h_ref):
    h_ref[...] = jnp.dot(x_ref[...], w_ref[...], preferred_element_type=F32,
                         precision=lax.Precision.HIGHEST)


_tc_mm = pl.pallas_call(
    _tc_mm_body,
    grid=(GRID,),
    in_specs=[
        pl.BlockSpec((BM, D), _row),
        pl.BlockSpec((D, D), _all),
    ],
    out_specs=pl.BlockSpec((BM, D), _row),
    out_shape=jax.ShapeDtypeStruct((N, D), F32),
)


def _tc_scale_body(h_ref, d0_ref, d1_ref, g_ref):
    dinv = lax.rsqrt(d0_ref[...] + d1_ref[...] + 1.0)
    g_ref[...] = h_ref[...] * dinv


_tc_scale = pl.pallas_call(
    _tc_scale_body,
    grid=(GRID,),
    in_specs=[
        pl.BlockSpec((BM, D), _row),
        pl.BlockSpec((BM, 1), _row),
        pl.BlockSpec((BM, 1), _row),
    ],
    out_specs=pl.BlockSpec((BM, D), _row),
    out_shape=jax.ShapeDtypeStruct((N, D), F32),
)


def _tc_mid_body(a0_ref, a1_ref, g1_ref, d0_ref, d1_ref, b_ref, w_ref, g2_ref):
    dinv = lax.rsqrt(d0_ref[...] + d1_ref[...] + 1.0)
    h = (a0_ref[...] + a1_ref[...] + g1_ref[...]) * dinv + b_ref[...]
    h = jnp.maximum(h, 0.0)
    h2 = jnp.dot(h, w_ref[...], preferred_element_type=F32,
                 precision=lax.Precision.HIGHEST)
    g2_ref[...] = h2 * dinv


_tc_mid = pl.pallas_call(
    _tc_mid_body,
    grid=(GRID,),
    in_specs=[
        pl.BlockSpec((BM, D), _row),
        pl.BlockSpec((BM, D), _row),
        pl.BlockSpec((BM, D), _row),
        pl.BlockSpec((BM, 1), _row),
        pl.BlockSpec((BM, 1), _row),
        pl.BlockSpec((1, D), _all),
        pl.BlockSpec((D, D), _all),
    ],
    out_specs=pl.BlockSpec((BM, D), _row),
    out_shape=jax.ShapeDtypeStruct((N, D), F32),
)


def _tc_final_body(c0_ref, c1_ref, g2_ref, d0_ref, d1_ref, b_ref, o_ref):
    dinv = lax.rsqrt(d0_ref[...] + d1_ref[...] + 1.0)
    z = (c0_ref[...] + c1_ref[...] + g2_ref[...]) * dinv + b_ref[...]
    z = z - jnp.max(z, axis=1, keepdims=True)
    o_ref[...] = z - jnp.log(jnp.sum(jnp.exp(z), axis=1, keepdims=True))


_tc_final = pl.pallas_call(
    _tc_final_body,
    grid=(GRID,),
    in_specs=[
        pl.BlockSpec((BM, D), _row),
        pl.BlockSpec((BM, D), _row),
        pl.BlockSpec((BM, D), _row),
        pl.BlockSpec((BM, 1), _row),
        pl.BlockSpec((BM, 1), _row),
        pl.BlockSpec((1, D), _all),
    ],
    out_specs=pl.BlockSpec((BM, D), _row),
    out_shape=jax.ShapeDtypeStruct((N, D), F32),
)



@jax.jit
def _run(x, edge_index, W1, b1, W2, b2):
    src = edge_index[0]
    dst = edge_index[1]
    fill_d = N + jnp.arange(EPAD - E, dtype=jnp.int32) % (NPAD - N)
    fill_s = jnp.arange(EPAD - E, dtype=jnp.int32) % N
    src2 = jnp.concatenate([src, fill_s])
    dst2 = jnp.concatenate([dst, fill_d]).reshape(EPAD // CHUNK, CHUNK)

    h1 = _tc_mm(x, W1)
    d0, d1 = _sc_degree(dst2)
    d0 = d0.reshape(NPAD, 1)
    d1 = d1.reshape(NPAD, 1)

    g1 = _tc_scale(h1, d0, d1)
    a0, a1 = _sc_prop(src2, dst2, g1)
    g2 = _tc_mid(a0, a1, g1, d0, d1, b1.reshape(1, D), W2)
    c0, c1 = _sc_prop(src2, dst2, g2)
    out = _tc_final(c0, c1, g2, d0, d1, b2.reshape(1, D))
    return out


def kernel(x, edge_index, W1, b1, W2, b2):
    return _run(x, edge_index, W1, b1, W2, b2)

# --- scband reference (transcript-rebuilt; emitter-appended) ---
"""Pipeline reference for scband-de-bruijn-gnn-5961414607058 (READ-ONLY COPY).

The authoritative reference and input builder live on the scoring server;
editing this copy changes nothing except your own understanding.
"""

import jax, jax.numpy as jnp
import numpy as np

N = 10000
E = 320000
D_IN = 128
D_H = 128
D_OUT = 128


def setup_inputs(seed: int = 0) -> dict:
    key = jax.random.key(seed)
    k1, k2, k3, k4, k5, k6 = jax.random.split(key, 6)
    x = jax.random.normal(k1, (N, D_IN), dtype=jnp.float32)
    edge_index = jax.random.randint(k2, (2, E), 0, N, dtype=jnp.int32)
    W1 = jax.random.normal(k3, (D_IN, D_H), dtype=jnp.float32) * (1.0 / np.sqrt(D_IN))
    b1 = jnp.zeros((D_H,), dtype=jnp.float32)
    W2 = jax.random.normal(k4, (D_H, D_OUT), dtype=jnp.float32) * (1.0 / np.sqrt(D_H))
    b2 = jnp.zeros((D_OUT,), dtype=jnp.float32)
    return {"x": x, "edge_index": edge_index, "W1": W1, "b1": b1, "W2": W2, "b2": b2}


def gcn_conv(x, edge_index, W, b):
    # Faithful PyG GCNConv: add self-loops, symmetric D^{-1/2}(A+I)D^{-1/2} normalization
    n = x.shape[0]
    src = edge_index[0]
    dst = edge_index[1]
    loop = jnp.arange(n, dtype=src.dtype)
    src = jnp.concatenate([src, loop])
    dst = jnp.concatenate([dst, loop])
    h = x @ W
    ones = jnp.ones(src.shape[0], dtype=h.dtype)
    deg = jax.ops.segment_sum(ones, dst, num_segments=n)
    deg_inv_sqrt = jnp.where(deg > 0, jax.lax.rsqrt(jnp.maximum(deg, 1e-12)), 0.0)
    norm = deg_inv_sqrt[src] * deg_inv_sqrt[dst]
    msg = h[src] * norm[:, None]
    out = jax.ops.segment_sum(msg, dst, num_segments=n)
    return out + b


def reference(x, edge_index, W1, b1, W2, b2):
    h = gcn_conv(x, edge_index, W1, b1)
    h = jax.nn.relu(h)
    h = gcn_conv(h, edge_index, W2, b2)
    return jax.nn.log_softmax(h, axis=1)

if __name__ == "__main__":
    import jax
    _d = setup_inputs()
    print(jax.jit(kernel)(*tuple(_d.values())))

</pallas_src>

<mosaic_0001>
#map = affine_map<(d0, d1) -> (0)>
#map1 = affine_map<(d0, d1) -> (0, 0)>
module attributes {stable_mosaic.version = 14 : i64} {
  func.func @_sc_prop(%arg0: i32, %arg1: i32, %arg2: memref<327680xi32, #tpu.memory_space<hbm>>, %arg3: memref<2560x128xi32, #tpu.memory_space<hbm>>, %arg4: memref<10000x128xf32, #tpu.memory_space<hbm>>, %arg5: memref<10240x128xf32, #tpu.memory_space<hbm>>, %arg6: memref<10240x128xf32, #tpu.memory_space<hbm>>, %arg7: memref<10240xi32, #tpu.memory_space<vmem>>, %arg8: memref<40x128xi32, #tpu.memory_space<vmem>>, %arg9: memref<128x128xf32, #tpu.memory_space<vmem>>, %arg10: memref<128x128xf32, #tpu.memory_space<vmem>>, %arg11: memref<10240x128xf32, #tpu.memory_space<vmem_shared>>, %arg12: memref<!tpu.dma_semaphore, #tpu.memory_space<semaphore_mem>>, %arg13: memref<!tpu.dma_semaphore, #tpu.memory_space<semaphore_mem>>, %arg14: memref<!tpu.dma_semaphore, #tpu.memory_space<semaphore_mem>>) attributes {dimension_semantics = [#tpu.dimension_semantics<core_parallel>, #tpu.dimension_semantics<subcore_parallel>], iteration_bounds = array<i64: 2, 16>, scalar_prefetch = 0 : i64, scratch_operands = 8 : i64, tpu.core_type = #tpu.core_type<sc_vector_subcore>, window_params = [{transform_indices = #map}, {transform_indices = #map1}, {transform_indices = #map1}, {transform_indices = #map1}, {transform_indices = #map1}]} {
    %mul3A = arith.constant 16 : i32
    %mul3A_0 = arith.muli %arg0, %mul3A : i32
    %add3A = arith.addi %mul3A_0, %arg1 : i32
    %mul3A_1 = arith.constant 10240 : i32
    %mul3A_2 = arith.muli %add3A, %mul3A_1 : i32
    %multiple_of3A = tpu.assume_multiple %mul3A_2, 8 : i32
    %dma_start3A = tpu.memref_slice %arg2[%multiple_of3A] : memref<327680xi32, #tpu.memory_space<hbm>> -> memref<10240xi32, #tpu.memory_space<hbm>>
    %dma_start3A_3 = tpu.memref_slice %arg2[%multiple_of3A] : memref<327680xi32, #tpu.memory_space<hbm>> -> memref<10240xi32, #tpu.memory_space<hbm>>
    tpu.enqueue_dma source(%dma_start3A_3 : memref<10240xi32, #tpu.memory_space<hbm>>) target(%arg7 : memref<10240xi32, #tpu.memory_space<vmem>>) target_semaphore(%arg12 : memref<!tpu.dma_semaphore, #tpu.memory_space<semaphore_mem>>)
    %mul3A_4 = arith.constant 80 : i32
    %mul3A_5 = arith.muli %add3A, %mul3A_4 : i32
    %dma_start3A_6 = arith.constant 0 : i32
    %dma_start3A_7 = tpu.memref_slice %arg3[%mul3A_5, %dma_start3A_6] : memref<2560x128xi32, #tpu.memory_space<hbm>> -> memref<40x128xi32, #tpu.memory_space<hbm>>
    %dma_start3A_8 = arith.constant 0 : i32
    %dma_start3A_9 = tpu.memref_slice %arg3[%mul3A_5, %dma_start3A_8] : memref<2560x128xi32, #tpu.memory_space<hbm>> -> memref<40x128xi32, #tpu.memory_space<hbm>>
    tpu.enqueue_dma source(%dma_start3A_9 : memref<40x128xi32, #tpu.memory_space<hbm>>) target(%arg8 : memref<40x128xi32, #tpu.memory_space<vmem>>) target_semaphore(%arg13 : memref<!tpu.dma_semaphore, #tpu.memory_space<semaphore_mem>>)
    %broadcast_in_dim3A = arith.constant 0.000000e+00 : f32
    %broadcast_in_dim3A_10 = vector.broadcast %broadcast_in_dim3A : f32 to vector<16xf32>
    %scan3A = arith.constant 0 : i32
    %scan3A_11 = arith.constant 0 : i32
    %scan3A_12 = arith.constant 128 : i32
    %scan3A_13 = arith.addi %scan3A_11, %scan3A_12 : i32
    %scan3A_14 = arith.constant 1 : i32
    scf.for %scan3A_123 = %scan3A_11 to %scan3A_13 step %scan3A_14  : i32 {
      %swap3A = arith.index_cast %scan3A_123 : i32 to index
      %swap3A_124 = arith.constant 0 : index
      %swap3A_125 = tpu.vector_load %arg10[%swap3A, %swap3A_124] {strides = array<i32>} : memref<128x128xf32, #tpu.memory_space<vmem>>, vector<1x16xf32>,
      %swap3A_126 = vector.shape_cast %swap3A_125 : vector<1x16xf32> to vector<16xf32>
      %swap3A_127 = vector.shape_cast %broadcast_in_dim3A_10 : vector<16xf32> to vector<1x16xf32>
      tpu.vector_store %arg10[%swap3A, %swap3A_124], %swap3A_127 {strides = array<i32>} : memref<128x128xf32, #tpu.memory_space<vmem>>, vector<1x16xf32>,
      %swap3A_128 = arith.index_cast %scan3A_123 : i32 to index
      %swap3A_129 = arith.constant 16 : index
      %swap3A_130 = tpu.vector_load %arg10[%swap3A_128, %swap3A_129] {strides = array<i32>} : memref<128x128xf32, #tpu.memory_space<vmem>>, vector<1x16xf32>,
      %swap3A_131 = vector.shape_cast %swap3A_130 : vector<1x16xf32> to vector<16xf32>
      %swap3A_132 = vector.shape_cast %broadcast_in_dim3A_10 : vector<16xf32> to vector<1x16xf32>
      tpu.vector_store %arg10[%swap3A_128, %swap3A_129], %swap3A_132 {strides = array<i32>} : memref<128x128xf32, #tpu.memory_space<vmem>>, vector<1x16xf32>,
      %swap3A_133 = arith.index_cast %scan3A_123 : i32 to index
      %swap3A_134 = arith.constant 32 : index
      %swap3A_135 = tpu.vector_load %arg10[%swap3A_133, %swap3A_134] {strides = array<i32>} : memref<128x128xf32, #tpu.memory_space<vmem>>, vector<1x16xf32>,
      %swap3A_136 = vector.shape_cast %swap3A_135 : vector<1x16xf32> to vector<16xf32>
      %swap3A_137 = vector.shape_cast %broadcast_in_dim3A_10 : vector<16xf32> to vector<1x16xf32>
      tpu.vector_store %arg10[%swap3A_133, %swap3A_134], %swap3A_137 {strides = array<i32>} : memref<128x128xf32, #tpu.memory_space<vmem>>, vector<1x16xf32>,
      %swap3A_138 = arith.index_cast %scan3A_123 : i32 to index
      %swap3A_139 = arith.constant 48 : index
      %swap3A_140 = tpu.vector_load %arg10[%swap3A_138, %swap3A_139] {strides = array<i32>} : memref<128x128xf32, #tpu.memory_space<vmem>>, vector<1x16xf32>,
      %swap3A_141 = vector.shape_cast %swap3A_140 : vector<1x16xf32> to vector<16xf32>
      %swap3A_142 = vector.shape_cast %broadcast_in_dim3A_10 : vector<16xf32> to vector<1x16xf32>
      tpu.vector_store %arg10[%swap3A_138, %swap3A_139], %swap3A_142 {strides = array<i32>} : memref<128x128xf32, #tpu.memory_space<vmem>>, vector<1x16xf32>,
      %swap3A_143 = arith.index_cast %scan3A_123 : i32 to index
      %swap3A_144 = arith.constant 64 : index
      %swap3A_145 = tpu.vector_load %arg10[%swap3A_143, %swap3A_144] {strides = array<i32>} : memref<128x128xf32, #tpu.memory_space<vmem>>, vector<1x16xf32>,
      %swap3A_146 = vector.shape_cast %swap3A_145 : vector<1x16xf32> to vector<16xf32>
      %swap3A_147 = vector.shape_cast %broadcast_in_dim3A_10 : vector<16xf32> to vector<1x16xf32>
      tpu.vector_store %arg10[%swap3A_143, %swap3A_144], %swap3A_147 {strides = array<i32>} : memref<128x128xf32, #tpu.memory_space<vmem>>, vector<1x16xf32>,
      %swap3A_148 = arith.index_cast %scan3A_123 : i32 to index
      %swap3A_149 = arith.constant 80 : index
      %swap3A_150 = tpu.vector_load %arg10[%swap3A_148, %swap3A_149] {strides = array<i32>} : memref<128x128xf32, #tpu.memory_space<vmem>>, vector<1x16xf32>,
      %swap3A_151 = vector.shape_cast %swap3A_150 : vector<1x16xf32> to vector<16xf32>
      %swap3A_152 = vector.shape_cast %broadcast_in_dim3A_10 : vector<16xf32> to vector<1x16xf32>
      tpu.vector_store %arg10[%swap3A_148, %swap3A_149], %swap3A_152 {strides = array<i32>} : memref<128x128xf32, #tpu.memory_space<vmem>>, vector<1x16xf32>,
      %swap3A_153 = arith.index_cast %scan3A_123 : i32 to index
      %swap3A_154 = arith.constant 96 : index
      %swap3A_155 = tpu.vector_load %arg10[%swap3A_153, %swap3A_154] {strides = array<i32>} : memref<128x128xf32, #tpu.memory_space<vmem>>, vector<1x16xf32>,
      %swap3A_156 = vector.shape_cast %swap3A_155 : vector<1x16xf32> to vector<16xf32>
      %swap3A_157 = vector.shape_cast %broadcast_in_dim3A_10 : vector<16xf32> to vector<1x16xf32>
      tpu.vector_store %arg10[%swap3A_153, %swap3A_154], %swap3A_157 {strides = array<i32>} : memref<128x128xf32, #tpu.memory_space<vmem>>, vector<1x16xf32>,
      %swap3A_158 = arith.index_cast %scan3A_123 : i32 to index
      %swap3A_159 = arith.constant 112 : index
      %swap3A_160 = tpu.vector_load %arg10[%swap3A_158, %swap3A_159] {strides = array<i32>} : memref<128x128xf32, #tpu.memory_space<vmem>>, vector<1x16xf32>,
      %swap3A_161 = vector.shape_cast %swap3A_160 : vector<1x16xf32> to vector<16xf32>
      %swap3A_162 = vector.shape_cast %broadcast_in_dim3A_10 : vector<16xf32> to vector<1x16xf32>
      tpu.vector_store %arg10[%swap3A_158, %swap3A_159], %swap3A_162 {strides = array<i32>} : memref<128x128xf32, #tpu.memory_space<vmem>>, vector<1x16xf32>,
    }
    %scan3A_15 = arith.constant 128 : i32
    %mul3A_16 = arith.constant 640 : i32
    %mul3A_17 = arith.muli %arg1, %mul3A_16 : i32
    %add3A_18 = arith.constant 0 : i32
    %add3A_19 = arith.addi %mul3A_17, %add3A_18 : i32
    %dma_start3A_20 = arith.constant 0 : i32
    %dma_start3A_21 = tpu.memref_slice %arg11[%add3A_19, %dma_start3A_20] : memref<10240x128xf32, #tpu.memory_space<vmem_shared>> -> memref<128x128xf32, #tpu.memory_space<vmem_shared>>
    %dma_start3A_22 = arith.constant 0 : i32
    %dma_start3A_23 = tpu.memref_slice %arg11[%add3A_19, %dma_start3A_22] : memref<10240x128xf32, #tpu.memory_space<vmem_shared>> -> memref<128x128xf32, #tpu.memory_space<vmem_shared>>
    tpu.enqueue_dma source(%arg10 : memref<128x128xf32, #tpu.memory_space<vmem>>) target(%dma_start3A_23 : memref<128x128xf32, #tpu.memory_space<vmem_shared>>) target_semaphore(%arg14 : memref<!tpu.dma_semaphore, #tpu.memory_space<semaphore_mem>>)
    %mul3A_24 = arith.constant 640 : i32
    %mul3A_25 = arith.muli %arg1, %mul3A_24 : i32
    %add3A_26 = arith.constant 128 : i32
    %add3A_27 = arith.addi %mul3A_25, %add3A_26 : i32
    %dma_start3A_28 = arith.constant 0 : i32
    %dma_start3A_29 = tpu.memref_slice %arg11[%add3A_27, %dma_start3A_28] : memref<10240x128xf32, #tpu.memory_space<vmem_shared>> -> memref<128x128xf32, #tpu.memory_space<vmem_shared>>
    %dma_start3A_30 = arith.constant 0 : i32
    %dma_start3A_31 = tpu.memref_slice %arg11[%add3A_27, %dma_start3A_30] : memref<10240x128xf32, #tpu.memory_space<vmem_shared>> -> memref<128x128xf32, #tpu.memory_space<vmem_shared>>
    tpu.enqueue_dma source(%arg10 : memref<128x128xf32, #tpu.memory_space<vmem>>) target(%dma_start3A_31 : memref<128x128xf32, #tpu.memory_space<vmem_shared>>) target_semaphore(%arg14 : memref<!tpu.dma_semaphore, #tpu.memory_space<semaphore_mem>>)
    %mul3A_32 = arith.constant 640 : i32
    %mul3A_33 = arith.muli %arg1, %mul3A_32 : i32
    %add3A_34 = arith.constant 256 : i32
    %add3A_35 = arith.addi %mul3A_33, %add3A_34 : i32
    %dma_start3A_36 = arith.constant 0 : i32
    %dma_start3A_37 = tpu.memref_slice %arg11[%add3A_35, %dma_start3A_36] : memref<10240x128xf32, #tpu.memory_space<vmem_shared>> -> memref<128x128xf32, #tpu.memory_space<vmem_shared>>
    %dma_start3A_38 = arith.constant 0 : i32
    %dma_start3A_39 = tpu.memref_slice %arg11[%add3A_35, %dma_start3A_38] : memref<10240x128xf32, #tpu.memory_space<vmem_shared>> -> memref<128x128xf32, #tpu.memory_space<vmem_shared>>
    tpu.enqueue_dma source(%arg10 : memref<128x128xf32, #tpu.memory_space<vmem>>) target(%dma_start3A_39 : memref<128x128xf32, #tpu.memory_space<vmem_shared>>) target_semaphore(%arg14 : memref<!tpu.dma_semaphore, #tpu.memory_space<semaphore_mem>>)
    %mul3A_40 = arith.constant 640 : i32
    %mul3A_41 = arith.muli %arg1, %mul3A_40 : i32
    %add3A_42 = arith.constant 384 : i32
    %add3A_43 = arith.addi %mul3A_41, %add3A_42 : i32
    %dma_start3A_44 = arith.constant 0 : i32
    %dma_start3A_45 = tpu.memref_slice %arg11[%add3A_43, %dma_start3A_44] : memref<10240x128xf32, #tpu.memory_space<vmem_shared>> -> memref<128x128xf32, #tpu.memory_space<vmem_shared>>
    %dma_start3A_46 = arith.constant 0 : i32
    %dma_start3A_47 = tpu.memref_slice %arg11[%add3A_43, %dma_start3A_46] : memref<10240x128xf32, #tpu.memory_space<vmem_shared>> -> memref<128x128xf32, #tpu.memory_space<vmem_shared>>
    tpu.enqueue_dma source(%arg10 : memref<128x128xf32, #tpu.memory_space<vmem>>) target(%dma_start3A_47 : memref<128x128xf32, #tpu.memory_space<vmem_shared>>) target_semaphore(%arg14 : memref<!tpu.dma_semaphore, #tpu.memory_space<semaphore_mem>>)
    %mul3A_48 = arith.constant 640 : i32
    %mul3A_49 = arith.muli %arg1, %mul3A_48 : i32
    %add3A_50 = arith.constant 512 : i32
    %add3A_51 = arith.addi %mul3A_49, %add3A_50 : i32
    %dma_start3A_52 = arith.constant 0 : i32
    %dma_start3A_53 = tpu.memref_slice %arg11[%add3A_51, %dma_start3A_52] : memref<10240x128xf32, #tpu.memory_space<vmem_shared>> -> memref<128x128xf32, #tpu.memory_space<vmem_shared>>
    %dma_start3A_54 = arith.constant 0 : i32
    %dma_start3A_55 = tpu.memref_slice %arg11[%add3A_51, %dma_start3A_54] : memref<10240x128xf32, #tpu.memory_space<vmem_shared>> -> memref<128x128xf32, #tpu.memory_space<vmem_shared>>
    tpu.enqueue_dma source(%arg10 : memref<128x128xf32, #tpu.memory_space<vmem>>) target(%dma_start3A_55 : memref<128x128xf32, #tpu.memory_space<vmem_shared>>) target_semaphore(%arg14 : memref<!tpu.dma_semaphore, #tpu.memory_space<semaphore_mem>>)
    %mul3A_56 = arith.constant 640 : i32
    %mul3A_57 = arith.muli %arg1, %mul3A_56 : i32
    %add3A_58 = arith.constant 0 : i32
    %add3A_59 = arith.addi %mul3A_57, %add3A_58 : i32
    %dma_wait3A = arith.constant 0 : i32
    %dma_wait3A_60 = tpu.memref_slice %arg11[%add3A_59, %dma_wait3A] : memref<10240x128xf32, #tpu.memory_space<vmem_shared>> -> memref<128x128xf32, #tpu.memory_space<vmem_shared>>
    %dma_wait3A_61 = arith.constant 0 : i32
    %dma_wait3A_62 = tpu.memref_slice %arg11[%add3A_59, %dma_wait3A_61] : memref<10240x128xf32, #tpu.memory_space<vmem_shared>> -> memref<128x128xf32, #tpu.memory_space<vmem_shared>>
    tpu.wait_dma2 semaphore(%arg14 : memref<!tpu.dma_semaphore, #tpu.memory_space<semaphore_mem>>) src(%arg10 : memref<128x128xf32, #tpu.memory_space<vmem>>) dst(%dma_wait3A_62 : memref<128x128xf32, #tpu.memory_space<vmem_shared>>)
    %mul3A_63 = arith.constant 640 : i32
    %mul3A_64 = arith.muli %arg1, %mul3A_63 : i32
    %add3A_65 = arith.constant 128 : i32
    %add3A_66 = arith.addi %mul3A_64, %add3A_65 : i32
    %dma_wait3A_67 = arith.constant 0 : i32
    %dma_wait3A_68 = tpu.memref_slice %arg11[%add3A_66, %dma_wait3A_67] : memref<10240x128xf32, #tpu.memory_space<vmem_shared>> -> memref<128x128xf32, #tpu.memory_space<vmem_shared>>
    %dma_wait3A_69 = arith.constant 0 : i32
    %dma_wait3A_70 = tpu.memref_slice %arg11[%add3A_66, %dma_wait3A_69] : memref<10240x128xf32, #tpu.memory_space<vmem_shared>> -> memref<128x128xf32, #tpu.memory_space<vmem_shared>>
    tpu.wait_dma2 semaphore(%arg14 : memref<!tpu.dma_semaphore, #tpu.memory_space<semaphore_mem>>) src(%arg10 : memref<128x128xf32, #tpu.memory_space<vmem>>) dst(%dma_wait3A_70 : memref<128x128xf32, #tpu.memory_space<vmem_shared>>)
    %mul3A_71 = arith.constant 640 : i32
    %mul3A_72 = arith.muli %arg1, %mul3A_71 : i32
    %add3A_73 = arith.constant 256 : i32
    %add3A_74 = arith.addi %mul3A_72, %add3A_73 : i32
    %dma_wait3A_75 = arith.constant 0 : i32
    %dma_wait3A_76 = tpu.memref_slice %arg11[%add3A_74, %dma_wait3A_75] : memref<10240x128xf32, #tpu.memory_space<vmem_shared>> -> memref<128x128xf32, #tpu.memory_space<vmem_shared>>
    %dma_wait3A_77 = arith.constant 0 : i32
    %dma_wait3A_78 = tpu.memref_slice %arg11[%add3A_74, %dma_wait3A_77] : memref<10240x128xf32, #tpu.memory_space<vmem_shared>> -> memref<128x128xf32, #tpu.memory_space<vmem_shared>>
    tpu.wait_dma2 semaphore(%arg14 : memref<!tpu.dma_semaphore, #tpu.memory_space<semaphore_mem>>) src(%arg10 : memref<128x128xf32, #tpu.memory_space<vmem>>) dst(%dma_wait3A_78 : memref<128x128xf32, #tpu.memory_space<vmem_shared>>)
    %mul3A_79 = arith.constant 640 : i32
    %mul3A_80 = arith.muli %arg1, %mul3A_79 : i32
    %add3A_81 = arith.constant 384 : i32
    %add3A_82 = arith.addi %mul3A_80, %add3A_81 : i32
    %dma_wait3A_83 = arith.constant 0 : i32
    %dma_wait3A_84 = tpu.memref_slice %arg11[%add3A_82, %dma_wait3A_83] : memref<10240x128xf32, #tpu.memory_space<vmem_shared>> -> memref<128x128xf32, #tpu.memory_space<vmem_shared>>
    %dma_wait3A_85 = arith.constant 0 : i32
    %dma_wait3A_86 = tpu.memref_slice %arg11[%add3A_82, %dma_wait3A_85] : memref<10240x128xf32, #tpu.memory_space<vmem_shared>> -> memref<128x128xf32, #tpu.memory_space<vmem_shared>>
    tpu.wait_dma2 semaphore(%arg14 : memref<!tpu.dma_semaphore, #tpu.memory_space<semaphore_mem>>) src(%arg10 : memref<128x128xf32, #tpu.memory_space<vmem>>) dst(%dma_wait3A_86 : memref<128x128xf32, #tpu.memory_space<vmem_shared>>)
    %mul3A_87 = arith.constant 640 : i32
    %mul3A_88 = arith.muli %arg1, %mul3A_87 : i32
    %add3A_89 = arith.constant 512 : i32
    %add3A_90 = arith.addi %mul3A_88, %add3A_89 : i32
    %dma_wait3A_91 = arith.constant 0 : i32
    %dma_wait3A_92 = tpu.memref_slice %arg11[%add3A_90, %dma_wait3A_91] : memref<10240x128xf32, #tpu.memory_space<vmem_shared>> -> memref<128x128xf32, #tpu.memory_space<vmem_shared>>
    %dma_wait3A_93 = arith.constant 0 : i32
    %dma_wait3A_94 = tpu.memref_slice %arg11[%add3A_90, %dma_wait3A_93] : memref<10240x128xf32, #tpu.memory_space<vmem_shared>> -> memref<128x128xf32, #tpu.memory_space<vmem_shared>>
    tpu.wait_dma2 semaphore(%arg14 : memref<!tpu.dma_semaphore, #tpu.memory_space<semaphore_mem>>) src(%arg10 : memref<128x128xf32, #tpu.memory_space<vmem>>) dst(%dma_wait3A_94 : memref<128x128xf32, #tpu.memory_space<vmem_shared>>)
    %dma_wait3A_95 = tpu.memref_slice %arg2[%multiple_of3A] : memref<327680xi32, #tpu.memory_space<hbm>> -> memref<10240xi32, #tpu.memory_space<hbm>>
    %dma_wait3A_96 = tpu.memref_slice %arg2[%multiple_of3A] : memref<327680xi32, #tpu.memory_space<hbm>> -> memref<10240xi32, #tpu.memory_space<hbm>>
    tpu.wait_dma2 semaphore(%arg12 : memref<!tpu.dma_semaphore, #tpu.memory_space<semaphore_mem>>) src(%dma_wait3A_96 : memref<10240xi32, #tpu.memory_space<hbm>>) dst(%arg7 : memref<10240xi32, #tpu.memory_space<vmem>>)
    %mul3A_97 = arith.constant 80 : i32
    %mul3A_98 = arith.muli %add3A, %mul3A_97 : i32
    %dma_wait3A_99 = arith.constant 0 : i32
    %dma_wait3A_100 = tpu.memref_slice %arg3[%mul3A_98, %dma_wait3A_99] : memref<2560x128xi32, #tpu.memory_space<hbm>> -> memref<40x128xi32, #tpu.memory_space<hbm>>
    %dma_wait3A_101 = arith.constant 0 : i32
    %dma_wait3A_102 = tpu.memref_slice %arg3[%mul3A_98, %dma_wait3A_101] : memref<2560x128xi32, #tpu.memory_space<hbm>> -> memref<40x128xi32, #tpu.memory_space<hbm>>
    tpu.wait_dma2 semaphore(%arg13 : memref<!tpu.dma_semaphore, #tpu.memory_space<semaphore_mem>>) src(%dma_wait3A_102 : memref<40x128xi32, #tpu.memory_space<hbm>>) dst(%arg8 : memref<40x128xi32, #tpu.memory_space<vmem>>)
    %barrier3A = arith.constant 0 : index
    tpu.barrier barrier_id(%barrier3A)
    %multiple_of3A_103 = arith.constant 0 : i32
    %multiple_of3A_104 = tpu.assume_multiple %multiple_of3A_103, 8 : i32
    %dma_start3A_105 = tpu.memref_slice %arg7[%multiple_of3A_104] : memref<10240xi32, #tpu.memory_space<vmem>> -> memref<128xi32, #tpu.memory_space<vmem>>
    %dma_start3A_106 = arith.constant 0 : i32
    %dma_start3A_107 = arith.constant 0 : i32
    %dma_start3A_108 = tpu.memref_slice %arg4[%dma_start3A_106, %dma_start3A_107] : memref<10000x128xf32, #tpu.memory_space<hbm>> -> memref<10000x128xf32, #tpu.memory_space<hbm>>
    tpu.enqueue_indirect_dma source(%dma_start3A_108 : memref<10000x128xf32, #tpu.memory_space<hbm>>) target(%arg9 : memref<128x128xf32, #tpu.memory_space<vmem>>) offsets(%dma_start3A_105 : memref<128xi32, #tpu.memory_space<vmem>>) semaphore(%arg12 : memref<!tpu.dma_semaphore, #tpu.memory_space<semaphore_mem>>)
    %scan3A_109 = arith.constant 0 : i32
    %scan3A_110 = arith.constant 0 : i32
    %scan3A_111 = arith.constant 40 : i32
    %scan3A_112 = arith.addi %scan3A_110, %scan3A_111 : i32
    %scan3A_113 = arith.constant 1 : i32
    scf.for %scan3A_123 = %scan3A_110 to %scan3A_112 step %scan3A_113  : i32 {
      %mul3A_124 = arith.constant 2 : i32
      %mul3A_125 = arith.muli %mul3A_124, %scan3A_123 : i32
      %rem3A = arith.constant 40 : i32
      %rem3A_126 = arith.remsi %mul3A_125, %rem3A : i32
      %eq3A_127 = arith.constant 40 : i32
      %eq3A_128 = arith.cmpi eq, %mul3A_125, %eq3A_127 : i32
      %convert_element_type3A_129 = arith.extui %eq3A_128 : i1 to i32
      %cond3A_130 = arith.constant 0 : i32
      %cond3A_131 = arith.cmpi ne, %convert_element_type3A_129, %cond3A_130 : i32
      scf.if %cond3A_131 {
        %mul3A_163 = arith.constant 80 : i32
        %mul3A_164 = arith.muli %add3A, %mul3A_163 : i32
        %add3A_165 = arith.constant 40 : i32
        %add3A_166 = arith.addi %mul3A_164, %add3A_165 : i32
        "tpu.region"() ({
          %run_scoped3A = tpu.sem_alloc : memref<!tpu.dma_semaphore, #tpu.memory_space<semaphore_mem>>
          %dma_start3A_167 = arith.constant 0 : i32
          %dma_start3A_168 = tpu.memref_slice %arg3[%add3A_166, %dma_start3A_167] : memref<2560x128xi32, #tpu.memory_space<hbm>> -> memref<40x128xi32, #tpu.memory_space<hbm>>
          %dma_start3A_169 = arith.constant 0 : i32
          %dma_start3A_170 = tpu.memref_slice %arg3[%add3A_166, %dma_start3A_169] : memref<2560x128xi32, #tpu.memory_space<hbm>> -> memref<40x128xi32, #tpu.memory_space<hbm>>
          tpu.enqueue_dma source(%dma_start3A_170 : memref<40x128xi32, #tpu.memory_space<hbm>>) target(%arg8 : memref<40x128xi32, #tpu.memory_space<vmem>>) target_semaphore(%run_scoped3A : memref<!tpu.dma_semaphore, #tpu.memory_space<semaphore_mem>>)
          %dma_wait3A_171 = arith.constant 0 : i32
          %dma_wait3A_172 = tpu.memref_slice %arg3[%add3A_166, %dma_wait3A_171] : memref<2560x128xi32, #tpu.memory_space<hbm>> -> memref<40x128xi32, #tpu.memory_space<hbm>>
          %dma_wait3A_173 = arith.constant 0 : i32
          %dma_wait3A_174 = tpu.memref_slice %arg3[%add3A_166, %dma_wait3A_173] : memref<2560x128xi32, #tpu.memory_space<hbm>> -> memref<40x128xi32, #tpu.memory_space<hbm>>
          tpu.wait_dma2 semaphore(%run_scoped3A : memref<!tpu.dma_semaphore, #tpu.memory_space<semaphore_mem>>) src(%dma_wait3A_174 : memref<40x128xi32, #tpu.memory_space<hbm>>) dst(%arg8 : memref<40x128xi32, #tpu.memory_space<vmem>>)
          tpu.yield
        }) : () -> ()
      } else {
      }
      %add3A_132 = arith.constant 1 : i32
      %add3A_133 = arith.addi %mul3A_125, %add3A_132 : i32
      %mul3A_134 = arith.constant 128 : i32
      %mul3A_135 = arith.muli %add3A_133, %mul3A_134 : i32
      %multiple_of3A_136 = tpu.assume_multiple %mul3A_135, 8 : i32
      %dma_start3A_137 = tpu.memref_slice %arg7[%multiple_of3A_136] : memref<10240xi32, #tpu.memory_space<vmem>> -> memref<128xi32, #tpu.memory_space<vmem>>
      %dma_start3A_138 = arith.constant 0 : i32
      %dma_start3A_139 = arith.constant 0 : i32
      %dma_start3A_140 = tpu.memref_slice %arg4[%dma_start3A_138, %dma_start3A_139] : memref<10000x128xf32, #tpu.memory_space<hbm>> -> memref<10000x128xf32, #tpu.memory_space<hbm>>
      tpu.enqueue_indirect_dma source(%dma_start3A_140 : memref<10000x128xf32, #tpu.memory_space<hbm>>) target(%arg10 : memref<128x128xf32, #tpu.memory_space<vmem>>) offsets(%dma_start3A_137 : memref<128xi32, #tpu.memory_space<vmem>>) semaphore(%arg13 : memref<!tpu.dma_semaphore, #tpu.memory_space<semaphore_mem>>)
      %mul3A_141 = arith.constant 128 : i32
      %mul3A_142 = arith.muli %mul3A_125, %mul3A_141 : i32
      %multiple_of3A_143 = tpu.assume_multiple %mul3A_142, 8 : i32
      %dma_wait3A_144 = tpu.memref_slice %arg7[%multiple_of3A_143] : memref<10240xi32, #tpu.memory_space<vmem>> -> memref<128xi32, #tpu.memory_space<vmem>>
      %dma_wait3A_145 = arith.constant 0 : i32
      %dma_wait3A_146 = arith.constant 0 : i32
      %dma_wait3A_147 = tpu.memref_slice %arg4[%dma_wait3A_145, %dma_wait3A_146] : memref<10000x128xf32, #tpu.memory_space<hbm>> -> memref<10000x128xf32, #tpu.memory_space<hbm>>
      tpu.wait_indirect_dma semaphore(%arg12 : memref<!tpu.dma_semaphore, #tpu.memory_space<semaphore_mem>>) src(%dma_wait3A_147 : memref<10000x128xf32, #tpu.memory_space<hbm>>) dst(%arg9 : memref<128x128xf32, #tpu.memory_space<vmem>>)
      "tpu.region"() ({
        %run_scoped3A = tpu.sem_alloc : memref<!tpu.dma_semaphore, #tpu.memory_space<semaphore_mem>>
        %dma_start3A_163 = arith.constant 0 : i32
        %dma_start3A_164 = tpu.memref_slice %arg8[%rem3A_126, %dma_start3A_163] : memref<40x128xi32, #tpu.memory_space<vmem>> -> memref<1x128xi32, #tpu.memory_space<vmem>>
        %dma_start3A_165 = tpu.memref_squeeze %dma_start3A_164 : memref<1x128xi32, #tpu.memory_space<vmem>> -> memref<128xi32, #tpu.memory_space<vmem>>
        %dma_start3A_166 = arith.constant 0 : i32
        %dma_start3A_167 = arith.constant 0 : i32
        %dma_start3A_168 = tpu.memref_slice %arg11[%dma_start3A_166, %dma_start3A_167] : memref<10240x128xf32, #tpu.memory_space<vmem_shared>> -> memref<10240x128xf32, #tpu.memory_space<vmem_shared>>
        tpu.enqueue_indirect_dma source(%arg9 : memref<128x128xf32, #tpu.memory_space<vmem>>) target(%dma_start3A_168 : memref<10240x128xf32, #tpu.memory_space<vmem_shared>>) offsets(%dma_start3A_165 : memref<128xi32, #tpu.memory_space<vmem>>) semaphore(%run_scoped3A : memref<!tpu.dma_semaphore, #tpu.memory_space<semaphore_mem>>) {add = true}
        %dma_wait3A_169 = arith.constant 0 : i32
        %dma_wait3A_170 = tpu.memref_slice %arg8[%rem3A_126, %dma_wait3A_169] : memref<40x128xi32, #tpu.memory_space<vmem>> -> memref<1x128xi32, #tpu.memory_space<vmem>>
        %dma_wait3A_171 = tpu.memref_squeeze %dma_wait3A_170 : memref<1x128xi32, #tpu.memory_space<vmem>> -> memref<128xi32, #tpu.memory_space<vmem>>
        %dma_wait3A_172 = arith.constant 0 : i32
        %dma_wait3A_173 = arith.constant 0 : i32
        %dma_wait3A_174 = tpu.memref_slice %arg11[%dma_wait3A_172, %dma_wait3A_173] : memref<10240x128xf32, #tpu.memory_space<vmem_shared>> -> memref<10240x128xf32, #tpu.memory_space<vmem_shared>>
        tpu.wait_indirect_dma semaphore(%run_scoped3A : memref<!tpu.dma_semaphore, #tpu.memory_space<semaphore_mem>>) src(%arg9 : memref<128x128xf32, #tpu.memory_space<vmem>>) dst(%dma_wait3A_174 : memref<10240x128xf32, #tpu.memory_space<vmem_shared>>)
        tpu.yield
      }) : () -> ()
      %lt3A = arith.constant 39 : i32
      %lt3A_148 = arith.cmpi slt, %scan3A_123, %lt3A : i32
      %convert_element_type3A_149 = arith.extui %lt3A_148 : i1 to i32
      %cond3A_150 = arith.constant 0 : i32
      %cond3A_151 = arith.cmpi ne, %convert_element_type3A_149, %cond3A_150 : i32
      scf.if %cond3A_151 {
        %add3A_163 = arith.constant 2 : i32
        %add3A_164 = arith.addi %mul3A_125, %add3A_163 : i32
        %mul3A_165 = arith.constant 128 : i32
        %mul3A_166 = arith.muli %add3A_164, %mul3A_165 : i32
        %multiple_of3A_167 = tpu.assume_multiple %mul3A_166, 8 : i32
        %dma_start3A_168 = tpu.memref_slice %arg7[%multiple_of3A_167] : memref<10240xi32, #tpu.memory_space<vmem>> -> memref<128xi32, #tpu.memory_space<vmem>>
        %dma_start3A_169 = arith.constant 0 : i32
        %dma_start3A_170 = arith.constant 0 : i32
        %dma_start3A_171 = tpu.memref_slice %arg4[%dma_start3A_169, %dma_start3A_170] : memref<10000x128xf32, #tpu.memory_space<hbm>> -> memref<10000x128xf32, #tpu.memory_space<hbm>>
        tpu.enqueue_indirect_dma source(%dma_start3A_171 : memref<10000x128xf32, #tpu.memory_space<hbm>>) target(%arg9 : memref<128x128xf32, #tpu.memory_space<vmem>>) offsets(%dma_start3A_168 : memref<128xi32, #tpu.memory_space<vmem>>) semaphore(%arg12 : memref<!tpu.dma_semaphore, #tpu.memory_space<semaphore_mem>>)
      } else {
      }
      %add3A_152 = arith.constant 1 : i32
      %add3A_153 = arith.addi %mul3A_125, %add3A_152 : i32
      %mul3A_154 = arith.constant 128 : i32
      %mul3A_155 = arith.muli %add3A_153, %mul3A_154 : i32
      %multiple_of3A_156 = tpu.assume_multiple %mul3A_155, 8 : i32
      %dma_wait3A_157 = tpu.memref_slice %arg7[%multiple_of3A_156] : memref<10240xi32, #tpu.memory_space<vmem>> -> memref<128xi32, #tpu.memory_space<vmem>>
      %dma_wait3A_158 = arith.constant 0 : i32
      %dma_wait3A_159 = arith.constant 0 : i32
      %dma_wait3A_160 = tpu.memref_slice %arg4[%dma_wait3A_158, %dma_wait3A_159] : memref<10000x128xf32, #tpu.memory_space<hbm>> -> memref<10000x128xf32, #tpu.memory_space<hbm>>
      tpu.wait_indirect_dma semaphore(%arg13 : memref<!tpu.dma_semaphore, #tpu.memory_space<semaphore_mem>>) src(%dma_wait3A_160 : memref<10000x128xf32, #tpu.memory_space<hbm>>) dst(%arg10 : memref<128x128xf32, #tpu.memory_space<vmem>>)
      %add3A_161 = arith.constant 1 : i32
      %add3A_162 = arith.addi %rem3A_126, %add3A_161 : i32
      "tpu.region"() ({
        %run_scoped3A = tpu.sem_alloc : memref<!tpu.dma_semaphore, #tpu.memory_space<semaphore_mem>>
        %dma_start3A_163 = arith.constant 0 : i32
        %dma_start3A_164 = tpu.memref_slice %arg8[%add3A_162, %dma_start3A_163] : memref<40x128xi32, #tpu.memory_space<vmem>> -> memref<1x128xi32, #tpu.memory_space<vmem>>
        %dma_start3A_165 = tpu.memref_squeeze %dma_start3A_164 : memref<1x128xi32, #tpu.memory_space<vmem>> -> memref<128xi32, #tpu.memory_space<vmem>>
        %dma_start3A_166 = arith.constant 0 : i32
        %dma_start3A_167 = arith.constant 0 : i32
        %dma_start3A_168 = tpu.memref_slice %arg11[%dma_start3A_166, %dma_start3A_167] : memref<10240x128xf32, #tpu.memory_space<vmem_shared>> -> memref<10240x128xf32, #tpu.memory_space<vmem_shared>>
        tpu.enqueue_indirect_dma source(%arg10 : memref<128x128xf32, #tpu.memory_space<vmem>>) target(%dma_start3A_168 : memref<10240x128xf32, #tpu.memory_space<vmem_shared>>) offsets(%dma_start3A_165 : memref<128xi32, #tpu.memory_space<vmem>>) semaphore(%run_scoped3A : memref<!tpu.dma_semaphore, #tpu.memory_space<semaphore_mem>>) {add = true}
        %dma_wait3A_169 = arith.constant 0 : i32
        %dma_wait3A_170 = tpu.memref_slice %arg8[%add3A_162, %dma_wait3A_169] : memref<40x128xi32, #tpu.memory_space<vmem>> -> memref<1x128xi32, #tpu.memory_space<vmem>>
        %dma_wait3A_171 = tpu.memref_squeeze %dma_wait3A_170 : memref<1x128xi32, #tpu.memory_space<vmem>> -> memref<128xi32, #tpu.memory_space<vmem>>
        %dma_wait3A_172 = arith.constant 0 : i32
        %dma_wait3A_173 = arith.constant 0 : i32
        %dma_wait3A_174 = tpu.memref_slice %arg11[%dma_wait3A_172, %dma_wait3A_173] : memref<10240x128xf32, #tpu.memory_space<vmem_shared>> -> memref<10240x128xf32, #tpu.memory_space<vmem_shared>>
        tpu.wait_indirect_dma semaphore(%run_scoped3A : memref<!tpu.dma_semaphore, #tpu.memory_space<semaphore_mem>>) src(%arg10 : memref<128x128xf32, #tpu.memory_space<vmem>>) dst(%dma_wait3A_174 : memref<10240x128xf32, #tpu.memory_space<vmem_shared>>)
        tpu.yield
      }) : () -> ()
    }
    %scan3A_114 = arith.constant 40 : i32
    %barrier3A_115 = arith.constant 0 : index
    tpu.barrier barrier_id(%barrier3A_115)
    %eq3A = arith.constant 0 : i32
    %eq3A_116 = arith.cmpi eq, %arg0, %eq3A : i32
    %convert_element_type3A = arith.extui %eq3A_116 : i1 to i32
    %cond3A = arith.constant 0 : i32
    %cond3A_117 = arith.cmpi ne, %convert_element_type3A, %cond3A : i32
    scf.if %cond3A_117 {
      %mul3A_123 = arith.constant 640 : i32
      %mul3A_124 = arith.muli %arg1, %mul3A_123 : i32
      %add3A_125 = arith.constant 0 : i32
      %add3A_126 = arith.addi %mul3A_124, %add3A_125 : i32
      "tpu.region"() ({
        %run_scoped3A = tpu.sem_alloc : memref<!tpu.dma_semaphore, #tpu.memory_space<semaphore_mem>>
        %dma_start3A_203 = arith.constant 0 : i32
        %dma_start3A_204 = tpu.memref_slice %arg11[%add3A_126, %dma_start3A_203] : memref<10240x128xf32, #tpu.memory_space<vmem_shared>> -> memref<128x128xf32, #tpu.memory_space<vmem_shared>>
        %dma_start3A_205 = arith.constant 0 : i32
        %dma_start3A_206 = tpu.memref_slice %arg11[%add3A_126, %dma_start3A_205] : memref<10240x128xf32, #tpu.memory_space<vmem_shared>> -> memref<128x128xf32, #tpu.memory_space<vmem_shared>>
        tpu.enqueue_dma source(%dma_start3A_206 : memref<128x128xf32, #tpu.memory_space<vmem_shared>>) target(%arg9 : memref<128x128xf32, #tpu.memory_space<vmem>>) target_semaphore(%run_scoped3A : memref<!tpu.dma_semaphore, #tpu.memory_space<semaphore_mem>>)
        %dma_wait3A_207 = arith.constant 0 : i32
        %dma_wait3A_208 = tpu.memref_slice %arg11[%add3A_126, %dma_wait3A_207] : memref<10240x128xf32, #tpu.memory_space<vmem_shared>> -> memref<128x128xf32, #tpu.memory_space<vmem_shared>>
        %dma_wait3A_209 = arith.constant 0 : i32
        %dma_wait3A_210 = tpu.memref_slice %arg11[%add3A_126, %dma_wait3A_209] : memref<10240x128xf32, #tpu.memory_space<vmem_shared>> -> memref<128x128xf32, #tpu.memory_space<vmem_shared>>
        tpu.wait_dma2 semaphore(%run_scoped3A : memref<!tpu.dma_semaphore, #tpu.memory_space<semaphore_mem>>) src(%dma_wait3A_210 : memref<128x128xf32, #tpu.memory_space<vmem_shared>>) dst(%arg9 : memref<128x128xf32, #tpu.memory_space<vmem>>)
        tpu.yield
      }) : () -> ()
      %dma_start3A_127 = arith.constant 0 : i32
      %dma_start3A_128 = tpu.memref_slice %arg5[%add3A_126, %dma_start3A_127] : memref<10240x128xf32, #tpu.memory_space<hbm>> -> memref<128x128xf32, #tpu.memory_space<hbm>>
      %dma_start3A_129 = arith.constant 0 : i32
      %dma_start3A_130 = tpu.memref_slice %arg5[%add3A_126, %dma_start3A_129] : memref<10240x128xf32, #tpu.memory_space<hbm>> -> memref<128x128xf32, #tpu.memory_space<hbm>>
      tpu.enqueue_dma source(%arg9 : memref<128x128xf32, #tpu.memory_space<vmem>>) target(%dma_start3A_130 : memref<128x128xf32, #tpu.memory_space<hbm>>) target_semaphore(%arg14 : memref<!tpu.dma_semaphore, #tpu.memory_space<semaphore_mem>>)
      %mul3A_131 = arith.constant 640 : i32
      %mul3A_132 = arith.muli %arg1, %mul3A_131 : i32
      %add3A_133 = arith.constant 128 : i32
      %add3A_134 = arith.addi %mul3A_132, %add3A_133 : i32
      "tpu.region"() ({
        %run_scoped3A = tpu.sem_alloc : memref<!tpu.dma_semaphore, #tpu.memory_space<semaphore_mem>>
        %dma_start3A_203 = arith.constant 0 : i32
        %dma_start3A_204 = tpu.memref_slice %arg11[%add3A_134, %dma_start3A_203] : memref<10240x128xf32, #tpu.memory_space<vmem_shared>> -> memref<128x128xf32, #tpu.memory_space<vmem_shared>>
        %dma_start3A_205 = arith.constant 0 : i32
        %dma_start3A_206 = tpu.memref_slice %arg11[%add3A_134, %dma_start3A_205] : memref<10240x128xf32, #tpu.memory_space<vmem_shared>> -> memref<128x128xf32, #tpu.memory_space<vmem_shared>>
        tpu.enqueue_dma source(%dma_start3A_206 : memref<128x128xf32, #tpu.memory_space<vmem_shared>>) target(%arg10 : memref<128x128xf32, #tpu.memory_space<vmem>>) target_semaphore(%run_scoped3A : memref<!tpu.dma_semaphore, #tpu.memory_space<semaphore_mem>>)
        %dma_wait3A_207 = arith.constant 0 : i32
        %dma_wait3A_208 = tpu.memref_slice %arg11[%add3A_134, %dma_wait3A_207] : memref<10240x128xf32, #tpu.memory_space<vmem_shared>> -> memref<128x128xf32, #tpu.memory_space<vmem_shared>>
        %dma_wait3A_209 = arith.constant 0 : i32
        %dma_wait3A_210 = tpu.memref_slice %arg11[%add3A_134, %dma_wait3A_209] : memref<10240x128xf32, #tpu.memory_space<vmem_shared>> -> memref<128x128xf32, #tpu.memory_space<vmem_shared>>
        tpu.wait_dma2 semaphore(%run_scoped3A : memref<!tpu.dma_semaphore, #tpu.memory_space<semaphore_mem>>) src(%dma_wait3A_210 : memref<128x128xf32, #tpu.memory_space<vmem_shared>>) dst(%arg10 : memref<128x128xf32, #tpu.memory_space<vmem>>)
        tpu.yield
      }) : () -> ()
      %dma_start3A_135 = arith.constant 0 : i32
      %dma_start3A_136 = tpu.memref_slice %arg5[%add3A_134, %dma_start3A_135] : memref<10240x128xf32, #tpu.memory_space<hbm>> -> memref<128x128xf32, #tpu.memory_space<hbm>>
      %dma_start3A_137 = arith.constant 0 : i32
      %dma_start3A_138 = tpu.memref_slice %arg5[%add3A_134, %dma_start3A_137] : memref<10240x128xf32, #tpu.memory_space<hbm>> -> memref<128x128xf32, #tpu.memory_space<hbm>>
      tpu.enqueue_dma source(%arg10 : memref<128x128xf32, #tpu.memory_space<vmem>>) target(%dma_start3A_138 : memref<128x128xf32, #tpu.memory_space<hbm>>) target_semaphore(%arg14 : memref<!tpu.dma_semaphore, #tpu.memory_space<semaphore_mem>>)
      %mul3A_139 = arith.constant 640 : i32
      %mul3A_140 = arith.muli %arg1, %mul3A_139 : i32
      %add3A_141 = arith.constant 256 : i32
      %add3A_142 = arith.addi %mul3A_140, %add3A_141 : i32
      %mul3A_143 = arith.constant 640 : i32
      %mul3A_144 = arith.muli %arg1, %mul3A_143 : i32
      %add3A_145 = arith.constant 0 : i32
      %add3A_146 = arith.addi %mul3A_144, %add3A_145 : i32
      %dma_wait3A_147 = arith.constant 0 : i32
      %dma_wait3A_148 = tpu.memref_slice %arg5[%add3A_146, %dma_wait3A_147] : memref<10240x128xf32, #tpu.memory_space<hbm>> -> memref<128x128xf32, #tpu.memory_space<hbm>>
      %dma_wait3A_149 = arith.constant 0 : i32
      %dma_wait3A_150 = tpu.memref_slice %arg5[%add3A_146, %dma_wait3A_149] : memref<10240x128xf32, #tpu.memory_space<hbm>> -> memref<128x128xf32, #tpu.memory_space<hbm>>
      tpu.wait_dma2 semaphore(%arg14 : memref<!tpu.dma_semaphore, #tpu.memory_space<semaphore_mem>>) src(%arg9 : memref<128x128xf32, #tpu.memory_space<vmem>>) dst(%dma_wait3A_150 : memref<128x128xf32, #tpu.memory_space<hbm>>)
      "tpu.region"() ({
        %run_scoped3A = tpu.sem_alloc : memref<!tpu.dma_semaphore, #tpu.memory_space<semaphore_mem>>
        %dma_start3A_203 = arith.constant 0 : i32
        %dma_start3A_204 = tpu.memref_slice %arg11[%add3A_142, %dma_start3A_203] : memref<10240x128xf32, #tpu.memory_space<vmem_shared>> -> memref<128x128xf32, #tpu.memory_space<vmem_shared>>
        %dma_start3A_205 = arith.constant 0 : i32
        %dma_start3A_206 = tpu.memref_slice %arg11[%add3A_142, %dma_start3A_205] : memref<10240x128xf32, #tpu.memory_space<vmem_shared>> -> memref<128x128xf32, #tpu.memory_space<vmem_shared>>
        tpu.enqueue_dma source(%dma_start3A_206 : memref<128x128xf32, #tpu.memory_space<vmem_shared>>) target(%arg9 : memref<128x128xf32, #tpu.memory_space<vmem>>) target_semaphore(%run_scoped3A : memref<!tpu.dma_semaphore, #tpu.memory_space<semaphore_mem>>)
        %dma_wait3A_207 = arith.constant 0 : i32
        %dma_wait3A_208 = tpu.memref_slice %arg11[%add3A_142, %dma_wait3A_207] : memref<10240x128xf32, #tpu.memory_space<vmem_shared>> -> memref<128x128xf32, #tpu.memory_space<vmem_shared>>
        %dma_wait3A_209 = arith.constant 0 : i32
        %dma_wait3A_210 = tpu.memref_slice %arg11[%add3A_142, %dma_wait3A_209] : memref<10240x128xf32, #tpu.memory_space<vmem_shared>> -> memref<128x128xf32, #tpu.memory_space<vmem_shared>>
        tpu.wait_dma2 semaphore(%run_scoped3A : memref<!tpu.dma_semaphore, #tpu.memory_space<semaphore_mem>>) src(%dma_wait3A_210 : memref<128x128xf32, #tpu.memory_space<vmem_shared>>) dst(%arg9 : memref<128x128xf32, #tpu.memory_space<vmem>>)
        tpu.yield
      }) : () -> ()
      %dma_start3A_151 = arith.constant 0 : i32
      %dma_start3A_152 = tpu.memref_slice %arg5[%add3A_142, %dma_start3A_151] : memref<10240x128xf32, #tpu.memory_space<hbm>> -> memref<128x128xf32, #tpu.memory_space<hbm>>
      %dma_start3A_153 = arith.constant 0 : i32
      %dma_start3A_154 = tpu.memref_slice %arg5[%add3A_142, %dma_start3A_153] : memref<10240x128xf32, #tpu.memory_space<hbm>> -> memref<128x128xf32, #tpu.memory_space<hbm>>
      tpu.enqueue_dma source(%arg9 : memref<128x128xf32, #tpu.memory_space<vmem>>) target(%dma_start3A_154 : memref<128x128xf32, #tpu.memory_space<hbm>>) target_semaphore(%arg14 : memref<!tpu.dma_semaphore, #tpu.memory_space<semaphore_mem>>)
      %mul3A_155 = arith.constant 640 : i32
      %mul3A_156 = arith.muli %arg1, %mul3A_155 : i32
      %add3A_157 = arith.constant 384 : i32
      %add3A_158 = arith.addi %mul3A_156, %add3A_157 : i32
      %mul3A_159 = arith.constant 640 : i32
      %mul3A_160 = arith.muli %arg1, %mul3A_159 : i32
      %add3A_161 = arith.constant 128 : i32
      %add3A_162 = arith.addi %mul3A_160, %add3A_161 : i32
      %dma_wait3A_163 = arith.constant 0 : i32
      %dma_wait3A_164 = tpu.memref_slice %arg5[%add3A_162, %dma_wait3A_163] : memref<10240x128xf32, #tpu.memory_space<hbm>> -> memref<128x128xf32, #tpu.memory_space<hbm>>
      %dma_wait3A_165 = arith.constant 0 : i32
      %dma_wait3A_166 = tpu.memref_slice %arg5[%add3A_162, %dma_wait3A_165] : memref<10240x128xf32, #tpu.memory_space<hbm>> -> memref<128x128xf32, #tpu.memory_space<hbm>>
      tpu.wait_dma2 semaphore(%arg14 : memref<!tpu.dma_semaphore, #tpu.memory_space<semaphore_mem>>) src(%arg10 : memref<128x128xf32, #tpu.memory_space<vmem>>) dst(%dma_wait3A_166 : memref<128x128xf32, #tpu.memory_space<hbm>>)
      "tpu.region"() ({
        %run_scoped3A = tpu.sem_alloc : memref<!tpu.dma_semaphore, #tpu.memory_space<semaphore_mem>>
        %dma_start3A_203 = arith.constant 0 : i32
        %dma_start3A_204 = tpu.memref_slice %arg11[%add3A_158, %dma_start3A_203] : memref<10240x128xf32, #tpu.memory_space<vmem_shared>> -> memref<128x128xf32, #tpu.memory_space<vmem_shared>>
        %dma_start3A_205 = arith.constant 0 : i32
        %dma_start3A_206 = tpu.memref_slice %arg11[%add3A_158, %dma_start3A_205] : memref<10240x128xf32, #tpu.memory_space<vmem_shared>> -> memref<128x128xf32, #tpu.memory_space<vmem_shared>>
        tpu.enqueue_dma source(%dma_start3A_206 : memref<128x128xf32, #tpu.memory_space<vmem_shared>>) target(%arg10 : memref<128x128xf32, #tpu.memory_space<vmem>>) target_semaphore(%run_scoped3A : memref<!tpu.dma_semaphore, #tpu.memory_space<semaphore_mem>>)
        %dma_wait3A_207 = arith.constant 0 : i32
        %dma_wait3A_208 = tpu.memref_slice %arg11[%add3A_158, %dma_wait3A_207] : memref<10240x128xf32, #tpu.memory_space<vmem_shared>> -> memref<128x128xf32, #tpu.memory_space<vmem_shared>>
        %dma_wait3A_209 = arith.constant 0 : i32
        %dma_wait3A_210 = tpu.memref_slice %arg11[%add3A_158, %dma_wait3A_209] : memref<10240x128xf32, #tpu.memory_space<vmem_shared>> -> memref<128x128xf32, #tpu.memory_space<vmem_shared>>
        tpu.wait_dma2 semaphore(%run_scoped3A : memref<!tpu.dma_semaphore, #tpu.memory_space<semaphore_mem>>) src(%dma_wait3A_210 : memref<128x128xf32, #tpu.memory_space<vmem_shared>>) dst(%arg10 : memref<128x128xf32, #tpu.memory_space<vmem>>)
        tpu.yield
      }) : () -> ()
      %dma_start3A_167 = arith.constant 0 : i32
      %dma_start3A_168 = tpu.memref_slice %arg5[%add3A_158, %dma_start3A_167] : memref<10240x128xf32, #tpu.memory_space<hbm>> -> memref<128x128xf32, #tpu.memory_space<hbm>>
      %dma_start3A_169 = arith.constant 0 : i32
      %dma_start3A_170 = tpu.memref_slice %arg5[%add3A_158, %dma_start3A_169] : memref<10240x128xf32, #tpu.memory_space<hbm>> -> memref<128x128xf32, #tpu.memory_space<hbm>>
      tpu.enqueue_dma source(%arg10 : memref<128x128xf32, #tpu.memory_space<vmem>>) target(%dma_start3A_170 : memref<128x128xf32, #tpu.memory_space<hbm>>) target_semaphore(%arg14 : memref<!tpu.dma_semaphore, #tpu.memory_space<semaphore_mem>>)
      %mul3A_171 = arith.constant 640 : i32
      %mul3A_172 = arith.muli %arg1, %mul3A_171 : i32
      %add3A_173 = arith.constant 512 : i32
      %add3A_174 = arith.addi %mul3A_172, %add3A_173 : i32
      %mul3A_175 = arith.constant 640 : i32
      %mul3A_176 = arith.muli %arg1, %mul3A_175 : i32
      %add3A_177 = arith.constant 256 : i32
      %add3A_178 = arith.addi %mul3A_176, %add3A_177 : i32
      %dma_wait3A_179 = arith.constant 0 : i32
      %dma_wait3A_180 = tpu.memref_slice %arg5[%add3A_178, %dma_wait3A_179] : memref<10240x128xf32, #tpu.memory_space<hbm>> -> memref<128x128xf32, #tpu.memory_space<hbm>>
      %dma_wait3A_181 = arith.constant 0 : i32
      %dma_wait3A_182 = tpu.memref_slice %arg5[%add3A_178, %dma_wait3A_181] : memref<10240x128xf32, #tpu.memory_space<hbm>> -> memref<128x128xf32, #tpu.memory_space<hbm>>
      tpu.wait_dma2 semaphore(%arg14 : memref<!tpu.dma_semaphore, #tpu.memory_space<semaphore_mem>>) src(%arg9 : memref<128x128xf32, #tpu.memory_space<vmem>>) dst(%dma_wait3A_182 : memref<128x128xf32, #tpu.memory_space<hbm>>)
      "tpu.region"() ({
        %run_scoped3A = tpu.sem_alloc : memref<!tpu.dma_semaphore, #tpu.memory_space<semaphore_mem>>
        %dma_start3A_203 = arith.constant 0 : i32
        %dma_start3A_204 = tpu.memref_slice %arg11[%add3A_174, %dma_start3A_203] : memref<10240x128xf32, #tpu.memory_space<vmem_shared>> -> memref<128x128xf32, #tpu.memory_space<vmem_shared>>
        %dma_start3A_205 = arith.constant 0 : i32
        %dma_start3A_206 = tpu.memref_slice %arg11[%add3A_174, %dma_start3A_205] : memref<10240x128xf32, #tpu.memory_space<vmem_shared>> -> memref<128x128xf32, #tpu.memory_space<vmem_shared>>
        tpu.enqueue_dma source(%dma_start3A_206 : memref<128x128xf32, #tpu.memory_space<vmem_shared>>) target(%arg9 : memref<128x128xf32, #tpu.memory_space<vmem>>) target_semaphore(%run_scoped3A : memref<!tpu.dma_semaphore, #tpu.memory_space<semaphore_mem>>)
        %dma_wait3A_207 = arith.constant 0 : i32
        %dma_wait3A_208 = tpu.memref_slice %arg11[%add3A_174, %dma_wait3A_207] : memref<10240x128xf32, #tpu.memory_space<vmem_shared>> -> memref<128x128xf32, #tpu.memory_space<vmem_shared>>
        %dma_wait3A_209 = arith.constant 0 : i32
        %dma_wait3A_210 = tpu.memref_slice %arg11[%add3A_174, %dma_wait3A_209] : memref<10240x128xf32, #tpu.memory_space<vmem_shared>> -> memref<128x128xf32, #tpu.memory_space<vmem_shared>>
        tpu.wait_dma2 semaphore(%run_scoped3A : memref<!tpu.dma_semaphore, #tpu.memory_space<semaphore_mem>>) src(%dma_wait3A_210 : memref<128x128xf32, #tpu.memory_space<vmem_shared>>) dst(%arg9 : memref<128x128xf32, #tpu.memory_space<vmem>>)
        tpu.yield
      }) : () -> ()
      %dma_start3A_183 = arith.constant 0 : i32
      %dma_start3A_184 = tpu.memref_slice %arg5[%add3A_174, %dma_start3A_183] : memref<10240x128xf32, #tpu.memory_space<hbm>> -> memref<128x128xf32, #tpu.memory_space<hbm>>
      %dma_start3A_185 = arith.constant 0 : i32
      %dma_start3A_186 = tpu.memref_slice %arg5[%add3A_174, %dma_start3A_185] : memref<10240x128xf32, #tpu.memory_space<hbm>> -> memref<128x128xf32, #tpu.memory_space<hbm>>
      tpu.enqueue_dma source(%arg9 : memref<128x128xf32, #tpu.memory_space<vmem>>) target(%dma_start3A_186 : memref<128x128xf32, #tpu.memory_space<hbm>>) target_semaphore(%arg14 : memref<!tpu.dma_semaphore, #tpu.memory_space<semaphore_mem>>)
      %mul3A_187 = arith.constant 640 : i32
      %mul3A_188 = arith.muli %arg1, %mul3A_187 : i32
      %add3A_189 = arith.constant 384 : i32
      %add3A_190 = arith.addi %mul3A_188, %add3A_189 : i32
      %dma_wait3A_191 = arith.constant 0 : i32
      %dma_wait3A_192 = tpu.memref_slice %arg5[%add3A_190, %dma_wait3A_191] : memref<10240x128xf32, #tpu.memory_space<hbm>> -> memref<128x128xf32, #tpu.memory_space<hbm>>
      %dma_wait3A_193 = arith.constant 0 : i32
      %dma_wait3A_194 = tpu.memref_slice %arg5[%add3A_190, %dma_wait3A_193] : memref<10240x128xf32, #tpu.memory_space<hbm>> -> memref<128x128xf32, #tpu.memory_space<hbm>>
      tpu.wait_dma2 semaphore(%arg14 : memref<!tpu.dma_semaphore, #tpu.memory_space<semaphore_mem>>) src(%arg10 : memref<128x128xf32, #tpu.memory_space<vmem>>) dst(%dma_wait3A_194 : memref<128x128xf32, #tpu.memory_space<hbm>>)
      %mul3A_195 = arith.constant 640 : i32
      %mul3A_196 = arith.muli %arg1, %mul3A_195 : i32
      %add3A_197 = arith.constant 512 : i32
      %add3A_198 = arith.addi %mul3A_196, %add3A_197 : i32
      %dma_wait3A_199 = arith.constant 0 : i32
      %dma_wait3A_200 = tpu.memref_slice %arg5[%add3A_198, %dma_wait3A_199] : memref<10240x128xf32, #tpu.memory_space<hbm>> -> memref<128x128xf32, #tpu.memory_space<hbm>>
      %dma_wait3A_201 = arith.constant 0 : i32
      %dma_wait3A_202 = tpu.memref_slice %arg5[%add3A_198, %dma_wait3A_201] : memref<10240x128xf32, #tpu.memory_space<hbm>> -> memref<128x128xf32, #tpu.memory_space<hbm>>
      tpu.wait_dma2 semaphore(%arg14 : memref<!tpu.dma_semaphore, #tpu.memory_space<semaphore_mem>>) src(%arg9 : memref<128x128xf32, #tpu.memory_space<vmem>>) dst(%dma_wait3A_202 : memref<128x128xf32, #tpu.memory_space<hbm>>)
    } else {
    }
    %eq3A_118 = arith.constant 1 : i32
    %eq3A_119 = arith.cmpi eq, %arg0, %eq3A_118 : i32
    %convert_element_type3A_120 = arith.extui %eq3A_119 : i1 to i32
    %cond3A_121 = arith.constant 0 : i32
    %cond3A_122 = arith.cmpi ne, %convert_element_type3A_120, %cond3A_121 : i32
    scf.if %cond3A_122 {
      %mul3A_123 = arith.constant 640 : i32
      %mul3A_124 = arith.muli %arg1, %mul3A_123 : i32
      %add3A_125 = arith.constant 0 : i32
      %add3A_126 = arith.addi %mul3A_124, %add3A_125 : i32
      "tpu.region"() ({
        %run_scoped3A = tpu.sem_alloc : memref<!tpu.dma_semaphore, #tpu.memory_space<semaphore_mem>>
        %dma_start3A_203 = arith.constant 0 : i32
        %dma_start3A_204 = tpu.memref_slice %arg11[%add3A_126, %dma_start3A_203] : memref<10240x128xf32, #tpu.memory_space<vmem_shared>> -> memref<128x128xf32, #tpu.memory_space<vmem_shared>>
        %dma_start3A_205 = arith.constant 0 : i32
        %dma_start3A_206 = tpu.memref_slice %arg11[%add3A_126, %dma_start3A_205] : memref<10240x128xf32, #tpu.memory_space<vmem_shared>> -> memref<128x128xf32, #tpu.memory_space<vmem_shared>>
        tpu.enqueue_dma source(%dma_start3A_206 : memref<128x128xf32, #tpu.memory_space<vmem_shared>>) target(%arg9 : memref<128x128xf32, #tpu.memory_space<vmem>>) target_semaphore(%run_scoped3A : memref<!tpu.dma_semaphore, #tpu.memory_space<semaphore_mem>>)
        %dma_wait3A_207 = arith.constant 0 : i32
        %dma_wait3A_208 = tpu.memref_slice %arg11[%add3A_126, %dma_wait3A_207] : memref<10240x128xf32, #tpu.memory_space<vmem_shared>> -> memref<128x128xf32, #tpu.memory_space<vmem_shared>>
        %dma_wait3A_209 = arith.constant 0 : i32
        %dma_wait3A_210 = tpu.memref_slice %arg11[%add3A_126, %dma_wait3A_209] : memref<10240x128xf32, #tpu.memory_space<vmem_shared>> -> memref<128x128xf32, #tpu.memory_space<vmem_shared>>
        tpu.wait_dma2 semaphore(%run_scoped3A : memref<!tpu.dma_semaphore, #tpu.memory_space<semaphore_mem>>) src(%dma_wait3A_210 : memref<128x128xf32, #tpu.memory_space<vmem_shared>>) dst(%arg9 : memref<128x128xf32, #tpu.memory_space<vmem>>)
        tpu.yield
      }) : () -> ()
      %dma_start3A_127 = arith.constant 0 : i32
      %dma_start3A_128 = tpu.memref_slice %arg6[%add3A_126, %dma_start3A_127] : memref<10240x128xf32, #tpu.memory_space<hbm>> -> memref<128x128xf32, #tpu.memory_space<hbm>>
      %dma_start3A_129 = arith.constant 0 : i32
      %dma_start3A_130 = tpu.memref_slice %arg6[%add3A_126, %dma_start3A_129] : memref<10240x128xf32, #tpu.memory_space<hbm>> -> memref<128x128xf32, #tpu.memory_space<hbm>>
      tpu.enqueue_dma source(%arg9 : memref<128x128xf32, #tpu.memory_space<vmem>>) target(%dma_start3A_130 : memref<128x128xf32, #tpu.memory_space<hbm>>) target_semaphore(%arg14 : memref<!tpu.dma_semaphore, #tpu.memory_space<semaphore_mem>>)
      %mul3A_131 = arith.constant 640 : i32
      %mul3A_132 = arith.muli %arg1, %mul3A_131 : i32
      %add3A_133 = arith.constant 128 : i32
      %add3A_134 = arith.addi %mul3A_132, %add3A_133 : i32
      "tpu.region"() ({
        %run_scoped3A = tpu.sem_alloc : memref<!tpu.dma_semaphore, #tpu.memory_space<semaphore_mem>>
        %dma_start3A_203 = arith.constant 0 : i32
        %dma_start3A_204 = tpu.memref_slice %arg11[%add3A_134, %dma_start3A_203] : memref<10240x128xf32, #tpu.memory_space<vmem_shared>> -> memref<128x128xf32, #tpu.memory_space<vmem_shared>>
        %dma_start3A_205 = arith.constant 0 : i32
        %dma_start3A_206 = tpu.memref_slice %arg11[%add3A_134, %dma_start3A_205] : memref<10240x128xf32, #tpu.memory_space<vmem_shared>> -> memref<128x128xf32, #tpu.memory_space<vmem_shared>>
        tpu.enqueue_dma source(%dma_start3A_206 : memref<128x128xf32, #tpu.memory_space<vmem_shared>>) target(%arg10 : memref<128x128xf32, #tpu.memory_space<vmem>>) target_semaphore(%run_scoped3A : memref<!tpu.dma_semaphore, #tpu.memory_space<semaphore_mem>>)
        %dma_wait3A_207 = arith.constant 0 : i32
        %dma_wait3A_208 = tpu.memref_slice %arg11[%add3A_134, %dma_wait3A_207] : memref<10240x128xf32, #tpu.memory_space<vmem_shared>> -> memref<128x128xf32, #tpu.memory_space<vmem_shared>>
        %dma_wait3A_209 = arith.constant 0 : i32
        %dma_wait3A_210 = tpu.memref_slice %arg11[%add3A_134, %dma_wait3A_209] : memref<10240x128xf32, #tpu.memory_space<vmem_shared>> -> memref<128x128xf32, #tpu.memory_space<vmem_shared>>
        tpu.wait_dma2 semaphore(%run_scoped3A : memref<!tpu.dma_semaphore, #tpu.memory_space<semaphore_mem>>) src(%dma_wait3A_210 : memref<128x128xf32, #tpu.memory_space<vmem_shared>>) dst(%arg10 : memref<128x128xf32, #tpu.memory_space<vmem>>)
        tpu.yield
      }) : () -> ()
      %dma_start3A_135 = arith.constant 0 : i32
      %dma_start3A_136 = tpu.memref_slice %arg6[%add3A_134, %dma_start3A_135] : memref<10240x128xf32, #tpu.memory_space<hbm>> -> memref<128x128xf32, #tpu.memory_space<hbm>>
      %dma_start3A_137 = arith.constant 0 : i32
      %dma_start3A_138 = tpu.memref_slice %arg6[%add3A_134, %dma_start3A_137] : memref<10240x128xf32, #tpu.memory_space<hbm>> -> memref<128x128xf32, #tpu.memory_space<hbm>>
      tpu.enqueue_dma source(%arg10 : memref<128x128xf32, #tpu.memory_space<vmem>>) target(%dma_start3A_138 : memref<128x128xf32, #tpu.memory_space<hbm>>) target_semaphore(%arg14 : memref<!tpu.dma_semaphore, #tpu.memory_space<semaphore_mem>>)
      %mul3A_139 = arith.constant 640 : i32
      %mul3A_140 = arith.muli %arg1, %mul3A_139 : i32
      %add3A_141 = arith.constant 256 : i32
      %add3A_142 = arith.addi %mul3A_140, %add3A_141 : i32
      %mul3A_143 = arith.constant 640 : i32
      %mul3A_144 = arith.muli %arg1, %mul3A_143 : i32
      %add3A_145 = arith.constant 0 : i32
      %add3A_146 = arith.addi %mul3A_144, %add3A_145 : i32
      %dma_wait3A_147 = arith.constant 0 : i32
      %dma_wait3A_148 = tpu.memref_slice %arg6[%add3A_146, %dma_wait3A_147] : memref<10240x128xf32, #tpu.memory_space<hbm>> -> memref<128x128xf32, #tpu.memory_space<hbm>>
      %dma_wait3A_149 = arith.constant 0 : i32
      %dma_wait3A_150 = tpu.memref_slice %arg6[%add3A_146, %dma_wait3A_149] : memref<10240x128xf32, #tpu.memory_space<hbm>> -> memref<128x128xf32, #tpu.memory_space<hbm>>
      tpu.wait_dma2 semaphore(%arg14 : memref<!tpu.dma_semaphore, #tpu.memory_space<semaphore_mem>>) src(%arg9 : memref<128x128xf32, #tpu.memory_space<vmem>>) dst(%dma_wait3A_150 : memref<128x128xf32, #tpu.memory_space<hbm>>)
      "tpu.region"() ({
        %run_scoped3A = tpu.sem_alloc : memref<!tpu.dma_semaphore, #tpu.memory_space<semaphore_mem>>
        %dma_start3A_203 = arith.constant 0 : i32
        %dma_start3A_204 = tpu.memref_slice %arg11[%add3A_142, %dma_start3A_203] : memref<10240x128xf32, #tpu.memory_space<vmem_shared>> -> memref<128x128xf32, #tpu.memory_space<vmem_shared>>
        %dma_start3A_205 = arith.constant 0 : i32
        %dma_start3A_206 = tpu.memref_slice %arg11[%add3A_142, %dma_start3A_205] : memref<10240x128xf32, #tpu.memory_space<vmem_shared>> -> memref<128x128xf32, #tpu.memory_space<vmem_shared>>
        tpu.enqueue_dma source(%dma_start3A_206 : memref<128x128xf32, #tpu.memory_space<vmem_shared>>) target(%arg9 : memref<128x128xf32, #tpu.memory_space<vmem>>) target_semaphore(%run_scoped3A : memref<!tpu.dma_semaphore, #tpu.memory_space<semaphore_mem>>)
        %dma_wait3A_207 = arith.constant 0 : i32
        %dma_wait3A_208 = tpu.memref_slice %arg11[%add3A_142, %dma_wait3A_207] : memref<10240x128xf32, #tpu.memory_space<vmem_shared>> -> memref<128x128xf32, #tpu.memory_space<vmem_shared>>
        %dma_wait3A_209 = arith.constant 0 : i32
        %dma_wait3A_210 = tpu.memref_slice %arg11[%add3A_142, %dma_wait3A_209] : memref<10240x128xf32, #tpu.memory_space<vmem_shared>> -> memref<128x128xf32, #tpu.memory_space<vmem_shared>>
        tpu.wait_dma2 semaphore(%run_scoped3A : memref<!tpu.dma_semaphore, #tpu.memory_space<semaphore_mem>>) src(%dma_wait3A_210 : memref<128x128xf32, #tpu.memory_space<vmem_shared>>) dst(%arg9 : memref<128x128xf32, #tpu.memory_space<vmem>>)
        tpu.yield
      }) : () -> ()
      %dma_start3A_151 = arith.constant 0 : i32
      %dma_start3A_152 = tpu.memref_slice %arg6[%add3A_142, %dma_start3A_151] : memref<10240x128xf32, #tpu.memory_space<hbm>> -> memref<128x128xf32, #tpu.memory_space<hbm>>
      %dma_start3A_153 = arith.constant 0 : i32
      %dma_start3A_154 = tpu.memref_slice %arg6[%add3A_142, %dma_start3A_153] : memref<10240x128xf32, #tpu.memory_space<hbm>> -> memref<128x128xf32, #tpu.memory_space<hbm>>
      tpu.enqueue_dma source(%arg9 : memref<128x128xf32, #tpu.memory_space<vmem>>) target(%dma_start3A_154 : memref<128x128xf32, #tpu.memory_space<hbm>>) target_semaphore(%arg14 : memref<!tpu.dma_semaphore, #tpu.memory_space<semaphore_mem>>)
      %mul3A_155 = arith.constant 640 : i32
      %mul3A_156 = arith.muli %arg1, %mul3A_155 : i32
      %add3A_157 = arith.constant 384 : i32
      %add3A_158 = arith.addi %mul3A_156, %add3A_157 : i32
      %mul3A_159 = arith.constant 640 : i32
      %mul3A_160 = arith.muli %arg1, %mul3A_159 : i32
      %add3A_161 = arith.constant 128 : i32
      %add3A_162 = arith.addi %mul3A_160, %add3A_161 : i32
      %dma_wait3A_163 = arith.constant 0 : i32
      %dma_wait3A_164 = tpu.memref_slice %arg6[%add3A_162, %dma_wait3A_163] : memref<10240x128xf32, #tpu.memory_space<hbm>> -> memref<128x128xf32, #tpu.memory_space<hbm>>
      %dma_wait3A_165 = arith.constant 0 : i32
      %dma_wait3A_166 = tpu.memref_slice %arg6[%add3A_162, %dma_wait3A_165] : memref<10240x128xf32, #tpu.memory_space<hbm>> -> memref<128x128xf32, #tpu.memory_space<hbm>>
      tpu.wait_dma2 semaphore(%arg14 : memref<!tpu.dma_semaphore, #tpu.memory_space<semaphore_mem>>) src(%arg10 : memref<128x128xf32, #tpu.memory_space<vmem>>) dst(%dma_wait3A_166 : memref<128x128xf32, #tpu.memory_space<hbm>>)
      "tpu.region"() ({
        %run_scoped3A = tpu.sem_alloc : memref<!tpu.dma_semaphore, #tpu.memory_space<semaphore_mem>>
        %dma_start3A_203 = arith.constant 0 : i32
        %dma_start3A_204 = tpu.memref_slice %arg11[%add3A_158, %dma_start3A_203] : memref<10240x128xf32, #tpu.memory_space<vmem_shared>> -> memref<128x128xf32, #tpu.memory_space<vmem_shared>>
        %dma_start3A_205 = arith.constant 0 : i32
        %dma_start3A_206 = tpu.memref_slice %arg11[%add3A_158, %dma_start3A_205] : memref<10240x128xf32, #tpu.memory_space<vmem_shared>> -> memref<128x128xf32, #tpu.memory_space<vmem_shared>>
        tpu.enqueue_dma source(%dma_start3A_206 : memref<128x128xf32, #tpu.memory_space<vmem_shared>>) target(%arg10 : memref<128x128xf32, #tpu.memory_space<vmem>>) target_semaphore(%run_scoped3A : memref<!tpu.dma_semaphore, #tpu.memory_space<semaphore_mem>>)
        %dma_wait3A_207 = arith.constant 0 : i32
        %dma_wait3A_208 = tpu.memref_slice %arg11[%add3A_158, %dma_wait3A_207] : memref<10240x128xf32, #tpu.memory_space<vmem_shared>> -> memref<128x128xf32, #tpu.memory_space<vmem_shared>>
        %dma_wait3A_209 = arith.constant 0 : i32
        %dma_wait3A_210 = tpu.memref_slice %arg11[%add3A_158, %dma_wait3A_209] : memref<10240x128xf32, #tpu.memory_space<vmem_shared>> -> memref<128x128xf32, #tpu.memory_space<vmem_shared>>
        tpu.wait_dma2 semaphore(%run_scoped3A : memref<!tpu.dma_semaphore, #tpu.memory_space<semaphore_mem>>) src(%dma_wait3A_210 : memref<128x128xf32, #tpu.memory_space<vmem_shared>>) dst(%arg10 : memref<128x128xf32, #tpu.memory_space<vmem>>)
        tpu.yield
      }) : () -> ()
      %dma_start3A_167 = arith.constant 0 : i32
      %dma_start3A_168 = tpu.memref_slice %arg6[%add3A_158, %dma_start3A_167] : memref<10240x128xf32, #tpu.memory_space<hbm>> -> memref<128x128xf32, #tpu.memory_space<hbm>>
      %dma_start3A_169 = arith.constant 0 : i32
      %dma_start3A_170 = tpu.memref_slice %arg6[%add3A_158, %dma_start3A_169] : memref<10240x128xf32, #tpu.memory_space<hbm>> -> memref<128x128xf32, #tpu.memory_space<hbm>>
      tpu.enqueue_dma source(%arg10 : memref<128x128xf32, #tpu.memory_space<vmem>>) target(%dma_start3A_170 : memref<128x128xf32, #tpu.memory_space<hbm>>) target_semaphore(%arg14 : memref<!tpu.dma_semaphore, #tpu.memory_space<semaphore_mem>>)
      %mul3A_171 = arith.constant 640 : i32
      %mul3A_172 = arith.muli %arg1, %mul3A_171 : i32
      %add3A_173 = arith.constant 512 : i32
      %add3A_174 = arith.addi %mul3A_172, %add3A_173 : i32
      %mul3A_175 = arith.constant 640 : i32
      %mul3A_176 = arith.muli %arg1, %mul3A_175 : i32
      %add3A_177 = arith.constant 256 : i32
      %add3A_178 = arith.addi %mul3A_176, %add3A_177 : i32
      %dma_wait3A_179 = arith.constant 0 : i32
      %dma_wait3A_180 = tpu.memref_slice %arg6[%add3A_178, %dma_wait3A_179] : memref<10240x128xf32, #tpu.memory_space<hbm>> -> memref<128x128xf32, #tpu.memory_space<hbm>>
      %dma_wait3A_181 = arith.constant 0 : i32
      %dma_wait3A_182 = tpu.memref_slice %arg6[%add3A_178, %dma_wait3A_181] : memref<10240x128xf32, #tpu.memory_space<hbm>> -> memref<128x128xf32, #tpu.memory_space<hbm>>
      tpu.wait_dma2 semaphore(%arg14 : memref<!tpu.dma_semaphore, #tpu.memory_space<semaphore_mem>>) src(%arg9 : memref<128x128xf32, #tpu.memory_space<vmem>>) dst(%dma_wait3A_182 : memref<128x128xf32, #tpu.memory_space<hbm>>)
      "tpu.region"() ({
        %run_scoped3A = tpu.sem_alloc : memref<!tpu.dma_semaphore, #tpu.memory_space<semaphore_mem>>
        %dma_start3A_203 = arith.constant 0 : i32
        %dma_start3A_204 = tpu.memref_slice %arg11[%add3A_174, %dma_start3A_203] : memref<10240x128xf32, #tpu.memory_space<vmem_shared>> -> memref<128x128xf32, #tpu.memory_space<vmem_shared>>
        %dma_start3A_205 = arith.constant 0 : i32
        %dma_start3A_206 = tpu.memref_slice %arg11[%add3A_174, %dma_start3A_205] : memref<10240x128xf32, #tpu.memory_space<vmem_shared>> -> memref<128x128xf32, #tpu.memory_space<vmem_shared>>
        tpu.enqueue_dma source(%dma_start3A_206 : memref<128x128xf32, #tpu.memory_space<vmem_shared>>) target(%arg9 : memref<128x128xf32, #tpu.memory_space<vmem>>) target_semaphore(%run_scoped3A : memref<!tpu.dma_semaphore, #tpu.memory_space<semaphore_mem>>)
        %dma_wait3A_207 = arith.constant 0 : i32
        %dma_wait3A_208 = tpu.memref_slice %arg11[%add3A_174, %dma_wait3A_207] : memref<10240x128xf32, #tpu.memory_space<vmem_shared>> -> memref<128x128xf32, #tpu.memory_space<vmem_shared>>
        %dma_wait3A_209 = arith.constant 0 : i32
        %dma_wait3A_210 = tpu.memref_slice %arg11[%add3A_174, %dma_wait3A_209] : memref<10240x128xf32, #tpu.memory_space<vmem_shared>> -> memref<128x128xf32, #tpu.memory_space<vmem_shared>>
        tpu.wait_dma2 semaphore(%run_scoped3A : memref<!tpu.dma_semaphore, #tpu.memory_space<semaphore_mem>>) src(%dma_wait3A_210 : memref<128x128xf32, #tpu.memory_space<vmem_shared>>) dst(%arg9 : memref<128x128xf32, #tpu.memory_space<vmem>>)
        tpu.yield
      }) : () -> ()
      %dma_start3A_183 = arith.constant 0 : i32
      %dma_start3A_184 = tpu.memref_slice %arg6[%add3A_174, %dma_start3A_183] : memref<10240x128xf32, #tpu.memory_space<hbm>> -> memref<128x128xf32, #tpu.memory_space<hbm>>
      %dma_start3A_185 = arith.constant 0 : i32
      %dma_start3A_186 = tpu.memref_slice %arg6[%add3A_174, %dma_start3A_185] : memref<10240x128xf32, #tpu.memory_space<hbm>> -> memref<128x128xf32, #tpu.memory_space<hbm>>
      tpu.enqueue_dma source(%arg9 : memref<128x128xf32, #tpu.memory_space<vmem>>) target(%dma_start3A_186 : memref<128x128xf32, #tpu.memory_space<hbm>>) target_semaphore(%arg14 : memref<!tpu.dma_semaphore, #tpu.memory_space<semaphore_mem>>)
      %mul3A_187 = arith.constant 640 : i32
      %mul3A_188 = arith.muli %arg1, %mul3A_187 : i32
      %add3A_189 = arith.constant 384 : i32
      %add3A_190 = arith.addi %mul3A_188, %add3A_189 : i32
      %dma_wait3A_191 = arith.constant 0 : i32
      %dma_wait3A_192 = tpu.memref_slice %arg6[%add3A_190, %dma_wait3A_191] : memref<10240x128xf32, #tpu.memory_space<hbm>> -> memref<128x128xf32, #tpu.memory_space<hbm>>
      %dma_wait3A_193 = arith.constant 0 : i32
      %dma_wait3A_194 = tpu.memref_slice %arg6[%add3A_190, %dma_wait3A_193] : memref<10240x128xf32, #tpu.memory_space<hbm>> -> memref<128x128xf32, #tpu.memory_space<hbm>>
      tpu.wait_dma2 semaphore(%arg14 : memref<!tpu.dma_semaphore, #tpu.memory_space<semaphore_mem>>) src(%arg10 : memref<128x128xf32, #tpu.memory_space<vmem>>) dst(%dma_wait3A_194 : memref<128x128xf32, #tpu.memory_space<hbm>>)
      %mul3A_195 = arith.constant 640 : i32
      %mul3A_196 = arith.muli %arg1, %mul3A_195 : i32
      %add3A_197 = arith.constant 512 : i32
      %add3A_198 = arith.addi %mul3A_196, %add3A_197 : i32
      %dma_wait3A_199 = arith.constant 0 : i32
      %dma_wait3A_200 = tpu.memref_slice %arg6[%add3A_198, %dma_wait3A_199] : memref<10240x128xf32, #tpu.memory_space<hbm>> -> memref<128x128xf32, #tpu.memory_space<hbm>>
      %dma_wait3A_201 = arith.constant 0 : i32
      %dma_wait3A_202 = tpu.memref_slice %arg6[%add3A_198, %dma_wait3A_201] : memref<10240x128xf32, #tpu.memory_space<hbm>> -> memref<128x128xf32, #tpu.memory_space<hbm>>
      tpu.wait_dma2 semaphore(%arg14 : memref<!tpu.dma_semaphore, #tpu.memory_space<semaphore_mem>>) src(%arg9 : memref<128x128xf32, #tpu.memory_space<vmem>>) dst(%dma_wait3A_202 : memref<128x128xf32, #tpu.memory_space<hbm>>)
    } else {
    }
    return
  }
}

#map = affine_map<(d0, d1) -> (0, 0)>
#map1 = affine_map<(d0, d1) -> (0)>
module attributes {stable_mosaic.version = 14 : i64} {
  func.func @_sc_degree(%arg0: i32, %arg1: i32, %arg2: memref<2560x128xi32, #tpu.memory_space<hbm>>, %arg3: memref<10240xf32, #tpu.memory_space<hbm>>, %arg4: memref<10240xf32, #tpu.memory_space<hbm>>, %arg5: memref<80x128xi32, #tpu.memory_space<vmem>>, %arg6: memref<128xf32, #tpu.memory_space<vmem>>, %arg7: memref<640xf32, #tpu.memory_space<vmem>>, %arg8: memref<10240xf32, #tpu.memory_space<vmem_shared>>) attributes {dimension_semantics = [#tpu.dimension_semantics<core_parallel>, #tpu.dimension_semantics<subcore_parallel>], iteration_bounds = array<i64: 2, 16>, scalar_prefetch = 0 : i64, scratch_operands = 4 : i64, tpu.core_type = #tpu.core_type<sc_vector_subcore>, window_params = [{transform_indices = #map}, {transform_indices = #map1}, {transform_indices = #map1}]} {
    %mul3A = arith.constant 16 : i32
    %mul3A_0 = arith.muli %arg0, %mul3A : i32
    %add3A = arith.addi %mul3A_0, %arg1 : i32
    %mul3A_1 = arith.constant 80 : i32
    %mul3A_2 = arith.muli %add3A, %mul3A_1 : i32
    "tpu.region"() ({
      %run_scoped3A = tpu.sem_alloc : memref<!tpu.dma_semaphore, #tpu.memory_space<semaphore_mem>>
      %dma_start3A = arith.constant 0 : i32
      %dma_start3A_60 = tpu.memref_slice %arg2[%mul3A_2, %dma_start3A] : memref<2560x128xi32, #tpu.memory_space<hbm>> -> memref<80x128xi32, #tpu.memory_space<hbm>>
      %dma_start3A_61 = arith.constant 0 : i32
      %dma_start3A_62 = tpu.memref_slice %arg2[%mul3A_2, %dma_start3A_61] : memref<2560x128xi32, #tpu.memory_space<hbm>> -> memref<80x128xi32, #tpu.memory_space<hbm>>
      tpu.enqueue_dma source(%dma_start3A_62 : memref<80x128xi32, #tpu.memory_space<hbm>>) target(%arg5 : memref<80x128xi32, #tpu.memory_space<vmem>>) target_semaphore(%run_scoped3A : memref<!tpu.dma_semaphore, #tpu.memory_space<semaphore_mem>>)
      %dma_wait3A = arith.constant 0 : i32
      %dma_wait3A_63 = tpu.memref_slice %arg2[%mul3A_2, %dma_wait3A] : memref<2560x128xi32, #tpu.memory_space<hbm>> -> memref<80x128xi32, #tpu.memory_space<hbm>>
      %dma_wait3A_64 = arith.constant 0 : i32
      %dma_wait3A_65 = tpu.memref_slice %arg2[%mul3A_2, %dma_wait3A_64] : memref<2560x128xi32, #tpu.memory_space<hbm>> -> memref<80x128xi32, #tpu.memory_space<hbm>>
      tpu.wait_dma2 semaphore(%run_scoped3A : memref<!tpu.dma_semaphore, #tpu.memory_space<semaphore_mem>>) src(%dma_wait3A_65 : memref<80x128xi32, #tpu.memory_space<hbm>>) dst(%arg5 : memref<80x128xi32, #tpu.memory_space<vmem>>)
      tpu.yield
    }) : () -> ()
    %broadcast_in_dim3A = arith.constant 1.000000e+00 : f32
    %broadcast_in_dim3A_3 = vector.broadcast %broadcast_in_dim3A : f32 to vector<16xf32>
    %broadcast_in_dim3A_4 = arith.constant 0.000000e+00 : f32
    %broadcast_in_dim3A_5 = vector.broadcast %broadcast_in_dim3A_4 : f32 to vector<16xf32>
    %swap3A = arith.constant 0 : index
    %swap3A_6 = tpu.vector_load %arg6[%swap3A] {strides = array<i32>} : memref<128xf32, #tpu.memory_space<vmem>>, vector<16xf32>,
    %swap3A_7 = vector.shape_cast %swap3A_6 : vector<16xf32> to vector<16xf32>
    %swap3A_8 = vector.shape_cast %broadcast_in_dim3A_3 : vector<16xf32> to vector<16xf32>
    tpu.vector_store %arg6[%swap3A], %swap3A_8 {strides = array<i32>} : memref<128xf32, #tpu.memory_space<vmem>>, vector<16xf32>,
    %swap3A_9 = arith.constant 16 : index
    %swap3A_10 = tpu.vector_load %arg6[%swap3A_9] {strides = array<i32>} : memref<128xf32, #tpu.memory_space<vmem>>, vector<16xf32>,
    %swap3A_11 = vector.shape_cast %swap3A_10 : vector<16xf32> to vector<16xf32>
    %swap3A_12 = vector.shape_cast %broadcast_in_dim3A_3 : vector<16xf32> to vector<16xf32>
    tpu.vector_store %arg6[%swap3A_9], %swap3A_12 {strides = array<i32>} : memref<128xf32, #tpu.memory_space<vmem>>, vector<16xf32>,
    %swap3A_13 = arith.constant 32 : index
    %swap3A_14 = tpu.vector_load %arg6[%swap3A_13] {strides = array<i32>} : memref<128xf32, #tpu.memory_space<vmem>>, vector<16xf32>,
    %swap3A_15 = vector.shape_cast %swap3A_14 : vector<16xf32> to vector<16xf32>
    %swap3A_16 = vector.shape_cast %broadcast_in_dim3A_3 : vector<16xf32> to vector<16xf32>
    tpu.vector_store %arg6[%swap3A_13], %swap3A_16 {strides = array<i32>} : memref<128xf32, #tpu.memory_space<vmem>>, vector<16xf32>,
    %swap3A_17 = arith.constant 48 : index
    %swap3A_18 = tpu.vector_load %arg6[%swap3A_17] {strides = array<i32>} : memref<128xf32, #tpu.memory_space<vmem>>, vector<16xf32>,
    %swap3A_19 = vector.shape_cast %swap3A_18 : vector<16xf32> to vector<16xf32>
    %swap3A_20 = vector.shape_cast %broadcast_in_dim3A_3 : vector<16xf32> to vector<16xf32>
    tpu.vector_store %arg6[%swap3A_17], %swap3A_20 {strides = array<i32>} : memref<128xf32, #tpu.memory_space<vmem>>, vector<16xf32>,
    %swap3A_21 = arith.constant 64 : index
    %swap3A_22 = tpu.vector_load %arg6[%swap3A_21] {strides = array<i32>} : memref<128xf32, #tpu.memory_space<vmem>>, vector<16xf32>,
    %swap3A_23 = vector.shape_cast %swap3A_22 : vector<16xf32> to vector<16xf32>
    %swap3A_24 = vector.shape_cast %broadcast_in_dim3A_3 : vector<16xf32> to vector<16xf32>
    tpu.vector_store %arg6[%swap3A_21], %swap3A_24 {strides = array<i32>} : memref<128xf32, #tpu.memory_space<vmem>>, vector<16xf32>,
    %swap3A_25 = arith.constant 80 : index
    %swap3A_26 = tpu.vector_load %arg6[%swap3A_25] {strides = array<i32>} : memref<128xf32, #tpu.memory_space<vmem>>, vector<16xf32>,
    %swap3A_27 = vector.shape_cast %swap3A_26 : vector<16xf32> to vector<16xf32>
    %swap3A_28 = vector.shape_cast %broadcast_in_dim3A_3 : vector<16xf32> to vector<16xf32>
    tpu.vector_store %arg6[%swap3A_25], %swap3A_28 {strides = array<i32>} : memref<128xf32, #tpu.memory_space<vmem>>, vector<16xf32>,
    %swap3A_29 = arith.constant 96 : index
    %swap3A_30 = tpu.vector_load %arg6[%swap3A_29] {strides = array<i32>} : memref<128xf32, #tpu.memory_space<vmem>>, vector<16xf32>,
    %swap3A_31 = vector.shape_cast %swap3A_30 : vector<16xf32> to vector<16xf32>
    %swap3A_32 = vector.shape_cast %broadcast_in_dim3A_3 : vector<16xf32> to vector<16xf32>
    tpu.vector_store %arg6[%swap3A_29], %swap3A_32 {strides = array<i32>} : memref<128xf32, #tpu.memory_space<vmem>>, vector<16xf32>,
    %swap3A_33 = arith.constant 112 : index
    %swap3A_34 = tpu.vector_load %arg6[%swap3A_33] {strides = array<i32>} : memref<128xf32, #tpu.memory_space<vmem>>, vector<16xf32>,
    %swap3A_35 = vector.shape_cast %swap3A_34 : vector<16xf32> to vector<16xf32>
    %swap3A_36 = vector.shape_cast %broadcast_in_dim3A_3 : vector<16xf32> to vector<16xf32>
    tpu.vector_store %arg6[%swap3A_33], %swap3A_36 {strides = array<i32>} : memref<128xf32, #tpu.memory_space<vmem>>, vector<16xf32>,
    %scan3A = arith.constant 0 : i32
    %scan3A_37 = arith.constant 0 : i32
    %scan3A_38 = arith.constant 40 : i32
    %scan3A_39 = arith.addi %scan3A_37, %scan3A_38 : i32
    %scan3A_40 = arith.constant 1 : i32
    scf.for %scan3A_60 = %scan3A_37 to %scan3A_39 step %scan3A_40  : i32 {
      %mul3A_61 = arith.constant 16 : i32
      %mul3A_62 = arith.muli %scan3A_60, %mul3A_61 : i32
      %multiple_of3A = tpu.assume_multiple %mul3A_62, 16 : i32
      %swap3A_63 = arith.index_cast %multiple_of3A : i32 to index
      %swap3A_64 = tpu.vector_load %arg7[%swap3A_63] {strides = array<i32>} : memref<640xf32, #tpu.memory_space<vmem>>, vector<16xf32>,
      %swap3A_65 = vector.shape_cast %swap3A_64 : vector<16xf32> to vector<16xf32>
      %swap3A_66 = vector.shape_cast %broadcast_in_dim3A_5 : vector<16xf32> to vector<16xf32>
      tpu.vector_store %arg7[%swap3A_63], %swap3A_66 {strides = array<i32>} : memref<640xf32, #tpu.memory_space<vmem>>, vector<16xf32>,
    }
    %scan3A_41 = arith.constant 40 : i32
    %mul3A_42 = arith.constant 640 : i32
    %mul3A_43 = arith.muli %arg1, %mul3A_42 : i32
    "tpu.region"() ({
      %run_scoped3A = tpu.sem_alloc : memref<!tpu.dma_semaphore, #tpu.memory_space<semaphore_mem>>
      %dma_start3A = tpu.memref_slice %arg8[%mul3A_43] : memref<10240xf32, #tpu.memory_space<vmem_shared>> -> memref<640xf32, #tpu.memory_space<vmem_shared>>
      %dma_start3A_60 = tpu.memref_slice %arg8[%mul3A_43] : memref<10240xf32, #tpu.memory_space<vmem_shared>> -> memref<640xf32, #tpu.memory_space<vmem_shared>>
      tpu.enqueue_dma source(%arg7 : memref<640xf32, #tpu.memory_space<vmem>>) target(%dma_start3A_60 : memref<640xf32, #tpu.memory_space<vmem_shared>>) target_semaphore(%run_scoped3A : memref<!tpu.dma_semaphore, #tpu.memory_space<semaphore_mem>>)
      %dma_wait3A = tpu.memref_slice %arg8[%mul3A_43] : memref<10240xf32, #tpu.memory_space<vmem_shared>> -> memref<640xf32, #tpu.memory_space<vmem_shared>>
      %dma_wait3A_61 = tpu.memref_slice %arg8[%mul3A_43] : memref<10240xf32, #tpu.memory_space<vmem_shared>> -> memref<640xf32, #tpu.memory_space<vmem_shared>>
      tpu.wait_dma2 semaphore(%run_scoped3A : memref<!tpu.dma_semaphore, #tpu.memory_space<semaphore_mem>>) src(%arg7 : memref<640xf32, #tpu.memory_space<vmem>>) dst(%dma_wait3A_61 : memref<640xf32, #tpu.memory_space<vmem_shared>>)
      tpu.yield
    }) : () -> ()
    %barrier3A = arith.constant 0 : index
    tpu.barrier barrier_id(%barrier3A)
    %scan3A_44 = arith.constant 0 : i32
    %scan3A_45 = arith.constant 0 : i32
    %scan3A_46 = arith.constant 80 : i32
    %scan3A_47 = arith.addi %scan3A_45, %scan3A_46 : i32
    %scan3A_48 = arith.constant 1 : i32
    scf.for %scan3A_60 = %scan3A_45 to %scan3A_47 step %scan3A_48  : i32 {
      "tpu.region"() ({
        %run_scoped3A = tpu.sem_alloc : memref<!tpu.dma_semaphore, #tpu.memory_space<semaphore_mem>>
        %dma_start3A = arith.constant 0 : i32
        %dma_start3A_61 = tpu.memref_slice %arg5[%scan3A_60, %dma_start3A] : memref<80x128xi32, #tpu.memory_space<vmem>> -> memref<1x128xi32, #tpu.memory_space<vmem>>
        %dma_start3A_62 = tpu.memref_squeeze %dma_start3A_61 : memref<1x128xi32, #tpu.memory_space<vmem>> -> memref<128xi32, #tpu.memory_space<vmem>>
        %dma_start3A_63 = arith.constant 0 : i32
        %dma_start3A_64 = tpu.memref_slice %arg8[%dma_start3A_63] : memref<10240xf32, #tpu.memory_space<vmem_shared>> -> memref<10240xf32, #tpu.memory_space<vmem_shared>>
        tpu.enqueue_indirect_dma source(%arg6 : memref<128xf32, #tpu.memory_space<vmem>>) target(%dma_start3A_64 : memref<10240xf32, #tpu.memory_space<vmem_shared>>) offsets(%dma_start3A_62 : memref<128xi32, #tpu.memory_space<vmem>>) semaphore(%run_scoped3A : memref<!tpu.dma_semaphore, #tpu.memory_space<semaphore_mem>>) {add = true}
        %dma_wait3A = arith.constant 0 : i32
        %dma_wait3A_65 = tpu.memref_slice %arg5[%scan3A_60, %dma_wait3A] : memref<80x128xi32, #tpu.memory_space<vmem>> -> memref<1x128xi32, #tpu.memory_space<vmem>>
        %dma_wait3A_66 = tpu.memref_squeeze %dma_wait3A_65 : memref<1x128xi32, #tpu.memory_space<vmem>> -> memref<128xi32, #tpu.memory_space<vmem>>
        %dma_wait3A_67 = arith.constant 0 : i32
        %dma_wait3A_68 = tpu.memref_slice %arg8[%dma_wait3A_67] : memref<10240xf32, #tpu.memory_space<vmem_shared>> -> memref<10240xf32, #tpu.memory_space<vmem_shared>>
        tpu.wait_indirect_dma semaphore(%run_scoped3A : memref<!tpu.dma_semaphore, #tpu.memory_space<semaphore_mem>>) src(%arg6 : memref<128xf32, #tpu.memory_space<vmem>>) dst(%dma_wait3A_68 : memref<10240xf32, #tpu.memory_space<vmem_shared>>)
        tpu.yield
      }) : () -> ()
    }
    %scan3A_49 = arith.constant 80 : i32
    %barrier3A_50 = arith.constant 0 : index
    tpu.barrier barrier_id(%barrier3A_50)
    %mul3A_51 = arith.constant 640 : i32
    %mul3A_52 = arith.muli %arg1, %mul3A_51 : i32
    "tpu.region"() ({
      %run_scoped3A = tpu.sem_alloc : memref<!tpu.dma_semaphore, #tpu.memory_space<semaphore_mem>>
      %dma_start3A = tpu.memref_slice %arg8[%mul3A_52] : memref<10240xf32, #tpu.memory_space<vmem_shared>> -> memref<640xf32, #tpu.memory_space<vmem_shared>>
      %dma_start3A_60 = tpu.memref_slice %arg8[%mul3A_52] : memref<10240xf32, #tpu.memory_space<vmem_shared>> -> memref<640xf32, #tpu.memory_space<vmem_shared>>
      tpu.enqueue_dma source(%dma_start3A_60 : memref<640xf32, #tpu.memory_space<vmem_shared>>) target(%arg7 : memref<640xf32, #tpu.memory_space<vmem>>) target_semaphore(%run_scoped3A : memref<!tpu.dma_semaphore, #tpu.memory_space<semaphore_mem>>)
      %dma_wait3A = tpu.memref_slice %arg8[%mul3A_52] : memref<10240xf32, #tpu.memory_space<vmem_shared>> -> memref<640xf32, #tpu.memory_space<vmem_shared>>
      %dma_wait3A_61 = tpu.memref_slice %arg8[%mul3A_52] : memref<10240xf32, #tpu.memory_space<vmem_shared>> -> memref<640xf32, #tpu.memory_space<vmem_shared>>
      tpu.wait_dma2 semaphore(%run_scoped3A : memref<!tpu.dma_semaphore, #tpu.memory_space<semaphore_mem>>) src(%dma_wait3A_61 : memref<640xf32, #tpu.memory_space<vmem_shared>>) dst(%arg7 : memref<640xf32, #tpu.memory_space<vmem>>)
      tpu.yield
    }) : () -> ()
    %eq3A = arith.constant 0 : i32
    %eq3A_53 = arith.cmpi eq, %arg0, %eq3A : i32
    %convert_element_type3A = arith.extui %eq3A_53 : i1 to i32
    %cond3A = arith.constant 0 : i32
    %cond3A_54 = arith.cmpi ne, %convert_element_type3A, %cond3A : i32
    scf.if %cond3A_54 {
      %mul3A_60 = arith.constant 640 : i32
      %mul3A_61 = arith.muli %arg1, %mul3A_60 : i32
      "tpu.region"() ({
        %run_scoped3A = tpu.sem_alloc : memref<!tpu.dma_semaphore, #tpu.memory_space<semaphore_mem>>
        %dma_start3A = tpu.memref_slice %arg3[%mul3A_61] : memref<10240xf32, #tpu.memory_space<hbm>> -> memref<640xf32, #tpu.memory_space<hbm>>
        %dma_start3A_62 = tpu.memref_slice %arg3[%mul3A_61] : memref<10240xf32, #tpu.memory_space<hbm>> -> memref<640xf32, #tpu.memory_space<hbm>>
        tpu.enqueue_dma source(%arg7 : memref<640xf32, #tpu.memory_space<vmem>>) target(%dma_start3A_62 : memref<640xf32, #tpu.memory_space<hbm>>) target_semaphore(%run_scoped3A : memref<!tpu.dma_semaphore, #tpu.memory_space<semaphore_mem>>)
        %dma_wait3A = tpu.memref_slice %arg3[%mul3A_61] : memref<10240xf32, #tpu.memory_space<hbm>> -> memref<640xf32, #tpu.memory_space<hbm>>
        %dma_wait3A_63 = tpu.memref_slice %arg3[%mul3A_61] : memref<10240xf32, #tpu.memory_space<hbm>> -> memref<640xf32, #tpu.memory_space<hbm>>
        tpu.wait_dma2 semaphore(%run_scoped3A : memref<!tpu.dma_semaphore, #tpu.memory_space<semaphore_mem>>) src(%arg7 : memref<640xf32, #tpu.memory_space<vmem>>) dst(%dma_wait3A_63 : memref<640xf32, #tpu.memory_space<hbm>>)
        tpu.yield
      }) : () -> ()
    } else {
    }
    %eq3A_55 = arith.constant 1 : i32
    %eq3A_56 = arith.cmpi eq, %arg0, %eq3A_55 : i32
    %convert_element_type3A_57 = arith.extui %eq3A_56 : i1 to i32
    %cond3A_58 = arith.constant 0 : i32
    %cond3A_59 = arith.cmpi ne, %convert_element_type3A_57, %cond3A_58 : i32
    scf.if %cond3A_59 {
      %mul3A_60 = arith.constant 640 : i32
      %mul3A_61 = arith.muli %arg1, %mul3A_60 : i32
      "tpu.region"() ({
        %run_scoped3A = tpu.sem_alloc : memref<!tpu.dma_semaphore, #tpu.memory_space<semaphore_mem>>
        %dma_start3A = tpu.memref_slice %arg4[%mul3A_61] : memref<10240xf32, #tpu.memory_space<hbm>> -> memref<640xf32, #tpu.memory_space<hbm>>
        %dma_start3A_62 = tpu.memref_slice %arg4[%mul3A_61] : memref<10240xf32, #tpu.memory_space<hbm>> -> memref<640xf32, #tpu.memory_space<hbm>>
        tpu.enqueue_dma source(%arg7 : memref<640xf32, #tpu.memory_space<vmem>>) target(%dma_start3A_62 : memref<640xf32, #tpu.memory_space<hbm>>) target_semaphore(%run_scoped3A : memref<!tpu.dma_semaphore, #tpu.memory_space<semaphore_mem>>)
        %dma_wait3A = tpu.memref_slice %arg4[%mul3A_61] : memref<10240xf32, #tpu.memory_space<hbm>> -> memref<640xf32, #tpu.memory_space<hbm>>
        %dma_wait3A_63 = tpu.memref_slice %arg4[%mul3A_61] : memref<10240xf32, #tpu.memory_space<hbm>> -> memref<640xf32, #tpu.memory_space<hbm>>
        tpu.wait_dma2 semaphore(%run_scoped3A : memref<!tpu.dma_semaphore, #tpu.memory_space<semaphore_mem>>) src(%arg7 : memref<640xf32, #tpu.memory_space<vmem>>) dst(%dma_wait3A_63 : memref<640xf32, #tpu.memory_space<hbm>>)
        tpu.yield
      }) : () -> ()
    } else {
    }
    return
  }
}

#map = affine_map<(d0, d1) -> (0)>
#map1 = affine_map<(d0, d1) -> (0, 0)>
module attributes {stable_mosaic.version = 14 : i64} {
  func.func @_sc_prop(%arg0: i32, %arg1: i32, %arg2: memref<327680xi32, #tpu.memory_space<hbm>>, %arg3: memref<2560x128xi32, #tpu.memory_space<hbm>>, %arg4: memref<10000x128xf32, #tpu.memory_space<hbm>>, %arg5: memref<10240x128xf32, #tpu.memory_space<hbm>>, %arg6: memref<10240x128xf32, #tpu.memory_space<hbm>>, %arg7: memref<10240xi32, #tpu.memory_space<vmem>>, %arg8: memref<40x128xi32, #tpu.memory_space<vmem>>, %arg9: memref<128x128xf32, #tpu.memory_space<vmem>>, %arg10: memref<128x128xf32, #tpu.memory_space<vmem>>, %arg11: memref<10240x128xf32, #tpu.memory_space<vmem_shared>>, %arg12: memref<!tpu.dma_semaphore, #tpu.memory_space<semaphore_mem>>, %arg13: memref<!tpu.dma_semaphore, #tpu.memory_space<semaphore_mem>>, %arg14: memref<!tpu.dma_semaphore, #tpu.memory_space<semaphore_mem>>) attributes {dimension_semantics = [#tpu.dimension_semantics<core_parallel>, #tpu.dimension_semantics<subcore_parallel>], iteration_bounds = array<i64: 2, 16>, scalar_prefetch = 0 : i64, scratch_operands = 8 : i64, tpu.core_type = #tpu.core_type<sc_vector_subcore>, window_params = [{transform_indices = #map}, {transform_indices = #map1}, {transform_indices = #map1}, {transform_indices = #map1}, {transform_indices = #map1}]} {
    %mul3A = arith.constant 16 : i32
    %mul3A_0 = arith.muli %arg0, %mul3A : i32
    %add3A = arith.addi %mul3A_0, %arg1 : i32
    %mul3A_1 = arith.constant 10240 : i32
    %mul3A_2 = arith.muli %add3A, %mul3A_1 : i32
    %multiple_of3A = tpu.assume_multiple %mul3A_2, 8 : i32
    %dma_start3A = tpu.memref_slice %arg2[%multiple_of3A] : memref<327680xi32, #tpu.memory_space<hbm>> -> memref<10240xi32, #tpu.memory_space<hbm>>
    %dma_start3A_3 = tpu.memref_slice %arg2[%multiple_of3A] : memref<327680xi32, #tpu.memory_space<hbm>> -> memref<10240xi32, #tpu.memory_space<hbm>>
    tpu.enqueue_dma source(%dma_start3A_3 : memref<10240xi32, #tpu.memory_space<hbm>>) target(%arg7 : memref<10240xi32, #tpu.memory_space<vmem>>) target_semaphore(%arg12 : memref<!tpu.dma_semaphore, #tpu.memory_space<semaphore_mem>>)
    %mul3A_4 = arith.constant 80 : i32
    %mul3A_5 = arith.muli %add3A, %mul3A_4 : i32
    %dma_start3A_6 = arith.constant 0 : i32
    %dma_start3A_7 = tpu.memref_slice %arg3[%mul3A_5, %dma_start3A_6] : memref<2560x128xi32, #tpu.memory_space<hbm>> -> memref<40x128xi32, #tpu.memory_space<hbm>>
    %dma_start3A_8 = arith.constant 0 : i32
    %dma_start3A_9 = tpu.memref_slice %arg3[%mul3A_5, %dma_start3A_8] : memref<2560x128xi32, #tpu.memory_space<hbm>> -> memref<40x128xi32, #tpu.memory_space<hbm>>
    tpu.enqueue_dma source(%dma_start3A_9 : memref<40x128xi32, #tpu.memory_space<hbm>>) target(%arg8 : memref<40x128xi32, #tpu.memory_space<vmem>>) target_semaphore(%arg13 : memref<!tpu.dma_semaphore, #tpu.memory_space<semaphore_mem>>)
    %broadcast_in_dim3A = arith.constant 0.000000e+00 : f32
    %broadcast_in_dim3A_10 = vector.broadcast %broadcast_in_dim3A : f32 to vector<16xf32>
    %scan3A = arith.constant 0 : i32
    %scan3A_11 = arith.constant 0 : i32
    %scan3A_12 = arith.constant 128 : i32
    %scan3A_13 = arith.addi %scan3A_11, %scan3A_12 : i32
    %scan3A_14 = arith.constant 1 : i32
    scf.for %scan3A_123 = %scan3A_11 to %scan3A_13 step %scan3A_14  : i32 {
      %swap3A = arith.index_cast %scan3A_123 : i32 to index
      %swap3A_124 = arith.constant 0 : index
      %swap3A_125 = tpu.vector_load %arg10[%swap3A, %swap3A_124] {strides = array<i32>} : memref<128x128xf32, #tpu.memory_space<vmem>>, vector<1x16xf32>,
      %swap3A_126 = vector.shape_cast %swap3A_125 : vector<1x16xf32> to vector<16xf32>
      %swap3A_127 = vector.shape_cast %broadcast_in_dim3A_10 : vector<16xf32> to vector<1x16xf32>
      tpu.vector_store %arg10[%swap3A, %swap3A_124], %swap3A_127 {strides = array<i32>} : memref<128x128xf32, #tpu.memory_space<vmem>>, vector<1x16xf32>,
      %swap3A_128 = arith.index_cast %scan3A_123 : i32 to index
      %swap3A_129 = arith.constant 16 : index
      %swap3A_130 = tpu.vector_load %arg10[%swap3A_128, %swap3A_129] {strides = array<i32>} : memref<128x128xf32, #tpu.memory_space<vmem>>, vector<1x16xf32>,
      %swap3A_131 = vector.shape_cast %swap3A_130 : vector<1x16xf32> to vector<16xf32>
      %swap3A_132 = vector.shape_cast %broadcast_in_dim3A_10 : vector<16xf32> to vector<1x16xf32>
      tpu.vector_store %arg10[%swap3A_128, %swap3A_129], %swap3A_132 {strides = array<i32>} : memref<128x128xf32, #tpu.memory_space<vmem>>, vector<1x16xf32>,
      %swap3A_133 = arith.index_cast %scan3A_123 : i32 to index
      %swap3A_134 = arith.constant 32 : index
      %swap3A_135 = tpu.vector_load %arg10[%swap3A_133, %swap3A_134] {strides = array<i32>} : memref<128x128xf32, #tpu.memory_space<vmem>>, vector<1x16xf32>,
      %swap3A_136 = vector.shape_cast %swap3A_135 : vector<1x16xf32> to vector<16xf32>
      %swap3A_137 = vector.shape_cast %broadcast_in_dim3A_10 : vector<16xf32> to vector<1x16xf32>
      tpu.vector_store %arg10[%swap3A_133, %swap3A_134], %swap3A_137 {strides = array<i32>} : memref<128x128xf32, #tpu.memory_space<vmem>>, vector<1x16xf32>,
      %swap3A_138 = arith.index_cast %scan3A_123 : i32 to index
      %swap3A_139 = arith.constant 48 : index
      %swap3A_140 = tpu.vector_load %arg10[%swap3A_138, %swap3A_139] {strides = array<i32>} : memref<128x128xf32, #tpu.memory_space<vmem>>, vector<1x16xf32>,
      %swap3A_141 = vector.shape_cast %swap3A_140 : vector<1x16xf32> to vector<16xf32>
      %swap3A_142 = vector.shape_cast %broadcast_in_dim3A_10 : vector<16xf32> to vector<1x16xf32>
      tpu.vector_store %arg10[%swap3A_138, %swap3A_139], %swap3A_142 {strides = array<i32>} : memref<128x128xf32, #tpu.memory_space<vmem>>, vector<1x16xf32>,
      %swap3A_143 = arith.index_cast %scan3A_123 : i32 to index
      %swap3A_144 = arith.constant 64 : index
      %swap3A_145 = tpu.vector_load %arg10[%swap3A_143, %swap3A_144] {strides = array<i32>} : memref<128x128xf32, #tpu.memory_space<vmem>>, vector<1x16xf32>,
      %swap3A_146 = vector.shape_cast %swap3A_145 : vector<1x16xf32> to vector<16xf32>
      %swap3A_147 = vector.shape_cast %broadcast_in_dim3A_10 : vector<16xf32> to vector<1x16xf32>
      tpu.vector_store %arg10[%swap3A_143, %swap3A_144], %swap3A_147 {strides = array<i32>} : memref<128x128xf32, #tpu.memory_space<vmem>>, vector<1x16xf32>,
      %swap3A_148 = arith.index_cast %scan3A_123 : i32 to index
      %swap3A_149 = arith.constant 80 : index
      %swap3A_150 = tpu.vector_load %arg10[%swap3A_148, %swap3A_149] {strides = array<i32>} : memref<128x128xf32, #tpu.memory_space<vmem>>, vector<1x16xf32>,
      %swap3A_151 = vector.shape_cast %swap3A_150 : vector<1x16xf32> to vector<16xf32>
      %swap3A_152 = vector.shape_cast %broadcast_in_dim3A_10 : vector<16xf32> to vector<1x16xf32>
      tpu.vector_store %arg10[%swap3A_148, %swap3A_149], %swap3A_152 {strides = array<i32>} : memref<128x128xf32, #tpu.memory_space<vmem>>, vector<1x16xf32>,
      %swap3A_153 = arith.index_cast %scan3A_123 : i32 to index
      %swap3A_154 = arith.constant 96 : index
      %swap3A_155 = tpu.vector_load %arg10[%swap3A_153, %swap3A_154] {strides = array<i32>} : memref<128x128xf32, #tpu.memory_space<vmem>>, vector<1x16xf32>,
      %swap3A_156 = vector.shape_cast %swap3A_155 : vector<1x16xf32> to vector<16xf32>
      %swap3A_157 = vector.shape_cast %broadcast_in_dim3A_10 : vector<16xf32> to vector<1x16xf32>
      tpu.vector_store %arg10[%swap3A_153, %swap3A_154], %swap3A_157 {strides = array<i32>} : memref<128x128xf32, #tpu.memory_space<vmem>>, vector<1x16xf32>,
      %swap3A_158 = arith.index_cast %scan3A_123 : i32 to index
      %swap3A_159 = arith.constant 112 : index
      %swap3A_160 = tpu.vector_load %arg10[%swap3A_158, %swap3A_159] {strides = array<i32>} : memref<128x128xf32, #tpu.memory_space<vmem>>, vector<1x16xf32>,
      %swap3A_161 = vector.shape_cast %swap3A_160 : vector<1x16xf32> to vector<16xf32>
      %swap3A_162 = vector.shape_cast %broadcast_in_dim3A_10 : vector<16xf32> to vector<1x16xf32>
      tpu.vector_store %arg10[%swap3A_158, %swap3A_159], %swap3A_162 {strides = array<i32>} : memref<128x128xf32, #tpu.memory_space<vmem>>, vector<1x16xf32>,
    }
    %scan3A_15 = arith.constant 128 : i32
    %mul3A_16 = arith.constant 640 : i32
    %mul3A_17 = arith.muli %arg1, %mul3A_16 : i32
    %add3A_18 = arith.constant 0 : i32
    %add3A_19 = arith.addi %mul3A_17, %add3A_18 : i32
    %dma_start3A_20 = arith.constant 0 : i32
    %dma_start3A_21 = tpu.memref_slice %arg11[%add3A_19, %dma_start3A_20] : memref<10240x128xf32, #tpu.memory_space<vmem_shared>> -> memref<128x128xf32, #tpu.memory_space<vmem_shared>>
    %dma_start3A_22 = arith.constant 0 : i32
    %dma_start3A_23 = tpu.memref_slice %arg11[%add3A_19, %dma_start3A_22] : memref<10240x128xf32, #tpu.memory_space<vmem_shared>> -> memref<128x128xf32, #tpu.memory_space<vmem_shared>>
    tpu.enqueue_dma source(%arg10 : memref<128x128xf32, #tpu.memory_space<vmem>>) target(%dma_start3A_23 : memref<128x128xf32, #tpu.memory_space<vmem_shared>>) target_semaphore(%arg14 : memref<!tpu.dma_semaphore, #tpu.memory_space<semaphore_mem>>)
    %mul3A_24 = arith.constant 640 : i32
    %mul3A_25 = arith.muli %arg1, %mul3A_24 : i32
    %add3A_26 = arith.constant 128 : i32
    %add3A_27 = arith.addi %mul3A_25, %add3A_26 : i32
    %dma_start3A_28 = arith.constant 0 : i32
    %dma_start3A_29 = tpu.memref_slice %arg11[%add3A_27, %dma_start3A_28] : memref<10240x128xf32, #tpu.memory_space<vmem_shared>> -> memref<128x128xf32, #tpu.memory_space<vmem_shared>>
    %dma_start3A_30 = arith.constant 0 : i32
    %dma_start3A_31 = tpu.memref_slice %arg11[%add3A_27, %dma_start3A_30] : memref<10240x128xf32, #tpu.memory_space<vmem_shared>> -> memref<128x128xf32, #tpu.memory_space<vmem_shared>>
    tpu.enqueue_dma source(%arg10 : memref<128x128xf32, #tpu.memory_space<vmem>>) target(%dma_start3A_31 : memref<128x128xf32, #tpu.memory_space<vmem_shared>>) target_semaphore(%arg14 : memref<!tpu.dma_semaphore, #tpu.memory_space<semaphore_mem>>)
    %mul3A_32 = arith.constant 640 : i32
    %mul3A_33 = arith.muli %arg1, %mul3A_32 : i32
    %add3A_34 = arith.constant 256 : i32
    %add3A_35 = arith.addi %mul3A_33, %add3A_34 : i32
    %dma_start3A_36 = arith.constant 0 : i32
    %dma_start3A_37 = tpu.memref_slice %arg11[%add3A_35, %dma_start3A_36] : memref<10240x128xf32, #tpu.memory_space<vmem_shared>> -> memref<128x128xf32, #tpu.memory_space<vmem_shared>>
    %dma_start3A_38 = arith.constant 0 : i32
    %dma_start3A_39 = tpu.memref_slice %arg11[%add3A_35, %dma_start3A_38] : memref<10240x128xf32, #tpu.memory_space<vmem_shared>> -> memref<128x128xf32, #tpu.memory_space<vmem_shared>>
    tpu.enqueue_dma source(%arg10 : memref<128x128xf32, #tpu.memory_space<vmem>>) target(%dma_start3A_39 : memref<128x128xf32, #tpu.memory_space<vmem_shared>>) target_semaphore(%arg14 : memref<!tpu.dma_semaphore, #tpu.memory_space<semaphore_mem>>)
    %mul3A_40 = arith.constant 640 : i32
    %mul3A_41 = arith.muli %arg1, %mul3A_40 : i32
    %add3A_42 = arith.constant 384 : i32
    %add3A_43 = arith.addi %mul3A_41, %add3A_42 : i32
    %dma_start3A_44 = arith.constant 0 : i32
    %dma_start3A_45 = tpu.memref_slice %arg11[%add3A_43, %dma_start3A_44] : memref<10240x128xf32, #tpu.memory_space<vmem_shared>> -> memref<128x128xf32, #tpu.memory_space<vmem_shared>>
    %dma_start3A_46 = arith.constant 0 : i32
    %dma_start3A_47 = tpu.memref_slice %arg11[%add3A_43, %dma_start3A_46] : memref<10240x128xf32, #tpu.memory_space<vmem_shared>> -> memref<128x128xf32, #tpu.memory_space<vmem_shared>>
    tpu.enqueue_dma source(%arg10 : memref<128x128xf32, #tpu.memory_space<vmem>>) target(%dma_start3A_47 : memref<128x128xf32, #tpu.memory_space<vmem_shared>>) target_semaphore(%arg14 : memref<!tpu.dma_semaphore, #tpu.memory_space<semaphore_mem>>)
    %mul3A_48 = arith.constant 640 : i32
    %mul3A_49 = arith.muli %arg1, %mul3A_48 : i32
    %add3A_50 = arith.constant 512 : i32
    %add3A_51 = arith.addi %mul3A_49, %add3A_50 : i32
    %dma_start3A_52 = arith.constant 0 : i32
    %dma_start3A_53 = tpu.memref_slice %arg11[%add3A_51, %dma_start3A_52] : memref<10240x128xf32, #tpu.memory_space<vmem_shared>> -> memref<128x128xf32, #tpu.memory_space<vmem_shared>>
    %dma_start3A_54 = arith.constant 0 : i32
    %dma_start3A_55 = tpu.memref_slice %arg11[%add3A_51, %dma_start3A_54] : memref<10240x128xf32, #tpu.memory_space<vmem_shared>> -> memref<128x128xf32, #tpu.memory_space<vmem_shared>>
    tpu.enqueue_dma source(%arg10 : memref<128x128xf32, #tpu.memory_space<vmem>>) target(%dma_start3A_55 : memref<128x128xf32, #tpu.memory_space<vmem_shared>>) target_semaphore(%arg14 : memref<!tpu.dma_semaphore, #tpu.memory_space<semaphore_mem>>)
    %mul3A_56 = arith.constant 640 : i32
    %mul3A_57 = arith.muli %arg1, %mul3A_56 : i32
    %add3A_58 = arith.constant 0 : i32
    %add3A_59 = arith.addi %mul3A_57, %add3A_58 : i32
    %dma_wait3A = arith.constant 0 : i32
    %dma_wait3A_60 = tpu.memref_slice %arg11[%add3A_59, %dma_wait3A] : memref<10240x128xf32, #tpu.memory_space<vmem_shared>> -> memref<128x128xf32, #tpu.memory_space<vmem_shared>>
    %dma_wait3A_61 = arith.constant 0 : i32
    %dma_wait3A_62 = tpu.memref_slice %arg11[%add3A_59, %dma_wait3A_61] : memref<10240x128xf32, #tpu.memory_space<vmem_shared>> -> memref<128x128xf32, #tpu.memory_space<vmem_shared>>
    tpu.wait_dma2 semaphore(%arg14 : memref<!tpu.dma_semaphore, #tpu.memory_space<semaphore_mem>>) src(%arg10 : memref<128x128xf32, #tpu.memory_space<vmem>>) dst(%dma_wait3A_62 : memref<128x128xf32, #tpu.memory_space<vmem_shared>>)
    %mul3A_63 = arith.constant 640 : i32
    %mul3A_64 = arith.muli %arg1, %mul3A_63 : i32
    %add3A_65 = arith.constant 128 : i32
    %add3A_66 = arith.addi %mul3A_64, %add3A_65 : i32
    %dma_wait3A_67 = arith.constant 0 : i32
    %dma_wait3A_68 = tpu.memref_slice %arg11[%add3A_66, %dma_wait3A_67] : memref<10240x128xf32, #tpu.memory_space<vmem_shared>> -> memref<128x128xf32, #tpu.memory_space<vmem_shared>>
    %dma_wait3A_69 = arith.constant 0 : i32
    %dma_wait3A_70 = tpu.memref_slice %arg11[%add3A_66, %dma_wait3A_69] : memref<10240x128xf32, #tpu.memory_space<vmem_shared>> -> memref<128x128xf32, #tpu.memory_space<vmem_shared>>
    tpu.wait_dma2 semaphore(%arg14 : memref<!tpu.dma_semaphore, #tpu.memory_space<semaphore_mem>>) src(%arg10 : memref<128x128xf32, #tpu.memory_space<vmem>>) dst(%dma_wait3A_70 : memref<128x128xf32, #tpu.memory_space<vmem_shared>>)
    %mul3A_71 = arith.constant 640 : i32
    %mul3A_72 = arith.muli %arg1, %mul3A_71 : i32
    %add3A_73 = arith.constant 256 : i32
    %add3A_74 = arith.addi %mul3A_72, %add3A_73 : i32
    %dma_wait3A_75 = arith.constant 0 : i32
    %dma_wait3A_76 = tpu.memref_slice %arg11[%add3A_74, %dma_wait3A_75] : memref<10240x128xf32, #tpu.memory_space<vmem_shared>> -> memref<128x128xf32, #tpu.memory_space<vmem_shared>>
    %dma_wait3A_77 = arith.constant 0 : i32
    %dma_wait3A_78 = tpu.memref_slice %arg11[%add3A_74, %dma_wait3A_77] : memref<10240x128xf32, #tpu.memory_space<vmem_shared>> -> memref<128x128xf32, #tpu.memory_space<vmem_shared>>
    tpu.wait_dma2 semaphore(%arg14 : memref<!tpu.dma_semaphore, #tpu.memory_space<semaphore_mem>>) src(%arg10 : memref<128x128xf32, #tpu.memory_space<vmem>>) dst(%dma_wait3A_78 : memref<128x128xf32, #tpu.memory_space<vmem_shared>>)
    %mul3A_79 = arith.constant 640 : i32
    %mul3A_80 = arith.muli %arg1, %mul3A_79 : i32
    %add3A_81 = arith.constant 384 : i32
    %add3A_82 = arith.addi %mul3A_80, %add3A_81 : i32
    %dma_wait3A_83 = arith.constant 0 : i32
    %dma_wait3A_84 = tpu.memref_slice %arg11[%add3A_82, %dma_wait3A_83] : memref<10240x128xf32, #tpu.memory_space<vmem_shared>> -> memref<128x128xf32, #tpu.memory_space<vmem_shared>>
    %dma_wait3A_85 = arith.constant 0 : i32
    %dma_wait3A_86 = tpu.memref_slice %arg11[%add3A_82, %dma_wait3A_85] : memref<10240x128xf32, #tpu.memory_space<vmem_shared>> -> memref<128x128xf32, #tpu.memory_space<vmem_shared>>
    tpu.wait_dma2 semaphore(%arg14 : memref<!tpu.dma_semaphore, #tpu.memory_space<semaphore_mem>>) src(%arg10 : memref<128x128xf32, #tpu.memory_space<vmem>>) dst(%dma_wait3A_86 : memref<128x128xf32, #tpu.memory_space<vmem_shared>>)
    %mul3A_87 = arith.constant 640 : i32
    %mul3A_88 = arith.muli %arg1, %mul3A_87 : i32
    %add3A_89 = arith.constant 512 : i32
    %add3A_90 = arith.addi %mul3A_88, %add3A_89 : i32
    %dma_wait3A_91 = arith.constant 0 : i32
    %dma_wait3A_92 = tpu.memref_slice %arg11[%add3A_90, %dma_wait3A_91] : memref<10240x128xf32, #tpu.memory_space<vmem_shared>> -> memref<128x128xf32, #tpu.memory_space<vmem_shared>>
    %dma_wait3A_93 = arith.constant 0 : i32
    %dma_wait3A_94 = tpu.memref_slice %arg11[%add3A_90, %dma_wait3A_93] : memref<10240x128xf32, #tpu.memory_space<vmem_shared>> -> memref<128x128xf32, #tpu.memory_space<vmem_shared>>
    tpu.wait_dma2 semaphore(%arg14 : memref<!tpu.dma_semaphore, #tpu.memory_space<semaphore_mem>>) src(%arg10 : memref<128x128xf32, #tpu.memory_space<vmem>>) dst(%dma_wait3A_94 : memref<128x128xf32, #tpu.memory_space<vmem_shared>>)
    %dma_wait3A_95 = tpu.memref_slice %arg2[%multiple_of3A] : memref<327680xi32, #tpu.memory_space<hbm>> -> memref<10240xi32, #tpu.memory_space<hbm>>
    %dma_wait3A_96 = tpu.memref_slice %arg2[%multiple_of3A] : memref<327680xi32, #tpu.memory_space<hbm>> -> memref<10240xi32, #tpu.memory_space<hbm>>
    tpu.wait_dma2 semaphore(%arg12 : memref<!tpu.dma_semaphore, #tpu.memory_space<semaphore_mem>>) src(%dma_wait3A_96 : memref<10240xi32, #tpu.memory_space<hbm>>) dst(%arg7 : memref<10240xi32, #tpu.memory_space<vmem>>)
    %mul3A_97 = arith.constant 80 : i32
    %mul3A_98 = arith.muli %add3A, %mul3A_97 : i32
    %dma_wait3A_99 = arith.constant 0 : i32
    %dma_wait3A_100 = tpu.memref_slice %arg3[%mul3A_98, %dma_wait3A_99] : memref<2560x128xi32, #tpu.memory_space<hbm>> -> memref<40x128xi32, #tpu.memory_space<hbm>>
    %dma_wait3A_101 = arith.constant 0 : i32
    %dma_wait3A_102 = tpu.memref_slice %arg3[%mul3A_98, %dma_wait3A_101] : memref<2560x128xi32, #tpu.memory_space<hbm>> -> memref<40x128xi32, #tpu.memory_space<hbm>>
    tpu.wait_dma2 semaphore(%arg13 : memref<!tpu.dma_semaphore, #tpu.memory_space<semaphore_mem>>) src(%dma_wait3A_102 : memref<40x128xi32, #tpu.memory_space<hbm>>) dst(%arg8 : memref<40x128xi32, #tpu.memory_space<vmem>>)
    %barrier3A = arith.constant 0 : index
    tpu.barrier barrier_id(%barrier3A)
    %multiple_of3A_103 = arith.constant 0 : i32
    %multiple_of3A_104 = tpu.assume_multiple %multiple_of3A_103, 8 : i32
    %dma_start3A_105 = tpu.memref_slice %arg7[%multiple_of3A_104] : memref<10240xi32, #tpu.memory_space<vmem>> -> memref<128xi32, #tpu.memory_space<vmem>>
    %dma_start3A_106 = arith.constant 0 : i32
    %dma_start3A_107 = arith.constant 0 : i32
    %dma_start3A_108 = tpu.memref_slice %arg4[%dma_start3A_106, %dma_start3A_107] : memref<10000x128xf32, #tpu.memory_space<hbm>> -> memref<10000x128xf32, #tpu.memory_space<hbm>>
    tpu.enqueue_indirect_dma source(%dma_start3A_108 : memref<10000x128xf32, #tpu.memory_space<hbm>>) target(%arg9 : memref<128x128xf32, #tpu.memory_space<vmem>>) offsets(%dma_start3A_105 : memref<128xi32, #tpu.memory_space<vmem>>) semaphore(%arg12 : memref<!tpu.dma_semaphore, #tpu.memory_space<semaphore_mem>>)
    %scan3A_109 = arith.constant 0 : i32
    %scan3A_110 = arith.constant 0 : i32
    %scan3A_111 = arith.constant 40 : i32
    %scan3A_112 = arith.addi %scan3A_110, %scan3A_111 : i32
    %scan3A_113 = arith.constant 1 : i32
    scf.for %scan3A_123 = %scan3A_110 to %scan3A_112 step %scan3A_113  : i32 {
      %mul3A_124 = arith.constant 2 : i32
      %mul3A_125 = arith.muli %mul3A_124, %scan3A_123 : i32
      %rem3A = arith.constant 40 : i32
      %rem3A_126 = arith.remsi %mul3A_125, %rem3A : i32
      %eq3A_127 = arith.constant 40 : i32
      %eq3A_128 = arith.cmpi eq, %mul3A_125, %eq3A_127 : i32
      %convert_element_type3A_129 = arith.extui %eq3A_128 : i1 to i32
      %cond3A_130 = arith.constant 0 : i32
      %cond3A_131 = arith.cmpi ne, %convert_element_type3A_129, %cond3A_130 : i32
      scf.if %cond3A_131 {
        %mul3A_163 = arith.constant 80 : i32
        %mul3A_164 = arith.muli %add3A, %mul3A_163 : i32
        %add3A_165 = arith.constant 40 : i32
        %add3A_166 = arith.addi %mul3A_164, %add3A_165 : i32
        "tpu.region"() ({
          %run_scoped3A = tpu.sem_alloc : memref<!tpu.dma_semaphore, #tpu.memory_space<semaphore_mem>>
          %dma_start3A_167 = arith.constant 0 : i32
          %dma_start3A_168 = tpu.memref_slice %arg3[%add3A_166, %dma_start3A_167] : memref<2560x128xi32, #tpu.memory_space<hbm>> -> memref<40x128xi32, #tpu.memory_space<hbm>>
          %dma_start3A_169 = arith.constant 0 : i32
          %dma_start3A_170 = tpu.memref_slice %arg3[%add3A_166, %dma_start3A_169] : memref<2560x128xi32, #tpu.memory_space<hbm>> -> memref<40x128xi32, #tpu.memory_space<hbm>>
          tpu.enqueue_dma source(%dma_start3A_170 : memref<40x128xi32, #tpu.memory_space<hbm>>) target(%arg8 : memref<40x128xi32, #tpu.memory_space<vmem>>) target_semaphore(%run_scoped3A : memref<!tpu.dma_semaphore, #tpu.memory_space<semaphore_mem>>)
          %dma_wait3A_171 = arith.constant 0 : i32
          %dma_wait3A_172 = tpu.memref_slice %arg3[%add3A_166, %dma_wait3A_171] : memref<2560x128xi32, #tpu.memory_space<hbm>> -> memref<40x128xi32, #tpu.memory_space<hbm>>
          %dma_wait3A_173 = arith.constant 0 : i32
          %dma_wait3A_174 = tpu.memref_slice %arg3[%add3A_166, %dma_wait3A_173] : memref<2560x128xi32, #tpu.memory_space<hbm>> -> memref<40x128xi32, #tpu.memory_space<hbm>>
          tpu.wait_dma2 semaphore(%run_scoped3A : memref<!tpu.dma_semaphore, #tpu.memory_space<semaphore_mem>>) src(%dma_wait3A_174 : memref<40x128xi32, #tpu.memory_space<hbm>>) dst(%arg8 : memref<40x128xi32, #tpu.memory_space<vmem>>)
          tpu.yield
        }) : () -> ()
      } else {
      }
      %add3A_132 = arith.constant 1 : i32
      %add3A_133 = arith.addi %mul3A_125, %add3A_132 : i32
      %mul3A_134 = arith.constant 128 : i32
      %mul3A_135 = arith.muli %add3A_133, %mul3A_134 : i32
      %multiple_of3A_136 = tpu.assume_multiple %mul3A_135, 8 : i32
      %dma_start3A_137 = tpu.memref_slice %arg7[%multiple_of3A_136] : memref<10240xi32, #tpu.memory_space<vmem>> -> memref<128xi32, #tpu.memory_space<vmem>>
      %dma_start3A_138 = arith.constant 0 : i32
      %dma_start3A_139 = arith.constant 0 : i32
      %dma_start3A_140 = tpu.memref_slice %arg4[%dma_start3A_138, %dma_start3A_139] : memref<10000x128xf32, #tpu.memory_space<hbm>> -> memref<10000x128xf32, #tpu.memory_space<hbm>>
      tpu.enqueue_indirect_dma source(%dma_start3A_140 : memref<10000x128xf32, #tpu.memory_space<hbm>>) target(%arg10 : memref<128x128xf32, #tpu.memory_space<vmem>>) offsets(%dma_start3A_137 : memref<128xi32, #tpu.memory_space<vmem>>) semaphore(%arg13 : memref<!tpu.dma_semaphore, #tpu.memory_space<semaphore_mem>>)
      %mul3A_141 = arith.constant 128 : i32
      %mul3A_142 = arith.muli %mul3A_125, %mul3A_141 : i32
      %multiple_of3A_143 = tpu.assume_multiple %mul3A_142, 8 : i32
      %dma_wait3A_144 = tpu.memref_slice %arg7[%multiple_of3A_143] : memref<10240xi32, #tpu.memory_space<vmem>> -> memref<128xi32, #tpu.memory_space<vmem>>
      %dma_wait3A_145 = arith.constant 0 : i32
      %dma_wait3A_146 = arith.constant 0 : i32
      %dma_wait3A_147 = tpu.memref_slice %arg4[%dma_wait3A_145, %dma_wait3A_146] : memref<10000x128xf32, #tpu.memory_space<hbm>> -> memref<10000x128xf32, #tpu.memory_space<hbm>>
      tpu.wait_indirect_dma semaphore(%arg12 : memref<!tpu.dma_semaphore, #tpu.memory_space<semaphore_mem>>) src(%dma_wait3A_147 : memref<10000x128xf32, #tpu.memory_space<hbm>>) dst(%arg9 : memref<128x128xf32, #tpu.memory_space<vmem>>)
      "tpu.region"() ({
        %run_scoped3A = tpu.sem_alloc : memref<!tpu.dma_semaphore, #tpu.memory_space<semaphore_mem>>
        %dma_start3A_163 = arith.constant 0 : i32
        %dma_start3A_164 = tpu.memref_slice %arg8[%rem3A_126, %dma_start3A_163] : memref<40x128xi32, #tpu.memory_space<vmem>> -> memref<1x128xi32, #tpu.memory_space<vmem>>
        %dma_start3A_165 = tpu.memref_squeeze %dma_start3A_164 : memref<1x128xi32, #tpu.memory_space<vmem>> -> memref<128xi32, #tpu.memory_space<vmem>>
        %dma_start3A_166 = arith.constant 0 : i32
        %dma_start3A_167 = arith.constant 0 : i32
        %dma_start3A_168 = tpu.memref_slice %arg11[%dma_start3A_166, %dma_start3A_167] : memref<10240x128xf32, #tpu.memory_space<vmem_shared>> -> memref<10240x128xf32, #tpu.memory_space<vmem_shared>>
        tpu.enqueue_indirect_dma source(%arg9 : memref<128x128xf32, #tpu.memory_space<vmem>>) target(%dma_start3A_168 : memref<10240x128xf32, #tpu.memory_space<vmem_shared>>) offsets(%dma_start3A_165 : memref<128xi32, #tpu.memory_space<vmem>>) semaphore(%run_scoped3A : memref<!tpu.dma_semaphore, #tpu.memory_space<semaphore_mem>>) {add = true}
        %dma_wait3A_169 = arith.constant 0 : i32
        %dma_wait3A_170 = tpu.memref_slice %arg8[%rem3A_126, %dma_wait3A_169] : memref<40x128xi32, #tpu.memory_space<vmem>> -> memref<1x128xi32, #tpu.memory_space<vmem>>
        %dma_wait3A_171 = tpu.memref_squeeze %dma_wait3A_170 : memref<1x128xi32, #tpu.memory_space<vmem>> -> memref<128xi32, #tpu.memory_space<vmem>>
        %dma_wait3A_172 = arith.constant 0 : i32
        %dma_wait3A_173 = arith.constant 0 : i32
        %dma_wait3A_174 = tpu.memref_slice %arg11[%dma_wait3A_172, %dma_wait3A_173] : memref<10240x128xf32, #tpu.memory_space<vmem_shared>> -> memref<10240x128xf32, #tpu.memory_space<vmem_shared>>
        tpu.wait_indirect_dma semaphore(%run_scoped3A : memref<!tpu.dma_semaphore, #tpu.memory_space<semaphore_mem>>) src(%arg9 : memref<128x128xf32, #tpu.memory_space<vmem>>) dst(%dma_wait3A_174 : memref<10240x128xf32, #tpu.memory_space<vmem_shared>>)
        tpu.yield
      }) : () -> ()
      %lt3A = arith.constant 39 : i32
      %lt3A_148 = arith.cmpi slt, %scan3A_123, %lt3A : i32
      %convert_element_type3A_149 = arith.extui %lt3A_148 : i1 to i32
      %cond3A_150 = arith.constant 0 : i32
      %cond3A_151 = arith.cmpi ne, %convert_element_type3A_149, %cond3A_150 : i32
      scf.if %cond3A_151 {
        %add3A_163 = arith.constant 2 : i32
        %add3A_164 = arith.addi %mul3A_125, %add3A_163 : i32
        %mul3A_165 = arith.constant 128 : i32
        %mul3A_166 = arith.muli %add3A_164, %mul3A_165 : i32
        %multiple_of3A_167 = tpu.assume_multiple %mul3A_166, 8 : i32
        %dma_start3A_168 = tpu.memref_slice %arg7[%multiple_of3A_167] : memref<10240xi32, #tpu.memory_space<vmem>> -> memref<128xi32, #tpu.memory_space<vmem>>
        %dma_start3A_169 = arith.constant 0 : i32
        %dma_start3A_170 = arith.constant 0 : i32
        %dma_start3A_171 = tpu.memref_slice %arg4[%dma_start3A_169, %dma_start3A_170] : memref<10000x128xf32, #tpu.memory_space<hbm>> -> memref<10000x128xf32, #tpu.memory_space<hbm>>
        tpu.enqueue_indirect_dma source(%dma_start3A_171 : memref<10000x128xf32, #tpu.memory_space<hbm>>) target(%arg9 : memref<128x128xf32, #tpu.memory_space<vmem>>) offsets(%dma_start3A_168 : memref<128xi32, #tpu.memory_space<vmem>>) semaphore(%arg12 : memref<!tpu.dma_semaphore, #tpu.memory_space<semaphore_mem>>)
      } else {
      }
      %add3A_152 = arith.constant 1 : i32
      %add3A_153 = arith.addi %mul3A_125, %add3A_152 : i32
      %mul3A_154 = arith.constant 128 : i32
      %mul3A_155 = arith.muli %add3A_153, %mul3A_154 : i32
      %multiple_of3A_156 = tpu.assume_multiple %mul3A_155, 8 : i32
      %dma_wait3A_157 = tpu.memref_slice %arg7[%multiple_of3A_156] : memref<10240xi32, #tpu.memory_space<vmem>> -> memref<128xi32, #tpu.memory_space<vmem>>
      %dma_wait3A_158 = arith.constant 0 : i32
      %dma_wait3A_159 = arith.constant 0 : i32
      %dma_wait3A_160 = tpu.memref_slice %arg4[%dma_wait3A_158, %dma_wait3A_159] : memref<10000x128xf32, #tpu.memory_space<hbm>> -> memref<10000x128xf32, #tpu.memory_space<hbm>>
      tpu.wait_indirect_dma semaphore(%arg13 : memref<!tpu.dma_semaphore, #tpu.memory_space<semaphore_mem>>) src(%dma_wait3A_160 : memref<10000x128xf32, #tpu.memory_space<hbm>>) dst(%arg10 : memref<128x128xf32, #tpu.memory_space<vmem>>)
      %add3A_161 = arith.constant 1 : i32
      %add3A_162 = arith.addi %rem3A_126, %add3A_161 : i32
      "tpu.region"() ({
        %run_scoped3A = tpu.sem_alloc : memref<!tpu.dma_semaphore, #tpu.memory_space<semaphore_mem>>
        %dma_start3A_163 = arith.constant 0 : i32
        %dma_start3A_164 = tpu.memref_slice %arg8[%add3A_162, %dma_start3A_163] : memref<40x128xi32, #tpu.memory_space<vmem>> -> memref<1x128xi32, #tpu.memory_space<vmem>>
        %dma_start3A_165 = tpu.memref_squeeze %dma_start3A_164 : memref<1x128xi32, #tpu.memory_space<vmem>> -> memref<128xi32, #tpu.memory_space<vmem>>
        %dma_start3A_166 = arith.constant 0 : i32
        %dma_start3A_167 = arith.constant 0 : i32
        %dma_start3A_168 = tpu.memref_slice %arg11[%dma_start3A_166, %dma_start3A_167] : memref<10240x128xf32, #tpu.memory_space<vmem_shared>> -> memref<10240x128xf32, #tpu.memory_space<vmem_shared>>
        tpu.enqueue_indirect_dma source(%arg10 : memref<128x128xf32, #tpu.memory_space<vmem>>) target(%dma_start3A_168 : memref<10240x128xf32, #tpu.memory_space<vmem_shared>>) offsets(%dma_start3A_165 : memref<128xi32, #tpu.memory_space<vmem>>) semaphore(%run_scoped3A : memref<!tpu.dma_semaphore, #tpu.memory_space<semaphore_mem>>) {add = true}
        %dma_wait3A_169 = arith.constant 0 : i32
        %dma_wait3A_170 = tpu.memref_slice %arg8[%add3A_162, %dma_wait3A_169] : memref<40x128xi32, #tpu.memory_space<vmem>> -> memref<1x128xi32, #tpu.memory_space<vmem>>
        %dma_wait3A_171 = tpu.memref_squeeze %dma_wait3A_170 : memref<1x128xi32, #tpu.memory_space<vmem>> -> memref<128xi32, #tpu.memory_space<vmem>>
        %dma_wait3A_172 = arith.constant 0 : i32
        %dma_wait3A_173 = arith.constant 0 : i32
        %dma_wait3A_174 = tpu.memref_slice %arg11[%dma_wait3A_172, %dma_wait3A_173] : memref<10240x128xf32, #tpu.memory_space<vmem_shared>> -> memref<10240x128xf32, #tpu.memory_space<vmem_shared>>
        tpu.wait_indirect_dma semaphore(%run_scoped3A : memref<!tpu.dma_semaphore, #tpu.memory_space<semaphore_mem>>) src(%arg10 : memref<128x128xf32, #tpu.memory_space<vmem>>) dst(%dma_wait3A_174 : memref<10240x128xf32, #tpu.memory_space<vmem_shared>>)
        tpu.yield
      }) : () -> ()
    }
    %scan3A_114 = arith.constant 40 : i32
    %barrier3A_115 = arith.constant 0 : index
    tpu.barrier barrier_id(%barrier3A_115)
    %eq3A = arith.constant 0 : i32
    %eq3A_116 = arith.cmpi eq, %arg0, %eq3A : i32
    %convert_element_type3A = arith.extui %eq3A_116 : i1 to i32
    %cond3A = arith.constant 0 : i32
    %cond3A_117 = arith.cmpi ne, %convert_element_type3A, %cond3A : i32
    scf.if %cond3A_117 {
      %mul3A_123 = arith.constant 640 : i32
      %mul3A_124 = arith.muli %arg1, %mul3A_123 : i32
      %add3A_125 = arith.constant 0 : i32
      %add3A_126 = arith.addi %mul3A_124, %add3A_125 : i32
      "tpu.region"() ({
        %run_scoped3A = tpu.sem_alloc : memref<!tpu.dma_semaphore, #tpu.memory_space<semaphore_mem>>
        %dma_start3A_203 = arith.constant 0 : i32
        %dma_start3A_204 = tpu.memref_slice %arg11[%add3A_126, %dma_start3A_203] : memref<10240x128xf32, #tpu.memory_space<vmem_shared>> -> memref<128x128xf32, #tpu.memory_space<vmem_shared>>
        %dma_start3A_205 = arith.constant 0 : i32
        %dma_start3A_206 = tpu.memref_slice %arg11[%add3A_126, %dma_start3A_205] : memref<10240x128xf32, #tpu.memory_space<vmem_shared>> -> memref<128x128xf32, #tpu.memory_space<vmem_shared>>
        tpu.enqueue_dma source(%dma_start3A_206 : memref<128x128xf32, #tpu.memory_space<vmem_shared>>) target(%arg9 : memref<128x128xf32, #tpu.memory_space<vmem>>) target_semaphore(%run_scoped3A : memref<!tpu.dma_semaphore, #tpu.memory_space<semaphore_mem>>)
        %dma_wait3A_207 = arith.constant 0 : i32
        %dma_wait3A_208 = tpu.memref_slice %arg11[%add3A_126, %dma_wait3A_207] : memref<10240x128xf32, #tpu.memory_space<vmem_shared>> -> memref<128x128xf32, #tpu.memory_space<vmem_shared>>
        %dma_wait3A_209 = arith.constant 0 : i32
        %dma_wait3A_210 = tpu.memref_slice %arg11[%add3A_126, %dma_wait3A_209] : memref<10240x128xf32, #tpu.memory_space<vmem_shared>> -> memref<128x128xf32, #tpu.memory_space<vmem_shared>>
        tpu.wait_dma2 semaphore(%run_scoped3A : memref<!tpu.dma_semaphore, #tpu.memory_space<semaphore_mem>>) src(%dma_wait3A_210 : memref<128x128xf32, #tpu.memory_space<vmem_shared>>) dst(%arg9 : memref<128x128xf32, #tpu.memory_space<vmem>>)
        tpu.yield
      }) : () -> ()
      %dma_start3A_127 = arith.constant 0 : i32
      %dma_start3A_128 = tpu.memref_slice %arg5[%add3A_126, %dma_start3A_127] : memref<10240x128xf32, #tpu.memory_space<hbm>> -> memref<128x128xf32, #tpu.memory_space<hbm>>
      %dma_start3A_129 = arith.constant 0 : i32
      %dma_start3A_130 = tpu.memref_slice %arg5[%add3A_126, %dma_start3A_129] : memref<10240x128xf32, #tpu.memory_space<hbm>> -> memref<128x128xf32, #tpu.memory_space<hbm>>
      tpu.enqueue_dma source(%arg9 : memref<128x128xf32, #tpu.memory_space<vmem>>) target(%dma_start3A_130 : memref<128x128xf32, #tpu.memory_space<hbm>>) target_semaphore(%arg14 : memref<!tpu.dma_semaphore, #tpu.memory_space<semaphore_mem>>)
      %mul3A_131 = arith.constant 640 : i32
      %mul3A_132 = arith.muli %arg1, %mul3A_131 : i32
      %add3A_133 = arith.constant 128 : i32
      %add3A_134 = arith.addi %mul3A_132, %add3A_133 : i32
      "tpu.region"() ({
        %run_scoped3A = tpu.sem_alloc : memref<!tpu.dma_semaphore, #tpu.memory_space<semaphore_mem>>
        %dma_start3A_203 = arith.constant 0 : i32
        %dma_start3A_204 = tpu.memref_slice %arg11[%add3A_134, %dma_start3A_203] : memref<10240x128xf32, #tpu.memory_space<vmem_shared>> -> memref<128x128xf32, #tpu.memory_space<vmem_shared>>
        %dma_start3A_205 = arith.constant 0 : i32
        %dma_start3A_206 = tpu.memref_slice %arg11[%add3A_134, %dma_start3A_205] : memref<10240x128xf32, #tpu.memory_space<vmem_shared>> -> memref<128x128xf32, #tpu.memory_space<vmem_shared>>
        tpu.enqueue_dma source(%dma_start3A_206 : memref<128x128xf32, #tpu.memory_space<vmem_shared>>) target(%arg10 : memref<128x128xf32, #tpu.memory_space<vmem>>) target_semaphore(%run_scoped3A : memref<!tpu.dma_semaphore, #tpu.memory_space<semaphore_mem>>)
        %dma_wait3A_207 = arith.constant 0 : i32
        %dma_wait3A_208 = tpu.memref_slice %arg11[%add3A_134, %dma_wait3A_207] : memref<10240x128xf32, #tpu.memory_space<vmem_shared>> -> memref<128x128xf32, #tpu.memory_space<vmem_shared>>
        %dma_wait3A_209 = arith.constant 0 : i32
        %dma_wait3A_210 = tpu.memref_slice %arg11[%add3A_134, %dma_wait3A_209] : memref<10240x128xf32, #tpu.memory_space<vmem_shared>> -> memref<128x128xf32, #tpu.memory_space<vmem_shared>>
        tpu.wait_dma2 semaphore(%run_scoped3A : memref<!tpu.dma_semaphore, #tpu.memory_space<semaphore_mem>>) src(%dma_wait3A_210 : memref<128x128xf32, #tpu.memory_space<vmem_shared>>) dst(%arg10 : memref<128x128xf32, #tpu.memory_space<vmem>>)
        tpu.yield
      }) : () -> ()
      %dma_start3A_135 = arith.constant 0 : i32
      %dma_start3A_136 = tpu.memref_slice %arg5[%add3A_134, %dma_start3A_135] : memref<10240x128xf32, #tpu.memory_space<hbm>> -> memref<128x128xf32, #tpu.memory_space<hbm>>
      %dma_start3A_137 = arith.constant 0 : i32
      %dma_start3A_138 = tpu.memref_slice %arg5[%add3A_134, %dma_start3A_137] : memref<10240x128xf32, #tpu.memory_space<hbm>> -> memref<128x128xf32, #tpu.memory_space<hbm>>
      tpu.enqueue_dma source(%arg10 : memref<128x128xf32, #tpu.memory_space<vmem>>) target(%dma_start3A_138 : memref<128x128xf32, #tpu.memory_space<hbm>>) target_semaphore(%arg14 : memref<!tpu.dma_semaphore, #tpu.memory_space<semaphore_mem>>)
      %mul3A_139 = arith.constant 640 : i32
      %mul3A_140 = arith.muli %arg1, %mul3A_139 : i32
      %add3A_141 = arith.constant 256 : i32
      %add3A_142 = arith.addi %mul3A_140, %add3A_141 : i32
      %mul3A_143 = arith.constant 640 : i32
      %mul3A_144 = arith.muli %arg1, %mul3A_143 : i32
      %add3A_145 = arith.constant 0 : i32
      %add3A_146 = arith.addi %mul3A_144, %add3A_145 : i32
      %dma_wait3A_147 = arith.constant 0 : i32
      %dma_wait3A_148 = tpu.memref_slice %arg5[%add3A_146, %dma_wait3A_147] : memref<10240x128xf32, #tpu.memory_space<hbm>> -> memref<128x128xf32, #tpu.memory_space<hbm>>
      %dma_wait3A_149 = arith.constant 0 : i32
      %dma_wait3A_150 = tpu.memref_slice %arg5[%add3A_146, %dma_wait3A_149] : memref<10240x128xf32, #tpu.memory_space<hbm>> -> memref<128x128xf32, #tpu.memory_space<hbm>>
      tpu.wait_dma2 semaphore(%arg14 : memref<!tpu.dma_semaphore, #tpu.memory_space<semaphore_mem>>) src(%arg9 : memref<128x128xf32, #tpu.memory_space<vmem>>) dst(%dma_wait3A_150 : memref<128x128xf32, #tpu.memory_space<hbm>>)
      "tpu.region"() ({
        %run_scoped3A = tpu.sem_alloc : memref<!tpu.dma_semaphore, #tpu.memory_space<semaphore_mem>>
        %dma_start3A_203 = arith.constant 0 : i32
        %dma_start3A_204 = tpu.memref_slice %arg11[%add3A_142, %dma_start3A_203] : memref<10240x128xf32, #tpu.memory_space<vmem_shared>> -> memref<128x128xf32, #tpu.memory_space<vmem_shared>>
        %dma_start3A_205 = arith.constant 0 : i32
        %dma_start3A_206 = tpu.memref_slice %arg11[%add3A_142, %dma_start3A_205] : memref<10240x128xf32, #tpu.memory_space<vmem_shared>> -> memref<128x128xf32, #tpu.memory_space<vmem_shared>>
        tpu.enqueue_dma source(%dma_start3A_206 : memref<128x128xf32, #tpu.memory_space<vmem_shared>>) target(%arg9 : memref<128x128xf32, #tpu.memory_space<vmem>>) target_semaphore(%run_scoped3A : memref<!tpu.dma_semaphore, #tpu.memory_space<semaphore_mem>>)
        %dma_wait3A_207 = arith.constant 0 : i32
        %dma_wait3A_208 = tpu.memref_slice %arg11[%add3A_142, %dma_wait3A_207] : memref<10240x128xf32, #tpu.memory_space<vmem_shared>> -> memref<128x128xf32, #tpu.memory_space<vmem_shared>>
        %dma_wait3A_209 = arith.constant 0 : i32
        %dma_wait3A_210 = tpu.memref_slice %arg11[%add3A_142, %dma_wait3A_209] : memref<10240x128xf32, #tpu.memory_space<vmem_shared>> -> memref<128x128xf32, #tpu.memory_space<vmem_shared>>
        tpu.wait_dma2 semaphore(%run_scoped3A : memref<!tpu.dma_semaphore, #tpu.memory_space<semaphore_mem>>) src(%dma_wait3A_210 : memref<128x128xf32, #tpu.memory_space<vmem_shared>>) dst(%arg9 : memref<128x128xf32, #tpu.memory_space<vmem>>)
        tpu.yield
      }) : () -> ()
      %dma_start3A_151 = arith.constant 0 : i32
      %dma_start3A_152 = tpu.memref_slice %arg5[%add3A_142, %dma_start3A_151] : memref<10240x128xf32, #tpu.memory_space<hbm>> -> memref<128x128xf32, #tpu.memory_space<hbm>>
      %dma_start3A_153 = arith.constant 0 : i32
      %dma_start3A_154 = tpu.memref_slice %arg5[%add3A_142, %dma_start3A_153] : memref<10240x128xf32, #tpu.memory_space<hbm>> -> memref<128x128xf32, #tpu.memory_space<hbm>>
      tpu.enqueue_dma source(%arg9 : memref<128x128xf32, #tpu.memory_space<vmem>>) target(%dma_start3A_154 : memref<128x128xf32, #tpu.memory_space<hbm>>) target_semaphore(%arg14 : memref<!tpu.dma_semaphore, #tpu.memory_space<semaphore_mem>>)
      %mul3A_155 = arith.constant 640 : i32
      %mul3A_156 = arith.muli %arg1, %mul3A_155 : i32
      %add3A_157 = arith.constant 384 : i32
      %add3A_158 = arith.addi %mul3A_156, %add3A_157 : i32
      %mul3A_159 = arith.constant 640 : i32
      %mul3A_160 = arith.muli %arg1, %mul3A_159 : i32
      %add3A_161 = arith.constant 128 : i32
      %add3A_162 = arith.addi %mul3A_160, %add3A_161 : i32
      %dma_wait3A_163 = arith.constant 0 : i32
      %dma_wait3A_164 = tpu.memref_slice %arg5[%add3A_162, %dma_wait3A_163] : memref<10240x128xf32, #tpu.memory_space<hbm>> -> memref<128x128xf32, #tpu.memory_space<hbm>>
      %dma_wait3A_165 = arith.constant 0 : i32
      %dma_wait3A_166 = tpu.memref_slice %arg5[%add3A_162, %dma_wait3A_165] : memref<10240x128xf32, #tpu.memory_space<hbm>> -> memref<128x128xf32, #tpu.memory_space<hbm>>
      tpu.wait_dma2 semaphore(%arg14 : memref<!tpu.dma_semaphore, #tpu.memory_space<semaphore_mem>>) src(%arg10 : memref<128x128xf32, #tpu.memory_space<vmem>>) dst(%dma_wait3A_166 : memref<128x128xf32, #tpu.memory_space<hbm>>)
      "tpu.region"() ({
        %run_scoped3A = tpu.sem_alloc : memref<!tpu.dma_semaphore, #tpu.memory_space<semaphore_mem>>
        %dma_start3A_203 = arith.constant 0 : i32
        %dma_start3A_204 = tpu.memref_slice %arg11[%add3A_158, %dma_start3A_203] : memref<10240x128xf32, #tpu.memory_space<vmem_shared>> -> memref<128x128xf32, #tpu.memory_space<vmem_shared>>
        %dma_start3A_205 = arith.constant 0 : i32
        %dma_start3A_206 = tpu.memref_slice %arg11[%add3A_158, %dma_start3A_205] : memref<10240x128xf32, #tpu.memory_space<vmem_shared>> -> memref<128x128xf32, #tpu.memory_space<vmem_shared>>
        tpu.enqueue_dma source(%dma_start3A_206 : memref<128x128xf32, #tpu.memory_space<vmem_shared>>) target(%arg10 : memref<128x128xf32, #tpu.memory_space<vmem>>) target_semaphore(%run_scoped3A : memref<!tpu.dma_semaphore, #tpu.memory_space<semaphore_mem>>)
        %dma_wait3A_207 = arith.constant 0 : i32
        %dma_wait3A_208 = tpu.memref_slice %arg11[%add3A_158, %dma_wait3A_207] : memref<10240x128xf32, #tpu.memory_space<vmem_shared>> -> memref<128x128xf32, #tpu.memory_space<vmem_shared>>
        %dma_wait3A_209 = arith.constant 0 : i32
        %dma_wait3A_210 = tpu.memref_slice %arg11[%add3A_158, %dma_wait3A_209] : memref<10240x128xf32, #tpu.memory_space<vmem_shared>> -> memref<128x128xf32, #tpu.memory_space<vmem_shared>>
        tpu.wait_dma2 semaphore(%run_scoped3A : memref<!tpu.dma_semaphore, #tpu.memory_space<semaphore_mem>>) src(%dma_wait3A_210 : memref<128x128xf32, #tpu.memory_space<vmem_shared>>) dst(%arg10 : memref<128x128xf32, #tpu.memory_space<vmem>>)
        tpu.yield
      }) : () -> ()
      %dma_start3A_167 = arith.constant 0 : i32
      %dma_start3A_168 = tpu.memref_slice %arg5[%add3A_158, %dma_start3A_167] : memref<10240x128xf32, #tpu.memory_space<hbm>> -> memref<128x128xf32, #tpu.memory_space<hbm>>
      %dma_start3A_169 = arith.constant 0 : i32
      %dma_start3A_170 = tpu.memref_slice %arg5[%add3A_158, %dma_start3A_169] : memref<10240x128xf32, #tpu.memory_space<hbm>> -> memref<128x128xf32, #tpu.memory_space<hbm>>
      tpu.enqueue_dma source(%arg10 : memref<128x128xf32, #tpu.memory_space<vmem>>) target(%dma_start3A_170 : memref<128x128xf32, #tpu.memory_space<hbm>>) target_semaphore(%arg14 : memref<!tpu.dma_semaphore, #tpu.memory_space<semaphore_mem>>)
      %mul3A_171 = arith.constant 640 : i32
      %mul3A_172 = arith.muli %arg1, %mul3A_171 : i32
      %add3A_173 = arith.constant 512 : i32
      %add3A_174 = arith.addi %mul3A_172, %add3A_173 : i32
      %mul3A_175 = arith.constant 640 : i32
      %mul3A_176 = arith.muli %arg1, %mul3A_175 : i32
      %add3A_177 = arith.constant 256 : i32
      %add3A_178 = arith.addi %mul3A_176, %add3A_177 : i32
      %dma_wait3A_179 = arith.constant 0 : i32
      %dma_wait3A_180 = tpu.memref_slice %arg5[%add3A_178, %dma_wait3A_179] : memref<10240x128xf32, #tpu.memory_space<hbm>> -> memref<128x128xf32, #tpu.memory_space<hbm>>
      %dma_wait3A_181 = arith.constant 0 : i32
      %dma_wait3A_182 = tpu.memref_slice %arg5[%add3A_178, %dma_wait3A_181] : memref<10240x128xf32, #tpu.memory_space<hbm>> -> memref<128x128xf32, #tpu.memory_space<hbm>>
      tpu.wait_dma2 semaphore(%arg14 : memref<!tpu.dma_semaphore, #tpu.memory_space<semaphore_mem>>) src(%arg9 : memref<128x128xf32, #tpu.memory_space<vmem>>) dst(%dma_wait3A_182 : memref<128x128xf32, #tpu.memory_space<hbm>>)
      "tpu.region"() ({
        %run_scoped3A = tpu.sem_alloc : memref<!tpu.dma_semaphore, #tpu.memory_space<semaphore_mem>>
        %dma_start3A_203 = arith.constant 0 : i32
        %dma_start3A_204 = tpu.memref_slice %arg11[%add3A_174, %dma_start3A_203] : memref<10240x128xf32, #tpu.memory_space<vmem_shared>> -> memref<128x128xf32, #tpu.memory_space<vmem_shared>>
        %dma_start3A_205 = arith.constant 0 : i32
        %dma_start3A_206 = tpu.memref_slice %arg11[%add3A_174, %dma_start3A_205] : memref<10240x128xf32, #tpu.memory_space<vmem_shared>> -> memref<128x128xf32, #tpu.memory_space<vmem_shared>>
        tpu.enqueue_dma source(%dma_start3A_206 : memref<128x128xf32, #tpu.memory_space<vmem_shared>>) target(%arg9 : memref<128x128xf32, #tpu.memory_space<vmem>>) target_semaphore(%run_scoped3A : memref<!tpu.dma_semaphore, #tpu.memory_space<semaphore_mem>>)
        %dma_wait3A_207 = arith.constant 0 : i32
        %dma_wait3A_208 = tpu.memref_slice %arg11[%add3A_174, %dma_wait3A_207] : memref<10240x128xf32, #tpu.memory_space<vmem_shared>> -> memref<128x128xf32, #tpu.memory_space<vmem_shared>>
        %dma_wait3A_209 = arith.constant 0 : i32
        %dma_wait3A_210 = tpu.memref_slice %arg11[%add3A_174, %dma_wait3A_209] : memref<10240x128xf32, #tpu.memory_space<vmem_shared>> -> memref<128x128xf32, #tpu.memory_space<vmem_shared>>
        tpu.wait_dma2 semaphore(%run_scoped3A : memref<!tpu.dma_semaphore, #tpu.memory_space<semaphore_mem>>) src(%dma_wait3A_210 : memref<128x128xf32, #tpu.memory_space<vmem_shared>>) dst(%arg9 : memref<128x128xf32, #tpu.memory_space<vmem>>)
        tpu.yield
      }) : () -> ()
      %dma_start3A_183 = arith.constant 0 : i32
      %dma_start3A_184 = tpu.memref_slice %arg5[%add3A_174, %dma_start3A_183] : memref<10240x128xf32, #tpu.memory_space<hbm>> -> memref<128x128xf32, #tpu.memory_space<hbm>>
      %dma_start3A_185 = arith.constant 0 : i32
      %dma_start3A_186 = tpu.memref_slice %arg5[%add3A_174, %dma_start3A_185] : memref<10240x128xf32, #tpu.memory_space<hbm>> -> memref<128x128xf32, #tpu.memory_space<hbm>>
      tpu.enqueue_dma source(%arg9 : memref<128x128xf32, #tpu.memory_space<vmem>>) target(%dma_start3A_186 : memref<128x128xf32, #tpu.memory_space<hbm>>) target_semaphore(%arg14 : memref<!tpu.dma_semaphore, #tpu.memory_space<semaphore_mem>>)
      %mul3A_187 = arith.constant 640 : i32
      %mul3A_188 = arith.muli %arg1, %mul3A_187 : i32
      %add3A_189 = arith.constant 384 : i32
      %add3A_190 = arith.addi %mul3A_188, %add3A_189 : i32
      %dma_wait3A_191 = arith.constant 0 : i32
      %dma_wait3A_192 = tpu.memref_slice %arg5[%add3A_190, %dma_wait3A_191] : memref<10240x128xf32, #tpu.memory_space<hbm>> -> memref<128x128xf32, #tpu.memory_space<hbm>>
      %dma_wait3A_193 = arith.constant 0 : i32
      %dma_wait3A_194 = tpu.memref_slice %arg5[%add3A_190, %dma_wait3A_193] : memref<10240x128xf32, #tpu.memory_space<hbm>> -> memref<128x128xf32, #tpu.memory_space<hbm>>
      tpu.wait_dma2 semaphore(%arg14 : memref<!tpu.dma_semaphore, #tpu.memory_space<semaphore_mem>>) src(%arg10 : memref<128x128xf32, #tpu.memory_space<vmem>>) dst(%dma_wait3A_194 : memref<128x128xf32, #tpu.memory_space<hbm>>)
      %mul3A_195 = arith.constant 640 : i32
      %mul3A_196 = arith.muli %arg1, %mul3A_195 : i32
      %add3A_197 = arith.constant 512 : i32
      %add3A_198 = arith.addi %mul3A_196, %add3A_197 : i32
      %dma_wait3A_199 = arith.constant 0 : i32
      %dma_wait3A_200 = tpu.memref_slice %arg5[%add3A_198, %dma_wait3A_199] : memref<10240x128xf32, #tpu.memory_space<hbm>> -> memref<128x128xf32, #tpu.memory_space<hbm>>
      %dma_wait3A_201 = arith.constant 0 : i32
      %dma_wait3A_202 = tpu.memref_slice %arg5[%add3A_198, %dma_wait3A_201] : memref<10240x128xf32, #tpu.memory_space<hbm>> -> memref<128x128xf32, #tpu.memory_space<hbm>>
      tpu.wait_dma2 semaphore(%arg14 : memref<!tpu.dma_semaphore, #tpu.memory_space<semaphore_mem>>) src(%arg9 : memref<128x128xf32, #tpu.memory_space<vmem>>) dst(%dma_wait3A_202 : memref<128x128xf32, #tpu.memory_space<hbm>>)
    } else {
    }
    %eq3A_118 = arith.constant 1 : i32
    %eq3A_119 = arith.cmpi eq, %arg0, %eq3A_118 : i32
    %convert_element_type3A_120 = arith.extui %eq3A_119 : i1 to i32
    %cond3A_121 = arith.constant 0 : i32
    %cond3A_122 = arith.cmpi ne, %convert_element_type3A_120, %cond3A_121 : i32
    scf.if %cond3A_122 {
      %mul3A_123 = arith.constant 640 : i32
      %mul3A_124 = arith.muli %arg1, %mul3A_123 : i32
      %add3A_125 = arith.constant 0 : i32
      %add3A_126 = arith.addi %mul3A_124, %add3A_125 : i32
      "tpu.region"() ({
        %run_scoped3A = tpu.sem_alloc : memref<!tpu.dma_semaphore, #tpu.memory_space<semaphore_mem>>
        %dma_start3A_203 = arith.constant 0 : i32
        %dma_start3A_204 = tpu.memref_slice %arg11[%add3A_126, %dma_start3A_203] : memref<10240x128xf32, #tpu.memory_space<vmem_shared>> -> memref<128x128xf32, #tpu.memory_space<vmem_shared>>
        %dma_start3A_205 = arith.constant 0 : i32
        %dma_start3A_206 = tpu.memref_slice %arg11[%add3A_126, %dma_start3A_205] : memref<10240x128xf32, #tpu.memory_space<vmem_shared>> -> memref<128x128xf32, #tpu.memory_space<vmem_shared>>
        tpu.enqueue_dma source(%dma_start3A_206 : memref<128x128xf32, #tpu.memory_space<vmem_shared>>) target(%arg9 : memref<128x128xf32, #tpu.memory_space<vmem>>) target_semaphore(%run_scoped3A : memref<!tpu.dma_semaphore, #tpu.memory_space<semaphore_mem>>)
        %dma_wait3A_207 = arith.constant 0 : i32
        %dma_wait3A_208 = tpu.memref_slice %arg11[%add3A_126, %dma_wait3A_207] : memref<10240x128xf32, #tpu.memory_space<vmem_shared>> -> memref<128x128xf32, #tpu.memory_space<vmem_shared>>
        %dma_wait3A_209 = arith.constant 0 : i32
        %dma_wait3A_210 = tpu.memref_slice %arg11[%add3A_126, %dma_wait3A_209] : memref<10240x128xf32, #tpu.memory_space<vmem_shared>> -> memref<128x128xf32, #tpu.memory_space<vmem_shared>>
        tpu.wait_dma2 semaphore(%run_scoped3A : memref<!tpu.dma_semaphore, #tpu.memory_space<semaphore_mem>>) src(%dma_wait3A_210 : memref<128x128xf32, #tpu.memory_space<vmem_shared>>) dst(%arg9 : memref<128x128xf32, #tpu.memory_space<vmem>>)
        tpu.yield
      }) : () -> ()
      %dma_start3A_127 = arith.constant 0 : i32
      %dma_start3A_128 = tpu.memref_slice %arg6[%add3A_126, %dma_start3A_127] : memref<10240x128xf32, #tpu.memory_space<hbm>> -> memref<128x128xf32, #tpu.memory_space<hbm>>
      %dma_start3A_129 = arith.constant 0 : i32
      %dma_start3A_130 = tpu.memref_slice %arg6[%add3A_126, %dma_start3A_129] : memref<10240x128xf32, #tpu.memory_space<hbm>> -> memref<128x128xf32, #tpu.memory_space<hbm>>
      tpu.enqueue_dma source(%arg9 : memref<128x128xf32, #tpu.memory_space<vmem>>) target(%dma_start3A_130 : memref<128x128xf32, #tpu.memory_space<hbm>>) target_semaphore(%arg14 : memref<!tpu.dma_semaphore, #tpu.memory_space<semaphore_mem>>)
      %mul3A_131 = arith.constant 640 : i32
      %mul3A_132 = arith.muli %arg1, %mul3A_131 : i32
      %add3A_133 = arith.constant 128 : i32
      %add3A_134 = arith.addi %mul3A_132, %add3A_133 : i32
      "tpu.region"() ({
        %run_scoped3A = tpu.sem_alloc : memref<!tpu.dma_semaphore, #tpu.memory_space<semaphore_mem>>
        %dma_start3A_203 = arith.constant 0 : i32
        %dma_start3A_204 = tpu.memref_slice %arg11[%add3A_134, %dma_start3A_203] : memref<10240x128xf32, #tpu.memory_space<vmem_shared>> -> memref<128x128xf32, #tpu.memory_space<vmem_shared>>
        %dma_start3A_205 = arith.constant 0 : i32
        %dma_start3A_206 = tpu.memref_slice %arg11[%add3A_134, %dma_start3A_205] : memref<10240x128xf32, #tpu.memory_space<vmem_shared>> -> memref<128x128xf32, #tpu.memory_space<vmem_shared>>
        tpu.enqueue_dma source(%dma_start3A_206 : memref<128x128xf32, #tpu.memory_space<vmem_shared>>) target(%arg10 : memref<128x128xf32, #tpu.memory_space<vmem>>) target_semaphore(%run_scoped3A : memref<!tpu.dma_semaphore, #tpu.memory_space<semaphore_mem>>)
        %dma_wait3A_207 = arith.constant 0 : i32
        %dma_wait3A_208 = tpu.memref_slice %arg11[%add3A_134, %dma_wait3A_207] : memref<10240x128xf32, #tpu.memory_space<vmem_shared>> -> memref<128x128xf32, #tpu.memory_space<vmem_shared>>
        %dma_wait3A_209 = arith.constant 0 : i32
        %dma_wait3A_210 = tpu.memref_slice %arg11[%add3A_134, %dma_wait3A_209] : memref<10240x128xf32, #tpu.memory_space<vmem_shared>> -> memref<128x128xf32, #tpu.memory_space<vmem_shared>>
        tpu.wait_dma2 semaphore(%run_scoped3A : memref<!tpu.dma_semaphore, #tpu.memory_space<semaphore_mem>>) src(%dma_wait3A_210 : memref<128x128xf32, #tpu.memory_space<vmem_shared>>) dst(%arg10 : memref<128x128xf32, #tpu.memory_space<vmem>>)
        tpu.yield
      }) : () -> ()
      %dma_start3A_135 = arith.constant 0 : i32
      %dma_start3A_136 = tpu.memref_slice %arg6[%add3A_134, %dma_start3A_135] : memref<10240x128xf32, #tpu.memory_space<hbm>> -> memref<128x128xf32, #tpu.memory_space<hbm>>
      %dma_start3A_137 = arith.constant 0 : i32
      %dma_start3A_138 = tpu.memref_slice %arg6[%add3A_134, %dma_start3A_137] : memref<10240x128xf32, #tpu.memory_space<hbm>> -> memref<128x128xf32, #tpu.memory_space<hbm>>
      tpu.enqueue_dma source(%arg10 : memref<128x128xf32, #tpu.memory_space<vmem>>) target(%dma_start3A_138 : memref<128x128xf32, #tpu.memory_space<hbm>>) target_semaphore(%arg14 : memref<!tpu.dma_semaphore, #tpu.memory_space<semaphore_mem>>)
      %mul3A_139 = arith.constant 640 : i32
      %mul3A_140 = arith.muli %arg1, %mul3A_139 : i32
      %add3A_141 = arith.constant 256 : i32
      %add3A_142 = arith.addi %mul3A_140, %add3A_141 : i32
      %mul3A_143 = arith.constant 640 : i32
      %mul3A_144 = arith.muli %arg1, %mul3A_143 : i32
      %add3A_145 = arith.constant 0 : i32
      %add3A_146 = arith.addi %mul3A_144, %add3A_145 : i32
      %dma_wait3A_147 = arith.constant 0 : i32
      %dma_wait3A_148 = tpu.memref_slice %arg6[%add3A_146, %dma_wait3A_147] : memref<10240x128xf32, #tpu.memory_space<hbm>> -> memref<128x128xf32, #tpu.memory_space<hbm>>
      %dma_wait3A_149 = arith.constant 0 : i32
      %dma_wait3A_150 = tpu.memref_slice %arg6[%add3A_146, %dma_wait3A_149] : memref<10240x128xf32, #tpu.memory_space<hbm>> -> memref<128x128xf32, #tpu.memory_space<hbm>>
      tpu.wait_dma2 semaphore(%arg14 : memref<!tpu.dma_semaphore, #tpu.memory_space<semaphore_mem>>) src(%arg9 : memref<128x128xf32, #tpu.memory_space<vmem>>) dst(%dma_wait3A_150 : memref<128x128xf32, #tpu.memory_space<hbm>>)
      "tpu.region"() ({
        %run_scoped3A = tpu.sem_alloc : memref<!tpu.dma_semaphore, #tpu.memory_space<semaphore_mem>>
        %dma_start3A_203 = arith.constant 0 : i32
        %dma_start3A_204 = tpu.memref_slice %arg11[%add3A_142, %dma_start3A_203] : memref<10240x128xf32, #tpu.memory_space<vmem_shared>> -> memref<128x128xf32, #tpu.memory_space<vmem_shared>>
        %dma_start3A_205 = arith.constant 0 : i32
        %dma_start3A_206 = tpu.memref_slice %arg11[%add3A_142, %dma_start3A_205] : memref<10240x128xf32, #tpu.memory_space<vmem_shared>> -> memref<128x128xf32, #tpu.memory_space<vmem_shared>>
        tpu.enqueue_dma source(%dma_start3A_206 : memref<128x128xf32, #tpu.memory_space<vmem_shared>>) target(%arg9 : memref<128x128xf32, #tpu.memory_space<vmem>>) target_semaphore(%run_scoped3A : memref<!tpu.dma_semaphore, #tpu.memory_space<semaphore_mem>>)
        %dma_wait3A_207 = arith.constant 0 : i32
        %dma_wait3A_208 = tpu.memref_slice %arg11[%add3A_142, %dma_wait3A_207] : memref<10240x128xf32, #tpu.memory_space<vmem_shared>> -> memref<128x128xf32, #tpu.memory_space<vmem_shared>>
        %dma_wait3A_209 = arith.constant 0 : i32
        %dma_wait3A_210 = tpu.memref_slice %arg11[%add3A_142, %dma_wait3A_209] : memref<10240x128xf32, #tpu.memory_space<vmem_shared>> -> memref<128x128xf32, #tpu.memory_space<vmem_shared>>
        tpu.wait_dma2 semaphore(%run_scoped3A : memref<!tpu.dma_semaphore, #tpu.memory_space<semaphore_mem>>) src(%dma_wait3A_210 : memref<128x128xf32, #tpu.memory_space<vmem_shared>>) dst(%arg9 : memref<128x128xf32, #tpu.memory_space<vmem>>)
        tpu.yield
      }) : () -> ()
      %dma_start3A_151 = arith.constant 0 : i32
      %dma_start3A_152 = tpu.memref_slice %arg6[%add3A_142, %dma_start3A_151] : memref<10240x128xf32, #tpu.memory_space<hbm>> -> memref<128x128xf32, #tpu.memory_space<hbm>>
      %dma_start3A_153 = arith.constant 0 : i32
      %dma_start3A_154 = tpu.memref_slice %arg6[%add3A_142, %dma_start3A_153] : memref<10240x128xf32, #tpu.memory_space<hbm>> -> memref<128x128xf32, #tpu.memory_space<hbm>>
      tpu.enqueue_dma source(%arg9 : memref<128x128xf32, #tpu.memory_space<vmem>>) target(%dma_start3A_154 : memref<128x128xf32, #tpu.memory_space<hbm>>) target_semaphore(%arg14 : memref<!tpu.dma_semaphore, #tpu.memory_space<semaphore_mem>>)
      %mul3A_155 = arith.constant 640 : i32
      %mul3A_156 = arith.muli %arg1, %mul3A_155 : i32
      %add3A_157 = arith.constant 384 : i32
      %add3A_158 = arith.addi %mul3A_156, %add3A_157 : i32
      %mul3A_159 = arith.constant 640 : i32
      %mul3A_160 = arith.muli %arg1, %mul3A_159 : i32
      %add3A_161 = arith.constant 128 : i32
      %add3A_162 = arith.addi %mul3A_160, %add3A_161 : i32
      %dma_wait3A_163 = arith.constant 0 : i32
      %dma_wait3A_164 = tpu.memref_slice %arg6[%add3A_162, %dma_wait3A_163] : memref<10240x128xf32, #tpu.memory_space<hbm>> -> memref<128x128xf32, #tpu.memory_space<hbm>>
      %dma_wait3A_165 = arith.constant 0 : i32
      %dma_wait3A_166 = tpu.memref_slice %arg6[%add3A_162, %dma_wait3A_165] : memref<10240x128xf32, #tpu.memory_space<hbm>> -> memref<128x128xf32, #tpu.memory_space<hbm>>
      tpu.wait_dma2 semaphore(%arg14 : memref<!tpu.dma_semaphore, #tpu.memory_space<semaphore_mem>>) src(%arg10 : memref<128x128xf32, #tpu.memory_space<vmem>>) dst(%dma_wait3A_166 : memref<128x128xf32, #tpu.memory_space<hbm>>)
      "tpu.region"() ({
        %run_scoped3A = tpu.sem_alloc : memref<!tpu.dma_semaphore, #tpu.memory_space<semaphore_mem>>
        %dma_start3A_203 = arith.constant 0 : i32
        %dma_start3A_204 = tpu.memref_slice %arg11[%add3A_158, %dma_start3A_203] : memref<10240x128xf32, #tpu.memory_space<vmem_shared>> -> memref<128x128xf32, #tpu.memory_space<vmem_shared>>
        %dma_start3A_205 = arith.constant 0 : i32
        %dma_start3A_206 = tpu.memref_slice %arg11[%add3A_158, %dma_start3A_205] : memref<10240x128xf32, #tpu.memory_space<vmem_shared>> -> memref<128x128xf32, #tpu.memory_space<vmem_shared>>
        tpu.enqueue_dma source(%dma_start3A_206 : memref<128x128xf32, #tpu.memory_space<vmem_shared>>) target(%arg10 : memref<128x128xf32, #tpu.memory_space<vmem>>) target_semaphore(%run_scoped3A : memref<!tpu.dma_semaphore, #tpu.memory_space<semaphore_mem>>)
        %dma_wait3A_207 = arith.constant 0 : i32
        %dma_wait3A_208 = tpu.memref_slice %arg11[%add3A_158, %dma_wait3A_207] : memref<10240x128xf32, #tpu.memory_space<vmem_shared>> -> memref<128x128xf32, #tpu.memory_space<vmem_shared>>
        %dma_wait3A_209 = arith.constant 0 : i32
        %dma_wait3A_210 = tpu.memref_slice %arg11[%add3A_158, %dma_wait3A_209] : memref<10240x128xf32, #tpu.memory_space<vmem_shared>> -> memref<128x128xf32, #tpu.memory_space<vmem_shared>>
        tpu.wait_dma2 semaphore(%run_scoped3A : memref<!tpu.dma_semaphore, #tpu.memory_space<semaphore_mem>>) src(%dma_wait3A_210 : memref<128x128xf32, #tpu.memory_space<vmem_shared>>) dst(%arg10 : memref<128x128xf32, #tpu.memory_space<vmem>>)
        tpu.yield
      }) : () -> ()
      %dma_start3A_167 = arith.constant 0 : i32
      %dma_start3A_168 = tpu.memref_slice %arg6[%add3A_158, %dma_start3A_167] : memref<10240x128xf32, #tpu.memory_space<hbm>> -> memref<128x128xf32, #tpu.memory_space<hbm>>
      %dma_start3A_169 = arith.constant 0 : i32
      %dma_start3A_170 = tpu.memref_slice %arg6[%add3A_158, %dma_start3A_169] : memref<10240x128xf32, #tpu.memory_space<hbm>> -> memref<128x128xf32, #tpu.memory_space<hbm>>
      tpu.enqueue_dma source(%arg10 : memref<128x128xf32, #tpu.memory_space<vmem>>) target(%dma_start3A_170 : memref<128x128xf32, #tpu.memory_space<hbm>>) target_semaphore(%arg14 : memref<!tpu.dma_semaphore, #tpu.memory_space<semaphore_mem>>)
      %mul3A_171 = arith.constant 640 : i32
      %mul3A_172 = arith.muli %arg1, %mul3A_171 : i32
      %add3A_173 = arith.constant 512 : i32
      %add3A_174 = arith.addi %mul3A_172, %add3A_173 : i32
      %mul3A_175 = arith.constant 640 : i32
      %mul3A_176 = arith.muli %arg1, %mul3A_175 : i32
      %add3A_177 = arith.constant 256 : i32
      %add3A_178 = arith.addi %mul3A_176, %add3A_177 : i32
      %dma_wait3A_179 = arith.constant 0 : i32
      %dma_wait3A_180 = tpu.memref_slice %arg6[%add3A_178, %dma_wait3A_179] : memref<10240x128xf32, #tpu.memory_space<hbm>> -> memref<128x128xf32, #tpu.memory_space<hbm>>
      %dma_wait3A_181 = arith.constant 0 : i32
      %dma_wait3A_182 = tpu.memref_slice %arg6[%add3A_178, %dma_wait3A_181] : memref<10240x128xf32, #tpu.memory_space<hbm>> -> memref<128x128xf32, #tpu.memory_space<hbm>>
      tpu.wait_dma2 semaphore(%arg14 : memref<!tpu.dma_semaphore, #tpu.memory_space<semaphore_mem>>) src(%arg9 : memref<128x128xf32, #tpu.memory_space<vmem>>) dst(%dma_wait3A_182 : memref<128x128xf32, #tpu.memory_space<hbm>>)
      "tpu.region"() ({
        %run_scoped3A = tpu.sem_alloc : memref<!tpu.dma_semaphore, #tpu.memory_space<semaphore_mem>>
        %dma_start3A_203 = arith.constant 0 : i32
        %dma_start3A_204 = tpu.memref_slice %arg11[%add3A_174, %dma_start3A_203] : memref<10240x128xf32, #tpu.memory_space<vmem_shared>> -> memref<128x128xf32, #tpu.memory_space<vmem_shared>>
        %dma_start3A_205 = arith.constant 0 : i32
        %dma_start3A_206 = tpu.memref_slice %arg11[%add3A_174, %dma_start3A_205] : memref<10240x128xf32, #tpu.memory_space<vmem_shared>> -> memref<128x128xf32, #tpu.memory_space<vmem_shared>>
        tpu.enqueue_dma source(%dma_start3A_206 : memref<128x128xf32, #tpu.memory_space<vmem_shared>>) target(%arg9 : memref<128x128xf32, #tpu.memory_space<vmem>>) target_semaphore(%run_scoped3A : memref<!tpu.dma_semaphore, #tpu.memory_space<semaphore_mem>>)
        %dma_wait3A_207 = arith.constant 0 : i32
        %dma_wait3A_208 = tpu.memref_slice %arg11[%add3A_174, %dma_wait3A_207] : memref<10240x128xf32, #tpu.memory_space<vmem_shared>> -> memref<128x128xf32, #tpu.memory_space<vmem_shared>>
        %dma_wait3A_209 = arith.constant 0 : i32
        %dma_wait3A_210 = tpu.memref_slice %arg11[%add3A_174, %dma_wait3A_209] : memref<10240x128xf32, #tpu.memory_space<vmem_shared>> -> memref<128x128xf32, #tpu.memory_space<vmem_shared>>
        tpu.wait_dma2 semaphore(%run_scoped3A : memref<!tpu.dma_semaphore, #tpu.memory_space<semaphore_mem>>) src(%dma_wait3A_210 : memref<128x128xf32, #tpu.memory_space<vmem_shared>>) dst(%arg9 : memref<128x128xf32, #tpu.memory_space<vmem>>)
        tpu.yield
      }) : () -> ()
      %dma_start3A_183 = arith.constant 0 : i32
      %dma_start3A_184 = tpu.memref_slice %arg6[%add3A_174, %dma_start3A_183] : memref<10240x128xf32, #tpu.memory_space<hbm>> -> memref<128x128xf32, #tpu.memory_space<hbm>>
      %dma_start3A_185 = arith.constant 0 : i32
      %dma_start3A_186 = tpu.memref_slice %arg6[%add3A_174, %dma_start3A_185] : memref<10240x128xf32, #tpu.memory_space<hbm>> -> memref<128x128xf32, #tpu.memory_space<hbm>>
      tpu.enqueue_dma source(%arg9 : memref<128x128xf32, #tpu.memory_space<vmem>>) target(%dma_start3A_186 : memref<128x128xf32, #tpu.memory_space<hbm>>) target_semaphore(%arg14 : memref<!tpu.dma_semaphore, #tpu.memory_space<semaphore_mem>>)
      %mul3A_187 = arith.constant 640 : i32
      %mul3A_188 = arith.muli %arg1, %mul3A_187 : i32
      %add3A_189 = arith.constant 384 : i32
      %add3A_190 = arith.addi %mul3A_188, %add3A_189 : i32
      %dma_wait3A_191 = arith.constant 0 : i32
      %dma_wait3A_192 = tpu.memref_slice %arg6[%add3A_190, %dma_wait3A_191] : memref<10240x128xf32, #tpu.memory_space<hbm>> -> memref<128x128xf32, #tpu.memory_space<hbm>>
      %dma_wait3A_193 = arith.constant 0 : i32
      %dma_wait3A_194 = tpu.memref_slice %arg6[%add3A_190, %dma_wait3A_193] : memref<10240x128xf32, #tpu.memory_space<hbm>> -> memref<128x128xf32, #tpu.memory_space<hbm>>
      tpu.wait_dma2 semaphore(%arg14 : memref<!tpu.dma_semaphore, #tpu.memory_space<semaphore_mem>>) src(%arg10 : memref<128x128xf32, #tpu.memory_space<vmem>>) dst(%dma_wait3A_194 : memref<128x128xf32, #tpu.memory_space<hbm>>)
      %mul3A_195 = arith.constant 640 : i32
      %mul3A_196 = arith.muli %arg1, %mul3A_195 : i32
      %add3A_197 = arith.constant 512 : i32
      %add3A_198 = arith.addi %mul3A_196, %add3A_197 : i32
      %dma_wait3A_199 = arith.constant 0 : i32
      %dma_wait3A_200 = tpu.memref_slice %arg6[%add3A_198, %dma_wait3A_199] : memref<10240x128xf32, #tpu.memory_space<hbm>> -> memref<128x128xf32, #tpu.memory_space<hbm>>
      %dma_wait3A_201 = arith.constant 0 : i32
      %dma_wait3A_202 = tpu.memref_slice %arg6[%add3A_198, %dma_wait3A_201] : memref<10240x128xf32, #tpu.memory_space<hbm>> -> memref<128x128xf32, #tpu.memory_space<hbm>>
      tpu.wait_dma2 semaphore(%arg14 : memref<!tpu.dma_semaphore, #tpu.memory_space<semaphore_mem>>) src(%arg9 : memref<128x128xf32, #tpu.memory_space<vmem>>) dst(%dma_wait3A_202 : memref<128x128xf32, #tpu.memory_space<hbm>>)
    } else {
    }
    return
  }
}

module attributes {stable_mosaic.version = 14 : i64} {
  func.func @_tc_mm_body(%arg0: i32, %arg1: memref<2000x128xf32, #tpu.memory_space<vmem>>, %arg2: memref<128x128xf32, #tpu.memory_space<vmem>>, %arg3: memref<2000x128xf32, #tpu.memory_space<vmem>>) attributes {dimension_semantics = [#tpu.dimension_semantics<arbitrary>], iteration_bounds = array<i64: 5>, scalar_prefetch = 0 : i64, scratch_operands = 0 : i64, tpu.core_type = #tpu.core_type<tc>, window_params = [{transform_indices = @transform_0, window_bounds = array<i64: 2000, 128>}, {pipeline_mode = #tpu.pipeline_mode<synchronous>, transform_indices = @transform_1, window_bounds = array<i64: 128, 128>}, {transform_indices = @transform_2, window_bounds = array<i64: 2000, 128>}]} {
    %get3A = arith.constant 0 : index
    %get3A_0 = arith.constant 0 : index
    %get3A_1 = vector.load %arg1[%get3A, %get3A_0] : memref<2000x128xf32, #tpu.memory_space<vmem>>, vector<2000x128xf32>
    %get3A_2 = arith.constant 0 : index
    %get3A_3 = arith.constant 0 : index
    %get3A_4 = vector.load %arg2[%get3A_2, %get3A_3] : memref<128x128xf32, #tpu.memory_space<vmem>>, vector<128x128xf32>
    %dot_general3A = arith.constant dense<0.000000e+00> : vector<2000x128xf32>
    %dot_general3A_5 = tpu.matmul %get3A_1, %get3A_4, %dot_general3A {dimension_numbers = #tpu.dot_dimension_numbers<[1], [0], [0], [1], [0, 0, 1, 1], [], []>, precision = #tpu.contract_precision<fp32>, transpose_lhs_hint = false} : vector<2000x128xf32>, vector<128x128xf32>, vector<2000x128xf32> -> vector<2000x128xf32>
    %swap3A = arith.constant 0 : index
    %swap3A_6 = arith.constant 0 : index
    %swap3A_7 = vector.load %arg3[%swap3A, %swap3A_6] : memref<2000x128xf32, #tpu.memory_space<vmem>>, vector<2000x128xf32>
    tpu.vector_store %arg3[%swap3A, %swap3A_6], %dot_general3A_5 {strides = array<i32>} : memref<2000x128xf32, #tpu.memory_space<vmem>>, vector<2000x128xf32>,
    return
  }
  func.func @transform_0(%arg0: i32) -> (i32, i32) {
    %c0_i32 = arith.constant 0 : i32
    %c0_i32_0 = arith.constant 0 : i32
    return %arg0, %c0_i32 : i32, i32
  }
  func.func @transform_1(%arg0: i32) -> (i32, i32) {
    %c0_i32 = arith.constant 0 : i32
    %c0_i32_0 = arith.constant 0 : i32
    %c0_i32_1 = arith.constant 0 : i32
    return %c0_i32, %c0_i32_0 : i32, i32
  }
  func.func @transform_2(%arg0: i32) -> (i32, i32) {
    %c0_i32 = arith.constant 0 : i32
    %c0_i32_0 = arith.constant 0 : i32
    return %arg0, %c0_i32 : i32, i32
  }
}

module attributes {stable_mosaic.version = 14 : i64} {
  func.func @_tc_scale_body(%arg0: i32, %arg1: memref<2000x128xf32, #tpu.memory_space<vmem>>, %arg2: memref<2000x1xf32, #tpu.memory_space<vmem>>, %arg3: memref<2000x1xf32, #tpu.memory_space<vmem>>, %arg4: memref<2000x128xf32, #tpu.memory_space<vmem>>) attributes {dimension_semantics = [#tpu.dimension_semantics<arbitrary>], iteration_bounds = array<i64: 5>, scalar_prefetch = 0 : i64, scratch_operands = 0 : i64, tpu.core_type = #tpu.core_type<tc>, window_params = [{transform_indices = @transform_0, window_bounds = array<i64: 2000, 128>}, {transform_indices = @transform_1, window_bounds = array<i64: 2000, 1>}, {transform_indices = @transform_2, window_bounds = array<i64: 2000, 1>}, {transform_indices = @transform_3, window_bounds = array<i64: 2000, 128>}]} {
    %get3A = arith.constant 0 : index
    %get3A_0 = arith.constant 0 : index
    %get3A_1 = vector.load %arg2[%get3A, %get3A_0] : memref<2000x1xf32, #tpu.memory_space<vmem>>, vector<2000x1xf32>
    %get3A_2 = arith.constant 0 : index
    %get3A_3 = arith.constant 0 : index
    %get3A_4 = vector.load %arg3[%get3A_2, %get3A_3] : memref<2000x1xf32, #tpu.memory_space<vmem>>, vector<2000x1xf32>
    %add3A = arith.addf %get3A_1, %get3A_4 : vector<2000x1xf32>
    %add3A_5 = arith.constant 1.000000e+00 : f32
    %add3A_6 = vector.broadcast %add3A_5 : f32 to vector<2000x1xf32>
    %add3A_7 = arith.addf %add3A, %add3A_6 : vector<2000x1xf32>
    %rsqrt3A = math.rsqrt %add3A_7 : vector<2000x1xf32>
    %get3A_8 = arith.constant 0 : index
    %get3A_9 = arith.constant 0 : index
    %get3A_10 = vector.load %arg1[%get3A_8, %get3A_9] : memref<2000x128xf32, #tpu.memory_space<vmem>>, vector<2000x128xf32>
    %mul3A = vector.broadcast %rsqrt3A : vector<2000x1xf32> to vector<2000x128xf32>
    %mul3A_11 = arith.mulf %get3A_10, %mul3A : vector<2000x128xf32>
    %swap3A = arith.constant 0 : index
    %swap3A_12 = arith.constant 0 : index
    %swap3A_13 = vector.load %arg4[%swap3A, %swap3A_12] : memref<2000x128xf32, #tpu.memory_space<vmem>>, vector<2000x128xf32>
    tpu.vector_store %arg4[%swap3A, %swap3A_12], %mul3A_11 {strides = array<i32>} : memref<2000x128xf32, #tpu.memory_space<vmem>>, vector<2000x128xf32>,
    return
  }
  func.func @transform_0(%arg0: i32) -> (i32, i32) {
    %c0_i32 = arith.constant 0 : i32
    %c0_i32_0 = arith.constant 0 : i32
    return %arg0, %c0_i32 : i32, i32
  }
  func.func @transform_1(%arg0: i32) -> (i32, i32) {
    %c0_i32 = arith.constant 0 : i32
    %c0_i32_0 = arith.constant 0 : i32
    return %arg0, %c0_i32 : i32, i32
  }
  func.func @transform_2(%arg0: i32) -> (i32, i32) {
    %c0_i32 = arith.constant 0 : i32
    %c0_i32_0 = arith.constant 0 : i32
    return %arg0, %c0_i32 : i32, i32
  }
  func.func @transform_3(%arg0: i32) -> (i32, i32) {
    %c0_i32 = arith.constant 0 : i32
    %c0_i32_0 = arith.constant 0 : i32
    return %arg0, %c0_i32 : i32, i32
  }
}

module attributes {stable_mosaic.version = 14 : i64} {
  func.func @_tc_mid_body(%arg0: i32, %arg1: memref<2000x128xf32, #tpu.memory_space<vmem>>, %arg2: memref<2000x128xf32, #tpu.memory_space<vmem>>, %arg3: memref<2000x128xf32, #tpu.memory_space<vmem>>, %arg4: memref<2000x1xf32, #tpu.memory_space<vmem>>, %arg5: memref<2000x1xf32, #tpu.memory_space<vmem>>, %arg6: memref<1x128xf32, #tpu.memory_space<vmem>>, %arg7: memref<128x128xf32, #tpu.memory_space<vmem>>, %arg8: memref<2000x128xf32, #tpu.memory_space<vmem>>) attributes {dimension_semantics = [#tpu.dimension_semantics<arbitrary>], iteration_bounds = array<i64: 5>, scalar_prefetch = 0 : i64, scratch_operands = 0 : i64, tpu.core_type = #tpu.core_type<tc>, window_params = [{transform_indices = @transform_0, window_bounds = array<i64: 2000, 128>}, {transform_indices = @transform_1, window_bounds = array<i64: 2000, 128>}, {transform_indices = @transform_2, window_bounds = array<i64: 2000, 128>}, {transform_indices = @transform_3, window_bounds = array<i64: 2000, 1>}, {transform_indices = @transform_4, window_bounds = array<i64: 2000, 1>}, {pipeline_mode = #tpu.pipeline_mode<synchronous>, transform_indices = @transform_5, window_bounds = array<i64: 1, 128>}, {pipeline_mode = #tpu.pipeline_mode<synchronous>, transform_indices = @transform_6, window_bounds = array<i64: 128, 128>}, {transform_indices = @transform_7, window_bounds = array<i64: 2000, 128>}]} {
    %get3A = arith.constant 0 : index
    %get3A_0 = arith.constant 0 : index
    %get3A_1 = vector.load %arg4[%get3A, %get3A_0] : memref<2000x1xf32, #tpu.memory_space<vmem>>, vector<2000x1xf32>
    %get3A_2 = arith.constant 0 : index
    %get3A_3 = arith.constant 0 : index
    %get3A_4 = vector.load %arg5[%get3A_2, %get3A_3] : memref<2000x1xf32, #tpu.memory_space<vmem>>, vector<2000x1xf32>
    %add3A = arith.addf %get3A_1, %get3A_4 : vector<2000x1xf32>
    %add3A_5 = arith.constant 1.000000e+00 : f32
    %add3A_6 = vector.broadcast %add3A_5 : f32 to vector<2000x1xf32>
    %add3A_7 = arith.addf %add3A, %add3A_6 : vector<2000x1xf32>
    %rsqrt3A = math.rsqrt %add3A_7 : vector<2000x1xf32>
    %get3A_8 = arith.constant 0 : index
    %get3A_9 = arith.constant 0 : index
    %get3A_10 = vector.load %arg1[%get3A_8, %get3A_9] : memref<2000x128xf32, #tpu.memory_space<vmem>>, vector<2000x128xf32>
    %get3A_11 = arith.constant 0 : index
    %get3A_12 = arith.constant 0 : index
    %get3A_13 = vector.load %arg2[%get3A_11, %get3A_12] : memref<2000x128xf32, #tpu.memory_space<vmem>>, vector<2000x128xf32>
    %add3A_14 = arith.addf %get3A_10, %get3A_13 : vector<2000x128xf32>
    %get3A_15 = arith.constant 0 : index
    %get3A_16 = arith.constant 0 : index
    %get3A_17 = vector.load %arg3[%get3A_15, %get3A_16] : memref<2000x128xf32, #tpu.memory_space<vmem>>, vector<2000x128xf32>
    %add3A_18 = arith.addf %add3A_14, %get3A_17 : vector<2000x128xf32>
    %mul3A = vector.broadcast %rsqrt3A : vector<2000x1xf32> to vector<2000x128xf32>
    %mul3A_19 = arith.mulf %add3A_18, %mul3A : vector<2000x128xf32>
    %get3A_20 = arith.constant 0 : index
    %get3A_21 = arith.constant 0 : index
    %get3A_22 = vector.load %arg6[%get3A_20, %get3A_21] : memref<1x128xf32, #tpu.memory_space<vmem>>, vector<1x128xf32>
    %add3A_23 = vector.broadcast %get3A_22 : vector<1x128xf32> to vector<2000x128xf32>
    %add3A_24 = arith.addf %mul3A_19, %add3A_23 : vector<2000x128xf32>
    %max3A = arith.constant 0.000000e+00 : f32
    %max3A_25 = vector.broadcast %max3A : f32 to vector<2000x128xf32>
    %max3A_26 = arith.maximumf %add3A_24, %max3A_25 : vector<2000x128xf32>
    %get3A_27 = arith.constant 0 : index
    %get3A_28 = arith.constant 0 : index
    %get3A_29 = vector.load %arg7[%get3A_27, %get3A_28] : memref<128x128xf32, #tpu.memory_space<vmem>>, vector<128x128xf32>
    %dot_general3A = arith.constant dense<0.000000e+00> : vector<2000x128xf32>
    %dot_general3A_30 = tpu.matmul %max3A_26, %get3A_29, %dot_general3A {dimension_numbers = #tpu.dot_dimension_numbers<[1], [0], [0], [1], [0, 0, 1, 1], [], []>, precision = #tpu.contract_precision<fp32>, transpose_lhs_hint = false} : vector<2000x128xf32>, vector<128x128xf32>, vector<2000x128xf32> -> vector<2000x128xf32>
    %mul3A_31 = vector.broadcast %rsqrt3A : vector<2000x1xf32> to vector<2000x128xf32>
    %mul3A_32 = arith.mulf %dot_general3A_30, %mul3A_31 : vector<2000x128xf32>
    %swap3A = arith.constant 0 : index
    %swap3A_33 = arith.constant 0 : index
    %swap3A_34 = vector.load %arg8[%swap3A, %swap3A_33] : memref<2000x128xf32, #tpu.memory_space<vmem>>, vector<2000x128xf32>
    tpu.vector_store %arg8[%swap3A, %swap3A_33], %mul3A_32 {strides = array<i32>} : memref<2000x128xf32, #tpu.memory_space<vmem>>, vector<2000x128xf32>,
    return
  }
  func.func @transform_0(%arg0: i32) -> (i32, i32) {
    %c0_i32 = arith.constant 0 : i32
    %c0_i32_0 = arith.constant 0 : i32
    return %arg0, %c0_i32 : i32, i32
  }
  func.func @transform_1(%arg0: i32) -> (i32, i32) {
    %c0_i32 = arith.constant 0 : i32
    %c0_i32_0 = arith.constant 0 : i32
    return %arg0, %c0_i32 : i32, i32
  }
  func.func @transform_2(%arg0: i32) -> (i32, i32) {
    %c0_i32 = arith.constant 0 : i32
    %c0_i32_0 = arith.constant 0 : i32
    return %arg0, %c0_i32 : i32, i32
  }
  func.func @transform_3(%arg0: i32) -> (i32, i32) {
    %c0_i32 = arith.constant 0 : i32
    %c0_i32_0 = arith.constant 0 : i32
    return %arg0, %c0_i32 : i32, i32
  }
  func.func @transform_4(%arg0: i32) -> (i32, i32) {
    %c0_i32 = arith.constant 0 : i32
    %c0_i32_0 = arith.constant 0 : i32
    return %arg0, %c0_i32 : i32, i32
  }
  func.func @transform_5(%arg0: i32) -> (i32, i32) {
    %c0_i32 = arith.constant 0 : i32
    %c0_i32_0 = arith.constant 0 : i32
    %c0_i32_1 = arith.constant 0 : i32
    return %c0_i32, %c0_i32_0 : i32, i32
  }
  func.func @transform_6(%arg0: i32) -> (i32, i32) {
    %c0_i32 = arith.constant 0 : i32
    %c0_i32_0 = arith.constant 0 : i32
    %c0_i32_1 = arith.constant 0 : i32
    return %c0_i32, %c0_i32_0 : i32, i32
  }
  func.func @transform_7(%arg0: i32) -> (i32, i32) {
    %c0_i32 = arith.constant 0 : i32
    %c0_i32_0 = arith.constant 0 : i32
    return %arg0, %c0_i32 : i32, i32
  }
}

module attributes {stable_mosaic.version = 14 : i64} {
  func.func @_tc_final_body(%arg0: i32, %arg1: memref<2000x128xf32, #tpu.memory_space<vmem>>, %arg2: memref<2000x128xf32, #tpu.memory_space<vmem>>, %arg3: memref<2000x128xf32, #tpu.memory_space<vmem>>, %arg4: memref<2000x1xf32, #tpu.memory_space<vmem>>, %arg5: memref<2000x1xf32, #tpu.memory_space<vmem>>, %arg6: memref<1x128xf32, #tpu.memory_space<vmem>>, %arg7: memref<2000x128xf32, #tpu.memory_space<vmem>>) attributes {dimension_semantics = [#tpu.dimension_semantics<arbitrary>], iteration_bounds = array<i64: 5>, scalar_prefetch = 0 : i64, scratch_operands = 0 : i64, tpu.core_type = #tpu.core_type<tc>, window_params = [{transform_indices = @transform_0, window_bounds = array<i64: 2000, 128>}, {transform_indices = @transform_1, window_bounds = array<i64: 2000, 128>}, {transform_indices = @transform_2, window_bounds = array<i64: 2000, 128>}, {transform_indices = @transform_3, window_bounds = array<i64: 2000, 1>}, {transform_indices = @transform_4, window_bounds = array<i64: 2000, 1>}, {pipeline_mode = #tpu.pipeline_mode<synchronous>, transform_indices = @transform_5, window_bounds = array<i64: 1, 128>}, {transform_indices = @transform_6, window_bounds = array<i64: 2000, 128>}]} {
    %get3A = arith.constant 0 : index
    %get3A_0 = arith.constant 0 : index
    %get3A_1 = vector.load %arg4[%get3A, %get3A_0] : memref<2000x1xf32, #tpu.memory_space<vmem>>, vector<2000x1xf32>
    %get3A_2 = arith.constant 0 : index
    %get3A_3 = arith.constant 0 : index
    %get3A_4 = vector.load %arg5[%get3A_2, %get3A_3] : memref<2000x1xf32, #tpu.memory_space<vmem>>, vector<2000x1xf32>
    %add3A = arith.addf %get3A_1, %get3A_4 : vector<2000x1xf32>
    %add3A_5 = arith.constant 1.000000e+00 : f32
    %add3A_6 = vector.broadcast %add3A_5 : f32 to vector<2000x1xf32>
    %add3A_7 = arith.addf %add3A, %add3A_6 : vector<2000x1xf32>
    %rsqrt3A = math.rsqrt %add3A_7 : vector<2000x1xf32>
    %get3A_8 = arith.constant 0 : index
    %get3A_9 = arith.constant 0 : index
    %get3A_10 = vector.load %arg1[%get3A_8, %get3A_9] : memref<2000x128xf32, #tpu.memory_space<vmem>>, vector<2000x128xf32>
    %get3A_11 = arith.constant 0 : index
    %get3A_12 = arith.constant 0 : index
    %get3A_13 = vector.load %arg2[%get3A_11, %get3A_12] : memref<2000x128xf32, #tpu.memory_space<vmem>>, vector<2000x128xf32>
    %add3A_14 = arith.addf %get3A_10, %get3A_13 : vector<2000x128xf32>
    %get3A_15 = arith.constant 0 : index
    %get3A_16 = arith.constant 0 : index
    %get3A_17 = vector.load %arg3[%get3A_15, %get3A_16] : memref<2000x128xf32, #tpu.memory_space<vmem>>, vector<2000x128xf32>
    %add3A_18 = arith.addf %add3A_14, %get3A_17 : vector<2000x128xf32>
    %mul3A = vector.broadcast %rsqrt3A : vector<2000x1xf32> to vector<2000x128xf32>
    %mul3A_19 = arith.mulf %add3A_18, %mul3A : vector<2000x128xf32>
    %get3A_20 = arith.constant 0 : index
    %get3A_21 = arith.constant 0 : index
    %get3A_22 = vector.load %arg6[%get3A_20, %get3A_21] : memref<1x128xf32, #tpu.memory_space<vmem>>, vector<1x128xf32>
    %add3A_23 = vector.broadcast %get3A_22 : vector<1x128xf32> to vector<2000x128xf32>
    %add3A_24 = arith.addf %mul3A_19, %add3A_23 : vector<2000x128xf32>
    %reduce_max3A = arith.constant dense<0xFF800000> : vector<2000xf32>
    %reduce_max3A_25 = vector.multi_reduction <maximumf>, %add3A_24, %reduce_max3A [1] : vector<2000x128xf32> to vector<2000xf32>
    %broadcast_in_dim3A = vector.shape_cast %reduce_max3A_25 : vector<2000xf32> to vector<2000x1xf32>
    %sub3A = vector.broadcast %broadcast_in_dim3A : vector<2000x1xf32> to vector<2000x128xf32>
    %sub3A_26 = arith.subf %add3A_24, %sub3A : vector<2000x128xf32>
    %exp3A = math.exp %sub3A_26 : vector<2000x128xf32>
    %reduce_sum3A = arith.constant dense<0.000000e+00> : vector<2000xf32>
    %reduce_sum3A_27 = vector.multi_reduction <add>, %exp3A, %reduce_sum3A [1] : vector<2000x128xf32> to vector<2000xf32>
    %broadcast_in_dim3A_28 = vector.shape_cast %reduce_sum3A_27 : vector<2000xf32> to vector<2000x1xf32>
    %log3A = math.log %broadcast_in_dim3A_28 : vector<2000x1xf32>
    %sub3A_29 = vector.broadcast %log3A : vector<2000x1xf32> to vector<2000x128xf32>
    %sub3A_30 = arith.subf %sub3A_26, %sub3A_29 : vector<2000x128xf32>
    %swap3A = arith.constant 0 : index
    %swap3A_31 = arith.constant 0 : index
    %swap3A_32 = vector.load %arg7[%swap3A, %swap3A_31] : memref<2000x128xf32, #tpu.memory_space<vmem>>, vector<2000x128xf32>
    tpu.vector_store %arg7[%swap3A, %swap3A_31], %sub3A_30 {strides = array<i32>} : memref<2000x128xf32, #tpu.memory_space<vmem>>, vector<2000x128xf32>,
    return
  }
  func.func @transform_0(%arg0: i32) -> (i32, i32) {
    %c0_i32 = arith.constant 0 : i32
    %c0_i32_0 = arith.constant 0 : i32
    return %arg0, %c0_i32 : i32, i32
  }
  func.func @transform_1(%arg0: i32) -> (i32, i32) {
    %c0_i32 = arith.constant 0 : i32
    %c0_i32_0 = arith.constant 0 : i32
    return %arg0, %c0_i32 : i32, i32
  }
  func.func @transform_2(%arg0: i32) -> (i32, i32) {
    %c0_i32 = arith.constant 0 : i32
    %c0_i32_0 = arith.constant 0 : i32
    return %arg0, %c0_i32 : i32, i32
  }
  func.func @transform_3(%arg0: i32) -> (i32, i32) {
    %c0_i32 = arith.constant 0 : i32
    %c0_i32_0 = arith.constant 0 : i32
    return %arg0, %c0_i32 : i32, i32
  }
  func.func @transform_4(%arg0: i32) -> (i32, i32) {
    %c0_i32 = arith.constant 0 : i32
    %c0_i32_0 = arith.constant 0 : i32
    return %arg0, %c0_i32 : i32, i32
  }
  func.func @transform_5(%arg0: i32) -> (i32, i32) {
    %c0_i32 = arith.constant 0 : i32
    %c0_i32_0 = arith.constant 0 : i32
    %c0_i32_1 = arith.constant 0 : i32
    return %c0_i32, %c0_i32_0 : i32, i32
  }
  func.func @transform_6(%arg0: i32) -> (i32, i32) {
    %c0_i32 = arith.constant 0 : i32
    %c0_i32_0 = arith.constant 0 : i32
    return %arg0, %c0_i32 : i32, i32
  }
}

</mosaic_0001>

<sc_bundles>
// kernel: _run.12.cloned.1.call-start
scs
__scs_entry_jumppad:
0x0: {  	(pc) =	sbr.rel $0x88, $3  }
0x1: {  	(tag) =	ssettag $0x0;
	lr =	simm.s32 $0x1  }
0x2: {  	[smem:$0x3F9B] =	sst lr;
	_ =	strace $0xD0000000  }
0x3: {  	_ = 	snop  }
0x4: {  	_ = 	snop  }
0x5: {  	_ = 	snop  }
0x6: {  	_ = 	snop  }
0x7: {  	_ = 	snop  }
__scs_overlays_trampoline_lowered:
0x8: {  	[smem:$0x3FAA] =	sst s0  }
0x9: {  	[smem:$0x3FAB] =	sst s1  }
0xa: {  	[smem:$0x3FAC] =	sst s2  }
0xb: {  	[smem:$0x3FAD] =	sst s3  }
0xc: {  	[smem:$0x3FAE] =	sst s4  }
0xd: {  	[smem:$0x3FAF] =	sst s5  }
0xe: {  	[smem:$0x3FB0] =	sst s6  }
0xf: {  	[smem:$0x3FB1] =	sst s7  }
0x10: {  	[smem:$0x3FB2] =	sst s8  }
0x11: {  	[smem:$0x3FB3] =	sst s9;
	s0 =	simm.s32 @!p0 $0x0  }
0x12: {  	s1 =	sld [smem:$0x3F99];
	s0 =	simm.s32 @p0 $0x1  }
0x13: {  	[smem:$0x3FB4] =	sst s0;
	s0 =	simm.s32 @!p1 $0x0  }
0x14: {  	s2 =	sld [smem:$0x3F98];
	s0 =	simm.s32 @p1 $0x1  }
0x15: {  	[smem:$0x3FB5] =	sst s0;
	s0 =	simm.s32 @!p2 $0x0  }
0x16: {  	s3 =	sld [smem:$0x3FDB];
	s0 =	simm.s32 @p2 $0x1  }
0x17: {  	s4 =	simm.s32 $0x1BF5;
	[smem:$0x3FB7] =	sst s0  }
0x18: {  	s0 =	sld [smem:$0x3F9A];
	_ =	swait.ge [sflag:s4], $0x0  }
0x19: {  	s7 =	sld [smem:$0x3F9B]  }
0x1a: {  	s8 =	sadd.s32 $0xFFFFE003, lr  }
0x1b: {  	s9 =	sadd.s32 $0xFFFFFEF7, lr;
	s5 =	simm.s32 $0xFFFFFFFF;
	p2 =	slt.u32 s8, $0xFFFFF086  }
0x1c: {  	p1 =	slt.u32 s9, $0xF7A;
	s5 =	simm.s32 @!p2 $0x0  }
0x1d: {  	s5 =	simm.s32 @p1 $0x1;
	p0 =	seq.s32 s7, s2  }
0x1e: {  	s7 =	smul.u32 @!p0 $0xF7A, s2;
	p2 =	seq.s32 @!p0 s5, $0x0  }
0x1f: {  	s9 =	smul.u32 $0xF7A, s1;
	s8 =	simm.s32 @!p0 $0x1BF5;
	p2 =	por !p2, p0  }
0x20: {  	[sflag:s8] =	ssyncset.s32 @!p0 $0xFFFFF086;
	s6 =	sadd.s32 @!p0 s3, s7;
	s7 =	simm.s32 @!p0 $0x108  }
0x21: {  	s3 =	sadd.s32 s3, s9;
	s6 =	sadd.s32 @!p0 $0x88, s6;
	s7 =	simm.s32 @p2 $0x1082  }
0x22: {  	[simem:s7], [sflag:s8] =	dma.local @!p0 [hbm:s6], $0xF7A  }
0x23: {  	s9 =	sor.u32 $0xD0000000, s2;
	s6 =	simm.s32 $0x108;
	_ =	swait.ge @!p0 [sflag:s8], $0x0  }
0x24: {  	s3 =	sadd.s32 $0x88, s3;
	s6 =	simm.s32 @!p1 $0x1082;
	[sflag:s4] =	ssyncset.s32 $0xFFFFF086  }
0x25: {  	[simem:s6], [sflag:s4] =	dma.local [hbm:s3], $0xF7A  }
0x26: {  	[smem:$0x3F9B] =	sst s1;
	(tag) =	ssettag s2;
	_ =	strace s9  }
0x27: {  	s1 =	sld [smem:$0x3FAB]  }
0x28: {  	s2 =	sld [smem:$0x3FAC]  }
0x29: {  	s4 =	sld [smem:$0x3FAE]  }
0x2a: {  	p0 =	seq.s32 s5, $0x0;
	s5 =	sld [smem:$0x3FAF]  }
0x2b: {  	s6 =	sld [smem:$0x3FB0]  }
0x2c: {  	s7 =	sld [smem:$0x3FB1]  }
0x2d: {  	s3 =	simm.s32 $0x108;
	s8 =	sld [smem:$0x3FB2]  }
0x2e: {  	s3 =	simm.s32 @!p0 $0x1082;
	s9 =	sld [smem:$0x3FB3]  }
0x2f: {  	lr =	sadd.s32 s0, s3;
	s0 =	sld [smem:$0x3FAA]  }
0x30: {  	s3 =	sld [smem:$0x3FAD]  }
0x31: {  	[smem:$0x3FB6] =	sst s10  }
0x32: {  	s10 =	sld [smem:$0x3FB4];
	_ =	sdelay $0x3  }
0x33: {  	p0 =	seq.s32 s10, $0x1;
	s10 =	sld [smem:$0x3FB6];
	_ =	sdelay $0x3  }
0x34: {  	[smem:$0x3FB6] =	sst s10  }
0x35: {  	s10 =	sld [smem:$0x3FB5];
	_ =	sdelay $0x3  }
0x36: {  	p1 =	seq.s32 s10, $0x1;
	s10 =	sld [smem:$0x3FB6];
	_ =	sdelay $0x3  }
0x37: {  	[smem:$0x3FB6] =	sst s10  }
0x38: {  	s10 =	sld [smem:$0x3FB7]  }
0x39: {  	_ = 	snop;
	(pc) =	sbr.ind lr, $3  }
0x3a: {  	_ = 	snop  }
0x3b: {  	_ = 	snop  }
0x3c: {  	p2 =	seq.s32 s10, $0x1;
	s10 =	sld [smem:$0x3FB6]  }
0x3d: {  	_ =	shalt  }
0x3e: {  	_ =	shalt  }
0x3f: {  	_ =	shalt  }
0x40: {  	_ =	shalt  }
0x41: {  	_ =	shalt  }
0x42: {  	_ =	shalt  }
0x43: {  	_ =	shalt  }
0x44: {  	_ =	shalt  }
0x45: {  	_ =	shalt  }
0x46: {  	_ =	shalt  }
0x47: {  	_ =	shalt  }
0x48: {  	_ =	shalt  }
0x49: {  	_ =	shalt  }
0x4a: {  	_ =	shalt  }
0x4b: {  	_ =	shalt  }
0x4c: {  	_ =	shalt  }
0x4d: {  	_ =	shalt  }
0x4e: {  	_ =	shalt  }
0x4f: {  	_ =	shalt  }
0x50: {  	_ =	shalt  }
0x51: {  	_ =	shalt  }
0x52: {  	_ =	shalt  }
0x53: {  	_ =	shalt  }
0x54: {  	_ =	shalt  }
0x55: {  	_ =	shalt  }
0x56: {  	_ =	shalt  }
0x57: {  	_ =	shalt  }
0x58: {  	_ =	shalt  }
0x59: {  	_ =	shalt  }
0x5a: {  	_ =	shalt  }
0x5b: {  	_ =	shalt  }
0x5c: {  	_ =	shalt  }
0x5d: {  	_ =	shalt  }
0x5e: {  	_ =	shalt  }
0x5f: {  	_ =	shalt  }
0x60: {  	_ =	shalt  }
0x61: {  	_ =	shalt  }
0x62: {  	_ =	shalt  }
0x63: {  	_ =	shalt  }
0x64: {  	_ =	shalt  }
0x65: {  	_ =	shalt  }
0x66: {  	_ =	shalt  }
0x67: {  	_ =	shalt  }
0x68: {  	_ =	shalt  }
0x69: {  	_ =	shalt  }
0x6a: {  	_ =	shalt  }
0x6b: {  	_ =	shalt  }
0x6c: {  	_ =	shalt  }
0x6d: {  	_ =	shalt  }
0x6e: {  	_ =	shalt  }
0x6f: {  	_ =	shalt  }
0x70: {  	_ =	shalt  }
0x71: {  	_ =	shalt  }
0x72: {  	_ =	shalt  }
0x73: {  	_ =	shalt  }
0x74: {  	_ =	shalt  }
0x75: {  	_ =	shalt  }
0x76: {  	_ =	shalt  }
0x77: {  	_ =	shalt  }
0x78: {  	_ =	shalt  }
0x79: {  	_ =	shalt  }
0x7a: {  	_ =	shalt  }
0x7b: {  	_ =	shalt  }
0x7c: {  	_ =	shalt  }
0x7d: {  	_ =	shalt  }
0x7e: {  	_ =	shalt  }
0x7f: {  	_ =	shalt  }
0x80: {  	_ =	shalt  }
0x81: {  	_ =	shalt  }
0x82: {  	_ =	shalt  }
0x83: {  	_ =	shalt  }
0x84: {  	_ =	shalt  }
0x85: {  	_ =	shalt  }
0x86: {  	_ =	shalt  }
0x87: {  	_ =	shalt  }
.Lfunc_end0:
.L_simem_size_0:
called_computation.1_lowered:
.L_overlay_start_0:
0x88: {  	s2 =	sld [smem:$0x3FD9]  }
0x89: {  	s3 =	sld [smem:$0x3FFE];
	_ =	sdelay $0x1  }
0x8a: {  	s1 =	srdreg.scid  }
0x8b: {  	s0 =	sand.u32 $0x1, s1  }
0x8c: {  	s17 =	sshll.u32 s0, $0xA;
	s2 =	sadd.s32 s3, s2  }
0x8d: {  	s2 =	sadd.s32 s2, s17  }
0x8e: {  	[smem:$0x3FC2] =	sst s2  }
0x8f: {  	_ = 	snop  }
0x90: {  	s2 =	sld [smem:$0x3FD0];
	(tm) =	ssettm $0x1  }
0x91: {  	s18 =	sld [smem:$0x3FFB];
	_ =	sdelay $0x3  }
0x92: {  	_ =	strace s18  }
0x93: {  	s3 =	sld [smem:$0x3FFC];
	_ =	sdelay $0x3  }
0x94: {  	_ =	strace s3  }
0x95: {  	s3 =	sld [smem:$0x3FFD];
	_ =	sdelay $0x3  }
0x96: {  	_ =	strace s3  }
0x97: {  	_ =	strace $0x8FFFFFFF  }
0x98: {  	s19 =	sld [smem:$0x3FDB];
	_ =	sdelay $0x1  }
0x99: {  	s4 =	simm.s32 $_scs_section_size  }
0x9a: {  	s5 =	simm.s32 $_size__tile_overlayer_lowered;
	s6 =	simm.s32 $_tile_overlayer_lowered  }
0x9b: {  	s22 =	simm.s32 $0x1BFF;
	s21 =	sshll.u32 s6, $0x1;
	s3 =	sadd.s32 s4, s19  }
0x9c: {  	s7 =	simm.s32 $0x0;
	s20 =	sshll.u32 s5, $0x1;
	s5 =	sadd.s32 s21, s3  }
0x9d: {  	[timem:s7], [sflag:s22] =	dma.local [hbm:s5], s20  }
0x9e: {  	_ =	swait.ge [sflag:s22], s20  }
0x9f: {  	s4 =	ssub.s32 $0x0, s20;
	[sflag:s22] =	ssyncset.done $0x0  }
0xa0: {  	[sflag:s22] =	ssyncadd.s32 s4;
	_ =	sdelay $0x1  }
0xa1: {  	s23 =	simm.s32 $0x1B8B  }
0xa2: {  	_ =	swait.ge [sflag:s23], $0x1  }
0xa3: {  	[sflag:s23] =	ssyncset.done $0x0  }
0xa4: {  	s25 =	simm.s32 $0x1B8E;
	s24 =	sld [smem:$0x3FFE];
	[sflag:s23] =	ssyncadd.s32 $0xFFFFFFFF  }
0xa5: {  	s26 =	simm.s32 $execute0_lowered;
	[smem:$0x3FD2] =	sst s25  }
0xa6: {  	s5 =	sshll.u32 s26, $0x1;
	_ =	strace $0x80000049;
	[dreg:$0x1] =	wrdreg $0xFFFFFFFF  }
0xa7: {  	s28 =	simm.s32 $_size_execute0_lowered;
	s3 =	sadd.s32 s3, s5;
	[dreg:$0x0] =	wrdreg $0x0  }
0xa8: {  	s5 =	sshll.u32 s28, $0x1;
	[dreg:$0x2] =	wrdreg s3  }
0xa9: {  	[dreg:$0x3] =	wrdreg s5  }
0xaa: {  	[dreg:$0x4] =	wrdreg $0xC0  }
0xab: {  	_ =	task [dreg:s7], $0x5FFFF  }
0xac: {  	[dreg:$0x1] =	wrdreg $0xFFFFFFFF  }
0xad: {  	[dreg:$0x0] =	wrdreg $0x60  }
0xae: {  	[dreg:$0x2] =	wrdreg s24  }
0xaf: {  	[dreg:$0x3] =	wrdreg s2  }
0xb0: {  	[dreg:$0x4] =	wrdreg $0xBC000  }
0xb1: {  	[dreg:$0x5] =	wrdreg $0x9  }
0xb2: {  	_ =	task.clear_ibuf [dreg:s7], $0x6FFFF;
	_ =	strace $0x90000049  }
0xb3: {  	s29 =	simm.s32 $0x9;
	_ =	strace $0x8000004B  }
0xb4: {  	_ =	swait.ge [sflag:s29], $0x1  }
0xb5: {  	[sflag:s29] =	ssyncadd.s32 $0xFFFFFFFF  }
0xb6: {  	_ =	strace $0x9000004B  }
0xb7: {  	_ =	sfence  }
0xb8: {  	s30 =	sld [smem:$0x0];
	_ =	sdelay $0x2  }
0xb9: {  	s31 =	sshll.u32 s1, $0xD;
	s1 =	sshrl.u32 s1, $0x2  }
0xba: {  	s3 =	sand.u32 $0x4000, s31;
	s1 =	sadd.s32 s1, s30  }
0xbb: {  	s0 =	sor.u32 s3, s0;
	s1 =	sshll.u32 s1, $0x11  }
0xbc: {  	s0 =	sor.u32 s1, s0  }
0xbd: {  	s0 =	sadd.s32 $0x8F2B, s0  }
0xbe: {  	[sflag:s0] =	ssyncadd.remote.s32 $0x1  }
0xbf: {  	_ =	sfence.sel $0xFFFF  }
0xc0: {  	[dreg:$0x0] =	wrdreg $0xFFFFFFFF;
	(pc) =	sbr.abs _section_cstart, $3  }
0xc1: {  	[dreg:$0x1] =	wrdreg $0xFFFFFFFF  }
0xc2: {  	_ =	task.clear_ibuf [dreg:s7], $0x2FFFF;
	_ =	strace $0x9FFFFFFF  }
0xc3: {  	(tm) =	ssettm $0x7FFFFFFF  }
tec
execute0_lowered:
.L_overlay_start_1:
0x0: {  	(tag) =	ssettag $0x1  }
0x1: {  	s0 =	rddreg [dreg:$0x0]  }
0x2: {  	s1 =	srdreg.scid;
	s2 =	rddreg [dreg:$0x1]  }
0x3: {  	s3 =	rddreg [dreg:$0x2];
	s20 =	stileid.u32;
	s4 =	simm.s32 $0x0  }
0x4: {  	s31 =	simm.s32 $0x0;
	s1 =	sand.u32 $0x1, s1;
	s10 =	smul.u32 $0x280, s20  }
0x5: {  	[smem:$0x7FF] =	sst s4;
	s11 =	sadd.s32 $0x3800, s0;
	s12 =	smul.u32 $0x50000, s20  }
0x6: {  	s28 =	smul.u32 $0x2800, s20;
	s5 =	sshll.u32 s1, $0x4;
	_ =	strace $0x8000004A  }
0x7: {  	s8 =	ssub.s32 $0x2, s1;
	p0 =	seq.s32 s1, $0x1;
	s7 =	sor.u32 s20, s5  }
0x8: {  	s9 =	sshrl.u32 s8, $0x1;
	s21 =	sshrl.u32 s12, $0x2;
	s14 =	sadd.s32 $0x80, s10  }
0x9: {  	s15 =	sadd.s32 $0x100, s10;
	s17 =	sadd.s32 $0x180, s10;
	s18 =	sadd.s32 $0x200, s10  }
0xa: {  	s20 =	simm.s32 $0x7C00;
	s6 =	smul.u32 $0x500, s7;
	s13 =	ssub.s32 s8, s9  }
0xb: {  	s22 =	sshll.u32 s14, $0x7;
	s23 =	sshll.u32 s15, $0x7;
	s16 =	smul.u32 $0x2800, s7  }
0xc: {  	s7 =	sadd.s32 s21, s3;
	s25 =	sshll.u32 s17, $0x7;
	s26 =	sshll.u32 s18, $0x7  }
0xd: {  	s29 =	sshll.u32 s14, $0x4;
	s30 =	sshll.u32 s15, $0x4;
	s17 =	sshll.u32 s17, $0x4  }
0xe: {  	s18 =	sshll.u32 s18, $0x4;
	s21 =	simm.s32 $0x3;
	s8 =	sadd.s32 s22, s3  }
0xf: {  	s9 =	sadd.s32 s23, s3;
	s10 =	sadd.s32 s25, s3;
	s13 =	smax.u32 s13, $0x1  }
0x10: {  	s22 =	simm.s32 $0x1;
	s23 =	simm.s32 $0x2;
	s25 =	simm.s32 $0x3C00  }
0x11: {  	s19 =	sadd.s32 s6, s0;
	s6 =	sadd.s32 s11, s6;
	s24 =	sshrl.u32 s16, $0x3  }
0x12: {  	s16 =	simm.s32 $0x8FE00;
	s5 =	sadd.s32 $0xDE00, s19;
	s19 =	sadd.s32 s11, s24  }
0x13: {  	s11 =	sadd.s32 s26, s3;
	s16 =	simm.s32 @!p0 $0x67E00;
	s24 =	simm.s32 $0x80  }
0x14: {  	s26 =	simm.s32 $0x4;
	[dreg:$0x4] =	wrdreg s5;
	s0 =	sadd.s32 s16, s0  }
0x15: {  	s12 =	sadd.s32 $0x280, s19;
	s14 =	sadd.s32 s0, s28;
	s15 =	sadd.s32 s0, s29  }
0x16: {  	v0 =	vimm.f32 $0.0e+00;
	s16 =	sadd.s32 s0, s30;
	s17 =	sadd.s32 s0, s17;
	s18 =	sadd.s32 s0, s18  }
.LBB2_1:
0x17: {  	s0 =	rddreg [dreg:$0x4]  }
0x18: {  	[tilespmem:s4], [sflag:$0x1] =	stream.linear.gather [hbm4b:s0+s4], $0x2800, $0x38;
	[tilespmem:$0x1FC00] =	vst v63  }
0x19: {  	s30 =	simm.s32 $0x2800;
	s1 =	simm.s32 $0x200;
	s0 =	simm.s32 $0x0  }
0x1a: {  	[tilespmem:s30], [sflag:$0x2] =	stream.linear.gather [hbm4b:s6+s4], $0x1400, $0x38;
	[tilespmem:$0x1FC00] =	vst v63  }
.LBB2_2:
0x1b: {  	p0 =	sne.s32 s1, $0xFE00;
	[tilespmem:s0+$0x7C70] =	vst v0  }
0x1c: {  	[tilespmem:s0+$0x7C00] =	vst v0  }
0x1d: {  	[tilespmem:s0+$0x7C10] =	vst v0  }
.Ltmp0:
0x1e: {  	[tilespmem:s0+$0x7C20] =	vst v0;
	(pc) =	sbr.rel @p0 .LBB2_2-.Ltmp0, $4  }
0x1f: {  	[tilespmem:s0+$0x7C30] =	vst v0  }
0x20: {  	[tilespmem:s0+$0x7C40] =	vst v0  }
0x21: {  	[tilespmem:s0+$0x7C50] =	vst v0  }
0x22: {  	[tilespmem:s0+$0x7C60] =	vst v0;
	s0 =	sshra.s32 s1, $0x2;
	s1 =	sadd.s32 $0x200, s1  }
0x23: {  	[tilespmem:s0+$0x7C70] =	vst v0  }
0x24: {  	[tilespmem:s0+$0x7C00] =	vst v0  }
0x25: {  	[tilespmem:s0+$0x7C10] =	vst v0  }
0x26: {  	[tilespmem:s0+$0x7C20] =	vst v0  }
0x27: {  	[tilespmem:s0+$0x7C30] =	vst v0  }
0x28: {  	[tilespmem:s0+$0x7C40] =	vst v0  }
0x29: {  	[tilespmem:s0+$0x7C50] =	vst v0  }
0x2a: {  	[tilespmem:s0+$0x7C60] =	vst v0  }
0x2b: {  	[spmem:s7] =	stream.linear.scatter [tilespmem:s20], [sflag:$0x3], $0x4000, $0x38;
	[tilespmem:$0x1FC00] =	vst v63  }
0x2c: {  	_ = 	snop  }
0x2d: {  	[spmem:s8] =	stream.linear.scatter [tilespmem:s20], [sflag:$0x3], $0x4000, $0x38;
	[tilespmem:$0x1FC00] =	vst v63  }
0x2e: {  	_ = 	snop  }
0x2f: {  	[spmem:s9] =	stream.linear.scatter [tilespmem:s20], [sflag:$0x3], $0x4000, $0x38;
	[tilespmem:$0x1FC00] =	vst v63  }
0x30: {  	_ = 	snop  }
0x31: {  	[spmem:s10] =	stream.linear.scatter [tilespmem:s20], [sflag:$0x3], $0x4000, $0x38;
	[tilespmem:$0x1FC00] =	vst v63  }
0x32: {  	_ = 	snop  }
0x33: {  	[spmem:s11] =	stream.linear.scatter [tilespmem:s20], [sflag:$0x3], $0x4000, $0x38;
	[tilespmem:$0x1FC00] =	vst v63  }
0x34: {  	_ =	swait.ge [sflag:s21], $0x4000  }
0x35: {  	[sflag:s21] =	ssyncset.done $0x0  }
0x36: {  	[sflag:s21] =	ssyncadd.s32 $0xFFFFC000  }
0x37: {  	_ =	swait.ge [sflag:s21], $0x4000  }
0x38: {  	[sflag:s21] =	ssyncset.done $0x0  }
0x39: {  	[sflag:s21] =	ssyncadd.s32 $0xFFFFC000  }
0x3a: {  	_ =	swait.ge [sflag:s21], $0x4000  }
0x3b: {  	[sflag:s21] =	ssyncset.done $0x0  }
0x3c: {  	[sflag:s21] =	ssyncadd.s32 $0xFFFFC000  }
0x3d: {  	_ =	swait.ge [sflag:s21], $0x4000  }
0x3e: {  	[sflag:s21] =	ssyncset.done $0x0  }
0x3f: {  	[sflag:s21] =	ssyncadd.s32 $0xFFFFC000  }
0x40: {  	_ =	swait.ge [sflag:s21], $0x4000  }
0x41: {  	[sflag:s21] =	ssyncset.done $0x0  }
0x42: {  	[sflag:s21] =	ssyncadd.s32 $0xFFFFC000  }
0x43: {  	_ =	swait.ge [sflag:s22], $0x2800  }
0x44: {  	[sflag:s22] =	ssyncset.done $0x0  }
0x45: {  	[sflag:s22] =	ssyncadd.s32 $0xFFFFD800  }
0x46: {  	_ =	swait.ge [sflag:s23], $0x1400  }
0x47: {  	[sflag:s23] =	ssyncset.done $0x0  }
0x48: {  	[sflag:s23] =	ssyncadd.s32 $0xFFFFEC00  }
0x49: {  	s0 =	simm.s32 $0x0;
	p0 =	por $0x1, $0x1;
	[bflag:$0x0] =	sbarrier.arrive $0xFFFF  }
0x4a: {  	[tilespmem:s25], [sflag:$0x1] =	stream.indirect.gather [hbm4b:s2+s24], $0x80, s0, s24, $0xb8;
	[tilespmem:$0x1FC00] =	vst v63  }
0x4b: {  	s1 =	simm.s32 @!p0 $0x0;
	s19 =	simm.s32 @!p0 $0x2800;
	s28 =	simm.s32 @!p0 $0x4  }
0x4c: {  	[tilespmem:s19], [sflag:$0x4] =	stream.linear.gather @!p0 [hbm4b:s12+s1], $0x1400, $0x38;
	[tilespmem:$0x1FC00] =	vst v63  }
0x4d: {  	_ =	swait.ge @!p0 [sflag:s28], $0x1400  }
0x4e: {  	s29 =	simm.s32 $0x80;
	[sflag:s28] =	ssyncset.done @!p0 $0x0  }
0x4f: {  	s1 =	simm.s32 $0xFFFFB000;
	[sflag:s28] =	ssyncadd.s32 @!p0 $0xFFFFEC00;
	p0 =	por $0x1, $0x1  }
0x50: {  	[tilespmem:s20], [sflag:$0x2] =	stream.indirect.gather [hbm4b:s2+s24], $0x80, s29, s24, $0xb8;
	[tilespmem:$0x1FC00] =	vst v63  }
0x51: {  	s1 =	smov.u32 @p0 s0;
	_ =	swait.ge [sflag:s22], $0x4000  }
0x52: {  	s0 =	sshra.s32 s1, $0x2;
	[sflag:s22] =	ssyncset.done $0x0  }
0x53: {  	s1 =	sadd.s32 $0x2800, s0;
	[sflag:s22] =	ssyncadd.s32 $0xFFFFC000  }
0x54: {  	[spmem:s3] =	stream.indirect.scatter.add.f32 [tilespmem:s25], [sflag:$0x4], $0x80, s1, s24, $0xb8;
	[tilespmem:$0x1FC00] =	vst v63  }
0x55: {  	_ =	swait.ge [sflag:s26], $0x4000  }
0x56: {  	[sflag:s26] =	ssyncset.done $0x0  }
0x57: {  	s30 =	simm.s32 $0x100;
	[sflag:s26] =	ssyncadd.s32 $0xFFFFC000  }
0x58: {  	[tilespmem:s25], [sflag:$0x1] =	stream.indirect.gather [hbm4b:s2+s24], $0x80, s30, s24, $0xb8;
	[tilespmem:$0x1FC00] =	vst v63  }
0x59: {  	_ =	swait.ge [sflag:s23], $0x4000  }
0x5a: {  	p1 =	por $0x1, $0x1;
	[sflag:s23] =	ssyncset.done $0x0  }
0x5b: {  	s19 =	simm.s32 $0x800;
	s0 =	sadd.s32 $0x2880, s0;
	[sflag:s23] =	ssyncadd.s32 $0xFFFFC000  }
0x5c: {  	[spmem:s3] =	stream.indirect.scatter.add.f32 [tilespmem:s20], [sflag:$0x4], $0x80, s0, s24, $0xb8;
	[tilespmem:$0x1FC00] =	vst v63  }
0x5d: {  	s1 =	simm.s32 $0x1;
	s0 =	simm.s32 $0x400;
	_ =	swait.ge [sflag:s26], $0x4000  }
.LBB2_4:
0x5e: {  	s28 =	simm.s32 @!p1 $0x0  }
0x5f: {  	s29 =	simm.s32 @!p1 $0x2800;
	[sflag:s26] =	ssyncset.done $0x0;
	s30 =	smov.u32 s19  }
0x60: {  	s19 =	sadd.s32 $0x400, s19;
	s5 =	simm.s32 @!p1 $0x4;
	[sflag:s26] =	ssyncadd.s32 $0xFFFFC000  }
0x61: {  	[tilespmem:s29], [sflag:$0x4] =	stream.linear.gather @!p1 [hbm4b:s12+s28], $0x1400, $0x38;
	[tilespmem:$0x1FC00] =	vst v63  }
0x62: {  	p0 =	sne.s32 s19, $0x9C00;
	_ =	swait.ge @!p1 [sflag:s5], $0x1400  }
0x63: {  	s28 =	sshra.s32 s0, $0x2;
	s29 =	sadd.s32 $0xFFFFB000, s0;
	[sflag:s5] =	ssyncset.done @!p1 $0x0  }
0x64: {  	[sflag:s5] =	ssyncadd.s32 @!p1 $0xFFFFEC00;
	p1 =	slt.u32 s1, $0x14;
	s5 =	sadd.s32 $0x80, s28  }
0x65: {  	[tilespmem:s20], [sflag:$0x2] =	stream.indirect.gather [hbm4b:s2+s24], $0x80, s5, s24, $0xb8;
	[tilespmem:$0x1FC00] =	vst v63  }
0x66: {  	s29 =	smov.u32 @p1 s0;
	s0 =	smov.u32 s30;
	_ =	swait.ge [sflag:s22], $0x4000  }
0x67: {  	s5 =	sshra.s32 s29, $0x2;
	[sflag:s22] =	ssyncset.done $0x0  }
0x68: {  	s29 =	sadd.s32 $0x2800, s5;
	[sflag:s22] =	ssyncadd.s32 $0xFFFFC000  }
0x69: {  	[spmem:s3] =	stream.indirect.scatter.add.f32 [tilespmem:s25], [sflag:$0x4], $0x80, s29, s24, $0xb8;
	[tilespmem:$0x1FC00] =	vst v63  }
0x6a: {  	_ =	swait.ge [sflag:s26], $0x4000  }
0x6b: {  	[sflag:s26] =	ssyncset.done $0x0  }
0x6c: {  	s28 =	sadd.s32 $0x100, s28;
	[sflag:s26] =	ssyncadd.s32 $0xFFFFC000  }
0x6d: {  	[tilespmem:s25], [sflag:$0x1] =	stream.indirect.gather [hbm4b:s2+s24], $0x80, s28, s24, $0xb8;
	[tilespmem:$0x1FC00] =	vst v63  }
.Ltmp1:
0x6e: {  	_ =	swait.ge [sflag:s23], $0x4000;
	(pc) =	sbr.rel @p0 .LBB2_4-.Ltmp1, $4  }
0x6f: {  	[sflag:s23] =	ssyncset.done $0x0  }
0x70: {  	s5 =	sadd.s32 $0x2880, s5;
	[sflag:s23] =	ssyncadd.s32 $0xFFFFC000  }
0x71: {  	[spmem:s3] =	stream.indirect.scatter.add.f32 [tilespmem:s20], [sflag:$0x4], $0x80, s5, s24, $0xb8;
	[tilespmem:$0x1FC00] =	vst v63  }
0x72: {  	s1 =	sadd.s32 $0x1, s1;
	p1 =	sne.s32 s0, $0x5000;
	_ =	swait.ge [sflag:s26], $0x4000  }
0x73: {  	[sflag:s26] =	ssyncset.done $0x0  }
0x74: {  	s5 =	simm.s32 @!p1 $0x0;
	s19 =	simm.s32 @!p1 $0x2800;
	[sflag:s26] =	ssyncadd.s32 $0xFFFFC000  }
0x75: {  	[tilespmem:s19], [sflag:$0x4] =	stream.linear.gather @!p1 [hbm4b:s12+s5], $0x1400, $0x38;
	[tilespmem:$0x1FC00] =	vst v63  }
0x76: {  	s5 =	simm.s32 @!p1 $0x4  }
0x77: {  	_ =	swait.ge @!p1 [sflag:s5], $0x1400  }
0x78: {  	s29 =	sshra.s32 s0, $0x2;
	p0 =	slt.u32 s1, $0x14;
	[sflag:s5] =	ssyncset.done @!p1 $0x0  }
0x79: {  	s1 =	sadd.s32 $0xFFFFB000, s0;
	s30 =	sadd.s32 $0x80, s29;
	[sflag:s5] =	ssyncadd.s32 @!p1 $0xFFFFEC00  }
0x7a: {  	[tilespmem:s20], [sflag:$0x2] =	stream.indirect.gather [hbm4b:s2+s24], $0x80, s30, s24, $0xb8;
	[tilespmem:$0x1FC00] =	vst v63  }
0x7b: {  	s1 =	smov.u32 @p0 s0;
	_ =	swait.ge [sflag:s22], $0x4000  }
0x7c: {  	s0 =	sshra.s32 s1, $0x2;
	[sflag:s22] =	ssyncset.done $0x0  }
0x7d: {  	s1 =	sadd.s32 $0x2800, s0;
	[sflag:s22] =	ssyncadd.s32 $0xFFFFC000  }
0x7e: {  	[spmem:s3] =	stream.indirect.scatter.add.f32 [tilespmem:s25], [sflag:$0x4], $0x80, s1, s24, $0xb8;
	[tilespmem:$0x1FC00] =	vst v63  }
0x7f: {  	_ =	swait.ge [sflag:s26], $0x4000  }
0x80: {  	[sflag:s26] =	ssyncset.done $0x0  }
0x81: {  	s19 =	sadd.s32 $0x100, s29;
	[sflag:s26] =	ssyncadd.s32 $0xFFFFC000  }
0x82: {  	[tilespmem:s25], [sflag:$0x1] =	stream.indirect.gather [hbm4b:s2+s24], $0x80, s19, s24, $0xb8;
	[tilespmem:$0x1FC00] =	vst v63  }
0x83: {  	_ =	swait.ge [sflag:s23], $0x4000  }
0x84: {  	[sflag:s23] =	ssyncset.done $0x0  }
0x85: {  	s0 =	sadd.s32 $0x2880, s0;
	[sflag:s23] =	ssyncadd.s32 $0xFFFFC000  }
0x86: {  	[spmem:s3] =	stream.indirect.scatter.add.f32 [tilespmem:s20], [sflag:$0x4], $0x80, s0, s24, $0xb8;
	[tilespmem:$0x1FC00] =	vst v63  }
0x87: {  	_ =	swait.ge [sflag:s26], $0x4000  }
0x88: {  	[sflag:s26] =	ssyncset.done $0x0  }
0x89: {  	s28 =	simm.s32 $0x2780;
	[sflag:s26] =	ssyncadd.s32 $0xFFFFC000  }
0x8a: {  	[tilespmem:s20], [sflag:$0x2] =	stream.indirect.gather [hbm4b:s2+s24], $0x80, s28, s24, $0xb8;
	[tilespmem:$0x1FC00] =	vst v63  }
0x8b: {  	_ =	swait.ge [sflag:s22], $0x4000  }
0x8c: {  	[sflag:s22] =	ssyncset.done $0x0  }
0x8d: {  	s29 =	simm.s32 $0x3B00;
	[sflag:s22] =	ssyncadd.s32 $0xFFFFC000  }
0x8e: {  	[spmem:s3] =	stream.indirect.scatter.add.f32 [tilespmem:s25], [sflag:$0x4], $0x80, s29, s24, $0xb8;
	[tilespmem:$0x1FC00] =	vst v63  }
0x8f: {  	_ =	swait.ge [sflag:s26], $0x4000  }
0x90: {  	[sflag:s26] =	ssyncset.done $0x0  }
0x91: {  	[sflag:s26] =	ssyncadd.s32 $0xFFFFC000  }
0x92: {  	_ =	swait.ge [sflag:s23], $0x4000  }
0x93: {  	[sflag:s23] =	ssyncset.done $0x0  }
0x94: {  	s30 =	simm.s32 $0x3B80;
	[sflag:s23] =	ssyncadd.s32 $0xFFFFC000  }
0x95: {  	[spmem:s3] =	stream.indirect.scatter.add.f32 [tilespmem:s20], [sflag:$0x4], $0x80, s30, s24, $0xb8;
	[tilespmem:$0x1FC00] =	vst v63  }
0x96: {  	_ =	swait.ge [sflag:s26], $0x4000  }
0x97: {  	[sflag:s26] =	ssyncset.done $0x0  }
0x98: {  	[sflag:s26] =	ssyncadd.s32 $0xFFFFC000  }
0x99: {  	[bflag:$0x0] =	sbarrier.arrive $0xFFFF  }
0x9a: {  	[tilespmem:s25], [sflag:$0x4] =	stream.linear.gather [spmem:s7], $0x4000, $0x38;
	[tilespmem:$0x1FC00] =	vst v63  }
0x9b: {  	_ =	swait.ge [sflag:s26], $0x4000  }
0x9c: {  	[sflag:s26] =	ssyncset.done $0x0  }
0x9d: {  	[sflag:s26] =	ssyncadd.s32 $0xFFFFC000  }
0x9e: {  	[hbm4b:s14+s4] =	stream.linear.scatter [tilespmem:s25], [sflag:$0x3], $0x4000, $0x38;
	[tilespmem:$0x1FC00] =	vst v63  }
0x9f: {  	_ = 	snop  }
0xa0: {  	[tilespmem:s20], [sflag:$0x4] =	stream.linear.gather [spmem:s8], $0x4000, $0x38;
	[tilespmem:$0x1FC00] =	vst v63  }
0xa1: {  	_ =	swait.ge [sflag:s26], $0x4000  }
0xa2: {  	[sflag:s26] =	ssyncset.done $0x0  }
0xa3: {  	[sflag:s26] =	ssyncadd.s32 $0xFFFFC000  }
0xa4: {  	[hbm4b:s15+s4] =	stream.linear.scatter [tilespmem:s20], [sflag:$0x3], $0x4000, $0x38;
	[tilespmem:$0x1FC00] =	vst v63  }
0xa5: {  	_ =	swait.ge [sflag:s21], $0x4000  }
0xa6: {  	[sflag:s21] =	ssyncset.done $0x0  }
0xa7: {  	[sflag:s21] =	ssyncadd.s32 $0xFFFFC000  }
0xa8: {  	[tilespmem:s25], [sflag:$0x4] =	stream.linear.gather [spmem:s9], $0x4000, $0x38;
	[tilespmem:$0x1FC00] =	vst v63  }
0xa9: {  	_ =	swait.ge [sflag:s26], $0x4000  }
0xaa: {  	[sflag:s26] =	ssyncset.done $0x0  }
0xab: {  	[sflag:s26] =	ssyncadd.s32 $0xFFFFC000  }
0xac: {  	[hbm4b:s16+s4] =	stream.linear.scatter [tilespmem:s25], [sflag:$0x3], $0x4000, $0x38;
	[tilespmem:$0x1FC00] =	vst v63  }
0xad: {  	_ =	swait.ge [sflag:s21], $0x4000  }
0xae: {  	[sflag:s21] =	ssyncset.done $0x0  }
0xaf: {  	[sflag:s21] =	ssyncadd.s32 $0xFFFFC000  }
0xb0: {  	[tilespmem:s20], [sflag:$0x4] =	stream.linear.gather [spmem:s10], $0x4000, $0x38;
	[tilespmem:$0x1FC00] =	vst v63  }
0xb1: {  	_ =	swait.ge [sflag:s26], $0x4000  }
0xb2: {  	[sflag:s26] =	ssyncset.done $0x0  }
0xb3: {  	[sflag:s26] =	ssyncadd.s32 $0xFFFFC000  }
0xb4: {  	[hbm4b:s17+s4] =	stream.linear.scatter [tilespmem:s20], [sflag:$0x3], $0x4000, $0x38;
	[tilespmem:$0x1FC00] =	vst v63  }
0xb5: {  	_ =	swait.ge [sflag:s21], $0x4000  }
0xb6: {  	[sflag:s21] =	ssyncset.done $0x0  }
0xb7: {  	[sflag:s21] =	ssyncadd.s32 $0xFFFFC000  }
0xb8: {  	[tilespmem:s25], [sflag:$0x4] =	stream.linear.gather [spmem:s11], $0x4000, $0x38;
	[tilespmem:$0x1FC00] =	vst v63  }
0xb9: {  	_ =	swait.ge [sflag:s26], $0x4000  }
0xba: {  	[sflag:s26] =	ssyncset.done $0x0  }
0xbb: {  	s31 =	sadd.s32 $0x1, s31;
	[sflag:s26] =	ssyncadd.s32 $0xFFFFC000  }
0xbc: {  	[hbm4b:s18+s4] =	stream.linear.scatter [tilespmem:s25], [sflag:$0x3], $0x4000, $0x38;
	[tilespmem:$0x1FC00] =	vst v63  }
0xbd: {  	p0 =	sne.s32 s31, s13;
	_ =	swait.ge [sflag:s21], $0x4000  }
.Ltmp2:
0xbe: {  	[sflag:s21] =	ssyncset.done $0x0;
	(pc) =	sbr.rel @p0 .LBB2_1-.Ltmp2, $4  }
0xbf: {  	[sflag:s21] =	ssyncadd.s32 $0xFFFFC000  }
0xc0: {  	_ =	swait.ge [sflag:s21], $0x4000  }
0xc1: {  	[sflag:s21] =	ssyncset.done $0x0  }
0xc2: {  	[sflag:s21] =	ssyncadd.s32 $0xFFFFC000  }
0xc3: {  	_ =	sfence.sel $0x180000  }
0xc4: {  	[bflag:$0x0] =	sbarrier.arrive $0xFFFF  }
0xc5: {  	_ =	strace $0x9000004A  }
0xc6: {  	s0 =	stileid.u32;
	[bflag:$0x2] =	sbarrier.arrive $0xFFFF  }
0xc7: {  	p0 =	sne.s32 s0, $0x0;
	s0 =	rddreg [dreg:$0x3]  }
0xc8: {  	s0 =	sadd.s32 @!p0 $0x100000, s0  }
0xc9: {  	[sflag:s0] =	ssyncadd.tile.s32 @!p0 $0x1;
	_ =	shalt  }
.Lfunc_end2:
_tile_overlayer_lowered:
.L_overlay_start_2:
0xca: {  	(tag) =	ssettag $0x2  }
0xcb: {  	s0 =	rddreg [dreg:$0x0];
	s2 =	stileid.u32  }
0xcc: {  	s1 =	rddreg [dreg:$0x1];
	p0 =	sne.s32 s2, $0x0  }
0xcd: {  	s3 =	rddreg [dreg:$0x2];
	[bflag:$0x3] =	sbarrier.arrive $0xFFFF;
	s2 =	simm.s32 @!p0 $0x1C04  }
0xce: {  	[timem:s3], [sflag:s2] =	dma.local @!p0 [hbm:s0], s1  }
0xcf: {  	s0 =	simm.s32 @!p0 $0x4  }
0xd0: {  	_ =	swait.ge @!p0 [sflag:s0], s1  }
0xd1: {  	s1 =	ssub.s32 @!p0 $0x0, s1;
	[sflag:s0] =	ssyncset.done @!p0 $0x0  }
0xd2: {  	[sflag:s0] =	ssyncadd.s32 @!p0 s1  }
0xd3: {  	[bflag:$0x3] =	sbarrier.arrive $0xFFFF  }
0xd4: {  	_ =	shalt  }

// kernel: _run.15.cloned.1.call-start
scs
__scs_entry_jumppad:
0x0: {  	(pc) =	sbr.rel $0x88, $3  }
0x1: {  	(tag) =	ssettag $0x0;
	lr =	simm.s32 $0x1  }
0x2: {  	[smem:$0x3F9B] =	sst lr;
	_ =	strace $0xD0000000  }
0x3: {  	_ = 	snop  }
0x4: {  	_ = 	snop  }
0x5: {  	_ = 	snop  }
0x6: {  	_ = 	snop  }
0x7: {  	_ = 	snop  }
__scs_overlays_trampoline_lowered:
0x8: {  	[smem:$0x3FAA] =	sst s0  }
0x9: {  	[smem:$0x3FAB] =	sst s1  }
0xa: {  	[smem:$0x3FAC] =	sst s2  }
0xb: {  	[smem:$0x3FAD] =	sst s3  }
0xc: {  	[smem:$0x3FAE] =	sst s4  }
0xd: {  	[smem:$0x3FAF] =	sst s5  }
0xe: {  	[smem:$0x3FB0] =	sst s6  }
0xf: {  	[smem:$0x3FB1] =	sst s7  }
0x10: {  	[smem:$0x3FB2] =	sst s8  }
0x11: {  	[smem:$0x3FB3] =	sst s9;
	s0 =	simm.s32 @!p0 $0x0  }
0x12: {  	s1 =	sld [smem:$0x3F99];
	s0 =	simm.s32 @p0 $0x1  }
0x13: {  	[smem:$0x3FB4] =	sst s0;
	s0 =	simm.s32 @!p1 $0x0  }
0x14: {  	s2 =	sld [smem:$0x3F98];
	s0 =	simm.s32 @p1 $0x1  }
0x15: {  	[smem:$0x3FB5] =	sst s0;
	s0 =	simm.s32 @!p2 $0x0  }
0x16: {  	s3 =	sld [smem:$0x3FDB];
	s0 =	simm.s32 @p2 $0x1  }
0x17: {  	s4 =	simm.s32 $0x1BF5;
	[smem:$0x3FB7] =	sst s0  }
0x18: {  	s0 =	sld [smem:$0x3F9A];
	_ =	swait.ge [sflag:s4], $0x0  }
0x19: {  	s7 =	sld [smem:$0x3F9B]  }
0x1a: {  	s8 =	sadd.s32 $0xFFFFE003, lr  }
0x1b: {  	s9 =	sadd.s32 $0xFFFFFEF7, lr;
	s5 =	simm.s32 $0xFFFFFFFF;
	p2 =	slt.u32 s8, $0xFFFFF086  }
0x1c: {  	p1 =	slt.u32 s9, $0xF7A;
	s5 =	simm.s32 @!p2 $0x0  }
0x1d: {  	s5 =	simm.s32 @p1 $0x1;
	p0 =	seq.s32 s7, s2  }
0x1e: {  	s7 =	smul.u32 @!p0 $0xF7A, s2;
	p2 =	seq.s32 @!p0 s5, $0x0  }
0x1f: {  	s9 =	smul.u32 $0xF7A, s1;
	s8 =	simm.s32 @!p0 $0x1BF5;
	p2 =	por !p2, p0  }
0x20: {  	[sflag:s8] =	ssyncset.s32 @!p0 $0xFFFFF086;
	s6 =	sadd.s32 @!p0 s3, s7;
	s7 =	simm.s32 @!p0 $0x108  }
0x21: {  	s3 =	sadd.s32 s3, s9;
	s6 =	sadd.s32 @!p0 $0x88, s6;
	s7 =	simm.s32 @p2 $0x1082  }
0x22: {  	[simem:s7], [sflag:s8] =	dma.local @!p0 [hbm:s6], $0xF7A  }
0x23: {  	s9 =	sor.u32 $0xD0000000, s2;
	s6 =	simm.s32 $0x108;
	_ =	swait.ge @!p0 [sflag:s8], $0x0  }
0x24: {  	s3 =	sadd.s32 $0x88, s3;
	s6 =	simm.s32 @!p1 $0x1082;
	[sflag:s4] =	ssyncset.s32 $0xFFFFF086  }
0x25: {  	[simem:s6], [sflag:s4] =	dma.local [hbm:s3], $0xF7A  }
0x26: {  	[smem:$0x3F9B] =	sst s1;
	(tag) =	ssettag s2;
	_ =	strace s9  }
0x27: {  	s1 =	sld [smem:$0x3FAB]  }
0x28: {  	s2 =	sld [smem:$0x3FAC]  }
0x29: {  	s4 =	sld [smem:$0x3FAE]  }
0x2a: {  	p0 =	seq.s32 s5, $0x0;
	s5 =	sld [smem:$0x3FAF]  }
0x2b: {  	s6 =	sld [smem:$0x3FB0]  }
0x2c: {  	s7 =	sld [smem:$0x3FB1]  }
0x2d: {  	s3 =	simm.s32 $0x108;
	s8 =	sld [smem:$0x3FB2]  }
0x2e: {  	s3 =	simm.s32 @!p0 $0x1082;
	s9 =	sld [smem:$0x3FB3]  }
0x2f: {  	lr =	sadd.s32 s0, s3;
	s0 =	sld [smem:$0x3FAA]  }
0x30: {  	s3 =	sld [smem:$0x3FAD]  }
0x31: {  	[smem:$0x3FB6] =	sst s10  }
0x32: {  	s10 =	sld [smem:$0x3FB4];
	_ =	sdelay $0x3  }
0x33: {  	p0 =	seq.s32 s10, $0x1;
	s10 =	sld [smem:$0x3FB6];
	_ =	sdelay $0x3  }
0x34: {  	[smem:$0x3FB6] =	sst s10  }
0x35: {  	s10 =	sld [smem:$0x3FB5];
	_ =	sdelay $0x3  }
0x36: {  	p1 =	seq.s32 s10, $0x1;
	s10 =	sld [smem:$0x3FB6];
	_ =	sdelay $0x3  }
0x37: {  	[smem:$0x3FB6] =	sst s10  }
0x38: {  	s10 =	sld [smem:$0x3FB7]  }
0x39: {  	_ = 	snop;
	(pc) =	sbr.ind lr, $3  }
0x3a: {  	_ = 	snop  }
0x3b: {  	_ = 	snop  }
0x3c: {  	p2 =	seq.s32 s10, $0x1;
	s10 =	sld [smem:$0x3FB6]  }
0x3d: {  	_ =	shalt  }
0x3e: {  	_ =	shalt  }
0x3f: {  	_ =	shalt  }
0x40: {  	_ =	shalt  }
0x41: {  	_ =	shalt  }
0x42: {  	_ =	shalt  }
0x43: {  	_ =	shalt  }
0x44: {  	_ =	shalt  }
0x45: {  	_ =	shalt  }
0x46: {  	_ =	shalt  }
0x47: {  	_ =	shalt  }
0x48: {  	_ =	shalt  }
0x49: {  	_ =	shalt  }
0x4a: {  	_ =	shalt  }
0x4b: {  	_ =	shalt  }
0x4c: {  	_ =	shalt  }
0x4d: {  	_ =	shalt  }
0x4e: {  	_ =	shalt  }
0x4f: {  	_ =	shalt  }
0x50: {  	_ =	shalt  }
0x51: {  	_ =	shalt  }
0x52: {  	_ =	shalt  }
0x53: {  	_ =	shalt  }
0x54: {  	_ =	shalt  }
0x55: {  	_ =	shalt  }
0x56: {  	_ =	shalt  }
0x57: {  	_ =	shalt  }
0x58: {  	_ =	shalt  }
0x59: {  	_ =	shalt  }
0x5a: {  	_ =	shalt  }
0x5b: {  	_ =	shalt  }
0x5c: {  	_ =	shalt  }
0x5d: {  	_ =	shalt  }
0x5e: {  	_ =	shalt  }
0x5f: {  	_ =	shalt  }
0x60: {  	_ =	shalt  }
0x61: {  	_ =	shalt  }
0x62: {  	_ =	shalt  }
0x63: {  	_ =	shalt  }
0x64: {  	_ =	shalt  }
0x65: {  	_ =	shalt  }
0x66: {  	_ =	shalt  }
0x67: {  	_ =	shalt  }
0x68: {  	_ =	shalt  }
0x69: {  	_ =	shalt  }
0x6a: {  	_ =	shalt  }
0x6b: {  	_ =	shalt  }
0x6c: {  	_ =	shalt  }
0x6d: {  	_ =	shalt  }
0x6e: {  	_ =	shalt  }
0x6f: {  	_ =	shalt  }
0x70: {  	_ =	shalt  }
0x71: {  	_ =	shalt  }
0x72: {  	_ =	shalt  }
0x73: {  	_ =	shalt  }
0x74: {  	_ =	shalt  }
0x75: {  	_ =	shalt  }
0x76: {  	_ =	shalt  }
0x77: {  	_ =	shalt  }
0x78: {  	_ =	shalt  }
0x79: {  	_ =	shalt  }
0x7a: {  	_ =	shalt  }
0x7b: {  	_ =	shalt  }
0x7c: {  	_ =	shalt  }
0x7d: {  	_ =	shalt  }
0x7e: {  	_ =	shalt  }
0x7f: {  	_ =	shalt  }
0x80: {  	_ =	shalt  }
0x81: {  	_ =	shalt  }
0x82: {  	_ =	shalt  }
0x83: {  	_ =	shalt  }
0x84: {  	_ =	shalt  }
0x85: {  	_ =	shalt  }
0x86: {  	_ =	shalt  }
0x87: {  	_ =	shalt  }
.Lfunc_end0:
.L_simem_size_0:
called_computation.2_lowered:
.L_overlay_start_0:
0x88: {  	s2 =	sld [smem:$0x3FD9]  }
0x89: {  	s3 =	sld [smem:$0x3FFE];
	_ =	sdelay $0x1  }
0x8a: {  	s1 =	srdreg.scid  }
0x8b: {  	s0 =	sand.u32 $0x1, s1  }
0x8c: {  	s17 =	sshll.u32 s0, $0xA;
	s2 =	sadd.s32 s3, s2  }
0x8d: {  	s2 =	sadd.s32 s2, s17  }
0x8e: {  	[smem:$0x3FC2] =	sst s2  }
0x8f: {  	_ = 	snop  }
0x90: {  	s2 =	sld [smem:$0x3FD0];
	(tm) =	ssettm $0x1  }
0x91: {  	s18 =	sld [smem:$0x3FFB];
	_ =	sdelay $0x3  }
0x92: {  	_ =	strace s18  }
0x93: {  	s3 =	sld [smem:$0x3FFC];
	_ =	sdelay $0x3  }
0x94: {  	_ =	strace s3  }
0x95: {  	s3 =	sld [smem:$0x3FFD];
	_ =	sdelay $0x3  }
0x96: {  	_ =	strace s3  }
0x97: {  	_ =	strace $0x8FFFFFFF  }
0x98: {  	s19 =	sld [smem:$0x3FDB];
	_ =	sdelay $0x1  }
0x99: {  	s4 =	simm.s32 $_scs_section_size  }
0x9a: {  	s5 =	simm.s32 $_size__tile_overlayer_lowered;
	s6 =	simm.s32 $_tile_overlayer_lowered  }
0x9b: {  	s22 =	simm.s32 $0x1BFF;
	s21 =	sshll.u32 s6, $0x1;
	s3 =	sadd.s32 s4, s19  }
0x9c: {  	s7 =	simm.s32 $0x0;
	s20 =	sshll.u32 s5, $0x1;
	s5 =	sadd.s32 s21, s3  }
0x9d: {  	[timem:s7], [sflag:s22] =	dma.local [hbm:s5], s20  }
0x9e: {  	_ =	swait.ge [sflag:s22], s20  }
0x9f: {  	s4 =	ssub.s32 $0x0, s20;
	[sflag:s22] =	ssyncset.done $0x0  }
0xa0: {  	[sflag:s22] =	ssyncadd.s32 s4;
	_ =	sdelay $0x1  }
0xa1: {  	s23 =	simm.s32 $0x1B8B  }
0xa2: {  	_ =	swait.ge [sflag:s23], $0x1  }
0xa3: {  	[sflag:s23] =	ssyncset.done $0x0  }
0xa4: {  	s25 =	simm.s32 $0x1B8E;
	s24 =	sld [smem:$0x3FFE];
	[sflag:s23] =	ssyncadd.s32 $0xFFFFFFFF  }
0xa5: {  	s26 =	simm.s32 $execute0_lowered;
	[smem:$0x3FD2] =	sst s25  }
0xa6: {  	s5 =	sshll.u32 s26, $0x1;
	_ =	strace $0x8000004C;
	[dreg:$0x1] =	wrdreg $0xFFFFFFFF  }
0xa7: {  	s28 =	simm.s32 $_size_execute0_lowered;
	s3 =	sadd.s32 s3, s5;
	[dreg:$0x0] =	wrdreg $0x0  }
0xa8: {  	s5 =	sshll.u32 s28, $0x1;
	[dreg:$0x2] =	wrdreg s3  }
0xa9: {  	[dreg:$0x3] =	wrdreg s5  }
0xaa: {  	[dreg:$0x4] =	wrdreg $0xC0  }
0xab: {  	_ =	task [dreg:s7], $0x5FFFF  }
0xac: {  	[dreg:$0x1] =	wrdreg $0xFFFFFFFF  }
0xad: {  	[dreg:$0x0] =	wrdreg $0x60  }
0xae: {  	[dreg:$0x2] =	wrdreg s24  }
0xaf: {  	[dreg:$0x3] =	wrdreg s2  }
0xb0: {  	[dreg:$0x4] =	wrdreg $0xBC000  }
0xb1: {  	[dreg:$0x5] =	wrdreg $0x9  }
0xb2: {  	_ =	task.clear_ibuf [dreg:s7], $0x6FFFF;
	_ =	strace $0x9000004C  }
0xb3: {  	s29 =	simm.s32 $0x9;
	_ =	strace $0x8000004E  }
0xb4: {  	_ =	swait.ge [sflag:s29], $0x1  }
0xb5: {  	[sflag:s29] =	ssyncadd.s32 $0xFFFFFFFF  }
0xb6: {  	_ =	strace $0x9000004E  }
0xb7: {  	_ =	sfence  }
0xb8: {  	s30 =	sld [smem:$0x0];
	_ =	sdelay $0x2  }
0xb9: {  	s31 =	sshll.u32 s1, $0xD;
	s1 =	sshrl.u32 s1, $0x2  }
0xba: {  	s3 =	sand.u32 $0x4000, s31;
	s1 =	sadd.s32 s1, s30  }
0xbb: {  	s0 =	sor.u32 s3, s0;
	s1 =	sshll.u32 s1, $0x11  }
0xbc: {  	s0 =	sor.u32 s1, s0  }
0xbd: {  	s0 =	sadd.s32 $0x8F2B, s0  }
0xbe: {  	[sflag:s0] =	ssyncadd.remote.s32 $0x1  }
0xbf: {  	_ =	sfence.sel $0xFFFF  }
0xc0: {  	[dreg:$0x0] =	wrdreg $0xFFFFFFFF;
	(pc) =	sbr.abs _section_cstart, $3  }
0xc1: {  	[dreg:$0x1] =	wrdreg $0xFFFFFFFF  }
0xc2: {  	_ =	task.clear_ibuf [dreg:s7], $0x2FFFF;
	_ =	strace $0x9FFFFFFF  }
0xc3: {  	(tm) =	ssettm $0x7FFFFFFF  }
tec
execute0_lowered:
.L_overlay_start_1:
0x0: {  	(tag) =	ssettag $0x1  }
0x1: {  	s0 =	rddreg [dreg:$0x0]  }
0x2: {  	s1 =	srdreg.scid;
	s2 =	rddreg [dreg:$0x1]  }
0x3: {  	s3 =	rddreg [dreg:$0x2];
	s20 =	stileid.u32;
	s4 =	simm.s32 $0x0  }
0x4: {  	s31 =	simm.s32 $0x0;
	s1 =	sand.u32 $0x1, s1;
	s10 =	smul.u32 $0x280, s20  }
0x5: {  	[smem:$0x7FF] =	sst s4;
	s11 =	sadd.s32 $0x3800, s0;
	s12 =	smul.u32 $0x50000, s20  }
0x6: {  	s28 =	smul.u32 $0x2800, s20;
	s5 =	sshll.u32 s1, $0x4;
	_ =	strace $0x8000004D  }
0x7: {  	s8 =	ssub.s32 $0x2, s1;
	p0 =	seq.s32 s1, $0x1;
	s7 =	sor.u32 s20, s5  }
0x8: {  	s9 =	sshrl.u32 s8, $0x1;
	s21 =	sshrl.u32 s12, $0x2;
	s14 =	sadd.s32 $0x80, s10  }
0x9: {  	s15 =	sadd.s32 $0x100, s10;
	s17 =	sadd.s32 $0x180, s10;
	s18 =	sadd.s32 $0x200, s10  }
0xa: {  	s20 =	simm.s32 $0x7C00;
	s6 =	smul.u32 $0x500, s7;
	s13 =	ssub.s32 s8, s9  }
0xb: {  	s22 =	sshll.u32 s14, $0x7;
	s23 =	sshll.u32 s15, $0x7;
	s16 =	smul.u32 $0x2800, s7  }
0xc: {  	s7 =	sadd.s32 s21, s3;
	s25 =	sshll.u32 s17, $0x7;
	s26 =	sshll.u32 s18, $0x7  }
0xd: {  	s29 =	sshll.u32 s14, $0x4;
	s30 =	sshll.u32 s15, $0x4;
	s17 =	sshll.u32 s17, $0x4  }
0xe: {  	s18 =	sshll.u32 s18, $0x4;
	s21 =	simm.s32 $0x3;
	s8 =	sadd.s32 s22, s3  }
0xf: {  	s9 =	sadd.s32 s23, s3;
	s10 =	sadd.s32 s25, s3;
	s13 =	smax.u32 s13, $0x1  }
0x10: {  	s22 =	simm.s32 $0x1;
	s23 =	simm.s32 $0x2;
	s25 =	simm.s32 $0x3C00  }
0x11: {  	s19 =	sadd.s32 s6, s0;
	s6 =	sadd.s32 s11, s6;
	s24 =	sshrl.u32 s16, $0x3  }
0x12: {  	s16 =	simm.s32 $0x8FE00;
	s5 =	sadd.s32 $0xDE00, s19;
	s19 =	sadd.s32 s11, s24  }
0x13: {  	s11 =	sadd.s32 s26, s3;
	s16 =	simm.s32 @!p0 $0x67E00;
	s24 =	simm.s32 $0x80  }
0x14: {  	s26 =	simm.s32 $0x4;
	[dreg:$0x4] =	wrdreg s5;
	s0 =	sadd.s32 s16, s0  }
0x15: {  	s12 =	sadd.s32 $0x280, s19;
	s14 =	sadd.s32 s0, s28;
	s15 =	sadd.s32 s0, s29  }
0x16: {  	v0 =	vimm.f32 $0.0e+00;
	s16 =	sadd.s32 s0, s30;
	s17 =	sadd.s32 s0, s17;
	s18 =	sadd.s32 s0, s18  }
.LBB2_1:
0x17: {  	s0 =	rddreg [dreg:$0x4]  }
0x18: {  	[tilespmem:s4], [sflag:$0x1] =	stream.linear.gather [hbm4b:s0+s4], $0x2800, $0x38;
	[tilespmem:$0x1FC00] =	vst v63  }
0x19: {  	s30 =	simm.s32 $0x2800;
	s1 =	simm.s32 $0x200;
	s0 =	simm.s32 $0x0  }
0x1a: {  	[tilespmem:s30], [sflag:$0x2] =	stream.linear.gather [hbm4b:s6+s4], $0x1400, $0x38;
	[tilespmem:$0x1FC00] =	vst v63  }
.LBB2_2:
0x1b: {  	p0 =	sne.s32 s1, $0xFE00;
	[tilespmem:s0+$0x7C70] =	vst v0  }
0x1c: {  	[tilespmem:s0+$0x7C00] =	vst v0  }
0x1d: {  	[tilespmem:s0+$0x7C10] =	vst v0  }
.Ltmp0:
0x1e: {  	[tilespmem:s0+$0x7C20] =	vst v0;
	(pc) =	sbr.rel @p0 .LBB2_2-.Ltmp0, $4  }
0x1f: {  	[tilespmem:s0+$0x7C30] =	vst v0  }
0x20: {  	[tilespmem:s0+$0x7C40] =	vst v0  }
0x21: {  	[tilespmem:s0+$0x7C50] =	vst v0  }
0x22: {  	[tilespmem:s0+$0x7C60] =	vst v0;
	s0 =	sshra.s32 s1, $0x2;
	s1 =	sadd.s32 $0x200, s1  }
0x23: {  	[tilespmem:s0+$0x7C70] =	vst v0  }
0x24: {  	[tilespmem:s0+$0x7C00] =	vst v0  }
0x25: {  	[tilespmem:s0+$0x7C10] =	vst v0  }
0x26: {  	[tilespmem:s0+$0x7C20] =	vst v0  }
0x27: {  	[tilespmem:s0+$0x7C30] =	vst v0  }
0x28: {  	[tilespmem:s0+$0x7C40] =	vst v0  }
0x29: {  	[tilespmem:s0+$0x7C50] =	vst v0  }
0x2a: {  	[tilespmem:s0+$0x7C60] =	vst v0  }
0x2b: {  	[spmem:s7] =	stream.linear.scatter [tilespmem:s20], [sflag:$0x3], $0x4000, $0x38;
	[tilespmem:$0x1FC00] =	vst v63  }
0x2c: {  	_ = 	snop  }
0x2d: {  	[spmem:s8] =	stream.linear.scatter [tilespmem:s20], [sflag:$0x3], $0x4000, $0x38;
	[tilespmem:$0x1FC00] =	vst v63  }
0x2e: {  	_ = 	snop  }
0x2f: {  	[spmem:s9] =	stream.linear.scatter [tilespmem:s20], [sflag:$0x3], $0x4000, $0x38;
	[tilespmem:$0x1FC00] =	vst v63  }
0x30: {  	_ = 	snop  }
0x31: {  	[spmem:s10] =	stream.linear.scatter [tilespmem:s20], [sflag:$0x3], $0x4000, $0x38;
	[tilespmem:$0x1FC00] =	vst v63  }
0x32: {  	_ = 	snop  }
0x33: {  	[spmem:s11] =	stream.linear.scatter [tilespmem:s20], [sflag:$0x3], $0x4000, $0x38;
	[tilespmem:$0x1FC00] =	vst v63  }
0x34: {  	_ =	swait.ge [sflag:s21], $0x4000  }
0x35: {  	[sflag:s21] =	ssyncset.done $0x0  }
0x36: {  	[sflag:s21] =	ssyncadd.s32 $0xFFFFC000  }
0x37: {  	_ =	swait.ge [sflag:s21], $0x4000  }
0x38: {  	[sflag:s21] =	ssyncset.done $0x0  }
0x39: {  	[sflag:s21] =	ssyncadd.s32 $0xFFFFC000  }
0x3a: {  	_ =	swait.ge [sflag:s21], $0x4000  }
0x3b: {  	[sflag:s21] =	ssyncset.done $0x0  }
0x3c: {  	[sflag:s21] =	ssyncadd.s32 $0xFFFFC000  }
0x3d: {  	_ =	swait.ge [sflag:s21], $0x4000  }
0x3e: {  	[sflag:s21] =	ssyncset.done $0x0  }
0x3f: {  	[sflag:s21] =	ssyncadd.s32 $0xFFFFC000  }
0x40: {  	_ =	swait.ge [sflag:s21], $0x4000  }
0x41: {  	[sflag:s21] =	ssyncset.done $0x0  }
0x42: {  	[sflag:s21] =	ssyncadd.s32 $0xFFFFC000  }
0x43: {  	_ =	swait.ge [sflag:s22], $0x2800  }
0x44: {  	[sflag:s22] =	ssyncset.done $0x0  }
0x45: {  	[sflag:s22] =	ssyncadd.s32 $0xFFFFD800  }
0x46: {  	_ =	swait.ge [sflag:s23], $0x1400  }
0x47: {  	[sflag:s23] =	ssyncset.done $0x0  }
0x48: {  	[sflag:s23] =	ssyncadd.s32 $0xFFFFEC00  }
0x49: {  	s0 =	simm.s32 $0x0;
	p0 =	por $0x1, $0x1;
	[bflag:$0x0] =	sbarrier.arrive $0xFFFF  }
0x4a: {  	[tilespmem:s25], [sflag:$0x1] =	stream.indirect.gather [hbm4b:s2+s24], $0x80, s0, s24, $0xb8;
	[tilespmem:$0x1FC00] =	vst v63  }
0x4b: {  	s1 =	simm.s32 @!p0 $0x0;
	s19 =	simm.s32 @!p0 $0x2800;
	s28 =	simm.s32 @!p0 $0x4  }
0x4c: {  	[tilespmem:s19], [sflag:$0x4] =	stream.linear.gather @!p0 [hbm4b:s12+s1], $0x1400, $0x38;
	[tilespmem:$0x1FC00] =	vst v63  }
0x4d: {  	_ =	swait.ge @!p0 [sflag:s28], $0x1400  }
0x4e: {  	s29 =	simm.s32 $0x80;
	[sflag:s28] =	ssyncset.done @!p0 $0x0  }
0x4f: {  	s1 =	simm.s32 $0xFFFFB000;
	[sflag:s28] =	ssyncadd.s32 @!p0 $0xFFFFEC00;
	p0 =	por $0x1, $0x1  }
0x50: {  	[tilespmem:s20], [sflag:$0x2] =	stream.indirect.gather [hbm4b:s2+s24], $0x80, s29, s24, $0xb8;
	[tilespmem:$0x1FC00] =	vst v63  }
0x51: {  	s1 =	smov.u32 @p0 s0;
	_ =	swait.ge [sflag:s22], $0x4000  }
0x52: {  	s0 =	sshra.s32 s1, $0x2;
	[sflag:s22] =	ssyncset.done $0x0  }
0x53: {  	s1 =	sadd.s32 $0x2800, s0;
	[sflag:s22] =	ssyncadd.s32 $0xFFFFC000  }
0x54: {  	[spmem:s3] =	stream.indirect.scatter.add.f32 [tilespmem:s25], [sflag:$0x4], $0x80, s1, s24, $0xb8;
	[tilespmem:$0x1FC00] =	vst v63  }
0x55: {  	_ =	swait.ge [sflag:s26], $0x4000  }
0x56: {  	[sflag:s26] =	ssyncset.done $0x0  }
0x57: {  	s30 =	simm.s32 $0x100;
	[sflag:s26] =	ssyncadd.s32 $0xFFFFC000  }
0x58: {  	[tilespmem:s25], [sflag:$0x1] =	stream.indirect.gather [hbm4b:s2+s24], $0x80, s30, s24, $0xb8;
	[tilespmem:$0x1FC00] =	vst v63  }
0x59: {  	_ =	swait.ge [sflag:s23], $0x4000  }
0x5a: {  	p1 =	por $0x1, $0x1;
	[sflag:s23] =	ssyncset.done $0x0  }
0x5b: {  	s19 =	simm.s32 $0x800;
	s0 =	sadd.s32 $0x2880, s0;
	[sflag:s23] =	ssyncadd.s32 $0xFFFFC000  }
0x5c: {  	[spmem:s3] =	stream.indirect.scatter.add.f32 [tilespmem:s20], [sflag:$0x4], $0x80, s0, s24, $0xb8;
	[tilespmem:$0x1FC00] =	vst v63  }
0x5d: {  	s1 =	simm.s32 $0x1;
	s0 =	simm.s32 $0x400;
	_ =	swait.ge [sflag:s26], $0x4000  }
.LBB2_4:
0x5e: {  	s28 =	simm.s32 @!p1 $0x0  }
0x5f: {  	s29 =	simm.s32 @!p1 $0x2800;
	[sflag:s26] =	ssyncset.done $0x0;
	s30 =	smov.u32 s19  }
0x60: {  	s19 =	sadd.s32 $0x400, s19;
	s5 =	simm.s32 @!p1 $0x4;
	[sflag:s26] =	ssyncadd.s32 $0xFFFFC000  }
0x61: {  	[tilespmem:s29], [sflag:$0x4] =	stream.linear.gather @!p1 [hbm4b:s12+s28], $0x1400, $0x38;
	[tilespmem:$0x1FC00] =	vst v63  }
0x62: {  	p0 =	sne.s32 s19, $0x9C00;
	_ =	swait.ge @!p1 [sflag:s5], $0x1400  }
0x63: {  	s28 =	sshra.s32 s0, $0x2;
	s29 =	sadd.s32 $0xFFFFB000, s0;
	[sflag:s5] =	ssyncset.done @!p1 $0x0  }
0x64: {  	[sflag:s5] =	ssyncadd.s32 @!p1 $0xFFFFEC00;
	p1 =	slt.u32 s1, $0x14;
	s5 =	sadd.s32 $0x80, s28  }
0x65: {  	[tilespmem:s20], [sflag:$0x2] =	stream.indirect.gather [hbm4b:s2+s24], $0x80, s5, s24, $0xb8;
	[tilespmem:$0x1FC00] =	vst v63  }
0x66: {  	s29 =	smov.u32 @p1 s0;
	s0 =	smov.u32 s30;
	_ =	swait.ge [sflag:s22], $0x4000  }
0x67: {  	s5 =	sshra.s32 s29, $0x2;
	[sflag:s22] =	ssyncset.done $0x0  }
0x68: {  	s29 =	sadd.s32 $0x2800, s5;
	[sflag:s22] =	ssyncadd.s32 $0xFFFFC000  }
0x69: {  	[spmem:s3] =	stream.indirect.scatter.add.f32 [tilespmem:s25], [sflag:$0x4], $0x80, s29, s24, $0xb8;
	[tilespmem:$0x1FC00] =	vst v63  }
0x6a: {  	_ =	swait.ge [sflag:s26], $0x4000  }
0x6b: {  	[sflag:s26] =	ssyncset.done $0x0  }
0x6c: {  	s28 =	sadd.s32 $0x100, s28;
	[sflag:s26] =	ssyncadd.s32 $0xFFFFC000  }
0x6d: {  	[tilespmem:s25], [sflag:$0x1] =	stream.indirect.gather [hbm4b:s2+s24], $0x80, s28, s24, $0xb8;
	[tilespmem:$0x1FC00] =	vst v63  }
.Ltmp1:
0x6e: {  	_ =	swait.ge [sflag:s23], $0x4000;
	(pc) =	sbr.rel @p0 .LBB2_4-.Ltmp1, $4  }
0x6f: {  	[sflag:s23] =	ssyncset.done $0x0  }
0x70: {  	s5 =	sadd.s32 $0x2880, s5;
	[sflag:s23] =	ssyncadd.s32 $0xFFFFC000  }
0x71: {  	[spmem:s3] =	stream.indirect.scatter.add.f32 [tilespmem:s20], [sflag:$0x4], $0x80, s5, s24, $0xb8;
	[tilespmem:$0x1FC00] =	vst v63  }
0x72: {  	s1 =	sadd.s32 $0x1, s1;
	p1 =	sne.s32 s0, $0x5000;
	_ =	swait.ge [sflag:s26], $0x4000  }
0x73: {  	[sflag:s26] =	ssyncset.done $0x0  }
0x74: {  	s5 =	simm.s32 @!p1 $0x0;
	s19 =	simm.s32 @!p1 $0x2800;
	[sflag:s26] =	ssyncadd.s32 $0xFFFFC000  }
0x75: {  	[tilespmem:s19], [sflag:$0x4] =	stream.linear.gather @!p1 [hbm4b:s12+s5], $0x1400, $0x38;
	[tilespmem:$0x1FC00] =	vst v63  }
0x76: {  	s5 =	simm.s32 @!p1 $0x4  }
0x77: {  	_ =	swait.ge @!p1 [sflag:s5], $0x1400  }
0x78: {  	s29 =	sshra.s32 s0, $0x2;
	p0 =	slt.u32 s1, $0x14;
	[sflag:s5] =	ssyncset.done @!p1 $0x0  }
0x79: {  	s1 =	sadd.s32 $0xFFFFB000, s0;
	s30 =	sadd.s32 $0x80, s29;
	[sflag:s5] =	ssyncadd.s32 @!p1 $0xFFFFEC00  }
0x7a: {  	[tilespmem:s20], [sflag:$0x2] =	stream.indirect.gather [hbm4b:s2+s24], $0x80, s30, s24, $0xb8;
	[tilespmem:$0x1FC00] =	vst v63  }
0x7b: {  	s1 =	smov.u32 @p0 s0;
	_ =	swait.ge [sflag:s22], $0x4000  }
0x7c: {  	s0 =	sshra.s32 s1, $0x2;
	[sflag:s22] =	ssyncset.done $0x0  }
0x7d: {  	s1 =	sadd.s32 $0x2800, s0;
	[sflag:s22] =	ssyncadd.s32 $0xFFFFC000  }
0x7e: {  	[spmem:s3] =	stream.indirect.scatter.add.f32 [tilespmem:s25], [sflag:$0x4], $0x80, s1, s24, $0xb8;
	[tilespmem:$0x1FC00] =	vst v63  }
0x7f: {  	_ =	swait.ge [sflag:s26], $0x4000  }
0x80: {  	[sflag:s26] =	ssyncset.done $0x0  }
0x81: {  	s19 =	sadd.s32 $0x100, s29;
	[sflag:s26] =	ssyncadd.s32 $0xFFFFC000  }
0x82: {  	[tilespmem:s25], [sflag:$0x1] =	stream.indirect.gather [hbm4b:s2+s24], $0x80, s19, s24, $0xb8;
	[tilespmem:$0x1FC00] =	vst v63  }
0x83: {  	_ =	swait.ge [sflag:s23], $0x4000  }
0x84: {  	[sflag:s23] =	ssyncset.done $0x0  }
0x85: {  	s0 =	sadd.s32 $0x2880, s0;
	[sflag:s23] =	ssyncadd.s32 $0xFFFFC000  }
0x86: {  	[spmem:s3] =	stream.indirect.scatter.add.f32 [tilespmem:s20], [sflag:$0x4], $0x80, s0, s24, $0xb8;
	[tilespmem:$0x1FC00] =	vst v63  }
0x87: {  	_ =	swait.ge [sflag:s26], $0x4000  }
0x88: {  	[sflag:s26] =	ssyncset.done $0x0  }
0x89: {  	s28 =	simm.s32 $0x2780;
	[sflag:s26] =	ssyncadd.s32 $0xFFFFC000  }
0x8a: {  	[tilespmem:s20], [sflag:$0x2] =	stream.indirect.gather [hbm4b:s2+s24], $0x80, s28, s24, $0xb8;
	[tilespmem:$0x1FC00] =	vst v63  }
0x8b: {  	_ =	swait.ge [sflag:s22], $0x4000  }
0x8c: {  	[sflag:s22] =	ssyncset.done $0x0  }
0x8d: {  	s29 =	simm.s32 $0x3B00;
	[sflag:s22] =	ssyncadd.s32 $0xFFFFC000  }
0x8e: {  	[spmem:s3] =	stream.indirect.scatter.add.f32 [tilespmem:s25], [sflag:$0x4], $0x80, s29, s24, $0xb8;
	[tilespmem:$0x1FC00] =	vst v63  }
0x8f: {  	_ =	swait.ge [sflag:s26], $0x4000  }
0x90: {  	[sflag:s26] =	ssyncset.done $0x0  }
0x91: {  	[sflag:s26] =	ssyncadd.s32 $0xFFFFC000  }
0x92: {  	_ =	swait.ge [sflag:s23], $0x4000  }
0x93: {  	[sflag:s23] =	ssyncset.done $0x0  }
0x94: {  	s30 =	simm.s32 $0x3B80;
	[sflag:s23] =	ssyncadd.s32 $0xFFFFC000  }
0x95: {  	[spmem:s3] =	stream.indirect.scatter.add.f32 [tilespmem:s20], [sflag:$0x4], $0x80, s30, s24, $0xb8;
	[tilespmem:$0x1FC00] =	vst v63  }
0x96: {  	_ =	swait.ge [sflag:s26], $0x4000  }
0x97: {  	[sflag:s26] =	ssyncset.done $0x0  }
0x98: {  	[sflag:s26] =	ssyncadd.s32 $0xFFFFC000  }
0x99: {  	[bflag:$0x0] =	sbarrier.arrive $0xFFFF  }
0x9a: {  	[tilespmem:s25], [sflag:$0x4] =	stream.linear.gather [spmem:s7], $0x4000, $0x38;
	[tilespmem:$0x1FC00] =	vst v63  }
0x9b: {  	_ =	swait.ge [sflag:s26], $0x4000  }
0x9c: {  	[sflag:s26] =	ssyncset.done $0x0  }
0x9d: {  	[sflag:s26] =	ssyncadd.s32 $0xFFFFC000  }
0x9e: {  	[hbm4b:s14+s4] =	stream.linear.scatter [tilespmem:s25], [sflag:$0x3], $0x4000, $0x38;
	[tilespmem:$0x1FC00] =	vst v63  }
0x9f: {  	_ = 	snop  }
0xa0: {  	[tilespmem:s20], [sflag:$0x4] =	stream.linear.gather [spmem:s8], $0x4000, $0x38;
	[tilespmem:$0x1FC00] =	vst v63  }
0xa1: {  	_ =	swait.ge [sflag:s26], $0x4000  }
0xa2: {  	[sflag:s26] =	ssyncset.done $0x0  }
0xa3: {  	[sflag:s26] =	ssyncadd.s32 $0xFFFFC000  }
0xa4: {  	[hbm4b:s15+s4] =	stream.linear.scatter [tilespmem:s20], [sflag:$0x3], $0x4000, $0x38;
	[tilespmem:$0x1FC00] =	vst v63  }
0xa5: {  	_ =	swait.ge [sflag:s21], $0x4000  }
0xa6: {  	[sflag:s21] =	ssyncset.done $0x0  }
0xa7: {  	[sflag:s21] =	ssyncadd.s32 $0xFFFFC000  }
0xa8: {  	[tilespmem:s25], [sflag:$0x4] =	stream.linear.gather [spmem:s9], $0x4000, $0x38;
	[tilespmem:$0x1FC00] =	vst v63  }
0xa9: {  	_ =	swait.ge [sflag:s26], $0x4000  }
0xaa: {  	[sflag:s26] =	ssyncset.done $0x0  }
0xab: {  	[sflag:s26] =	ssyncadd.s32 $0xFFFFC000  }
0xac: {  	[hbm4b:s16+s4] =	stream.linear.scatter [tilespmem:s25], [sflag:$0x3], $0x4000, $0x38;
	[tilespmem:$0x1FC00] =	vst v63  }
0xad: {  	_ =	swait.ge [sflag:s21], $0x4000  }
0xae: {  	[sflag:s21] =	ssyncset.done $0x0  }
0xaf: {  	[sflag:s21] =	ssyncadd.s32 $0xFFFFC000  }
0xb0: {  	[tilespmem:s20], [sflag:$0x4] =	stream.linear.gather [spmem:s10], $0x4000, $0x38;
	[tilespmem:$0x1FC00] =	vst v63  }
0xb1: {  	_ =	swait.ge [sflag:s26], $0x4000  }
0xb2: {  	[sflag:s26] =	ssyncset.done $0x0  }
0xb3: {  	[sflag:s26] =	ssyncadd.s32 $0xFFFFC000  }
0xb4: {  	[hbm4b:s17+s4] =	stream.linear.scatter [tilespmem:s20], [sflag:$0x3], $0x4000, $0x38;
	[tilespmem:$0x1FC00] =	vst v63  }
0xb5: {  	_ =	swait.ge [sflag:s21], $0x4000  }
0xb6: {  	[sflag:s21] =	ssyncset.done $0x0  }
0xb7: {  	[sflag:s21] =	ssyncadd.s32 $0xFFFFC000  }
0xb8: {  	[tilespmem:s25], [sflag:$0x4] =	stream.linear.gather [spmem:s11], $0x4000, $0x38;
	[tilespmem:$0x1FC00] =	vst v63  }
0xb9: {  	_ =	swait.ge [sflag:s26], $0x4000  }
0xba: {  	[sflag:s26] =	ssyncset.done $0x0  }
0xbb: {  	s31 =	sadd.s32 $0x1, s31;
	[sflag:s26] =	ssyncadd.s32 $0xFFFFC000  }
0xbc: {  	[hbm4b:s18+s4] =	stream.linear.scatter [tilespmem:s25], [sflag:$0x3], $0x4000, $0x38;
	[tilespmem:$0x1FC00] =	vst v63  }
0xbd: {  	p0 =	sne.s32 s31, s13;
	_ =	swait.ge [sflag:s21], $0x4000  }
.Ltmp2:
0xbe: {  	[sflag:s21] =	ssyncset.done $0x0;
	(pc) =	sbr.rel @p0 .LBB2_1-.Ltmp2, $4  }
0xbf: {  	[sflag:s21] =	ssyncadd.s32 $0xFFFFC000  }
0xc0: {  	_ =	swait.ge [sflag:s21], $0x4000  }
0xc1: {  	[sflag:s21] =	ssyncset.done $0x0  }
0xc2: {  	[sflag:s21] =	ssyncadd.s32 $0xFFFFC000  }
0xc3: {  	_ =	sfence.sel $0x180000  }
0xc4: {  	[bflag:$0x0] =	sbarrier.arrive $0xFFFF  }
0xc5: {  	_ =	strace $0x9000004D  }
0xc6: {  	s0 =	stileid.u32;
	[bflag:$0x2] =	sbarrier.arrive $0xFFFF  }
0xc7: {  	p0 =	sne.s32 s0, $0x0;
	s0 =	rddreg [dreg:$0x3]  }
0xc8: {  	s0 =	sadd.s32 @!p0 $0x100000, s0  }
0xc9: {  	[sflag:s0] =	ssyncadd.tile.s32 @!p0 $0x1;
	_ =	shalt  }
.Lfunc_end2:
_tile_overlayer_lowered:
.L_overlay_start_2:
0xca: {  	(tag) =	ssettag $0x2  }
0xcb: {  	s0 =	rddreg [dreg:$0x0];
	s2 =	stileid.u32  }
0xcc: {  	s1 =	rddreg [dreg:$0x1];
	p0 =	sne.s32 s2, $0x0  }
0xcd: {  	s3 =	rddreg [dreg:$0x2];
	[bflag:$0x3] =	sbarrier.arrive $0xFFFF;
	s2 =	simm.s32 @!p0 $0x1C04  }
0xce: {  	[timem:s3], [sflag:s2] =	dma.local @!p0 [hbm:s0], s1  }
0xcf: {  	s0 =	simm.s32 @!p0 $0x4  }
0xd0: {  	_ =	swait.ge @!p0 [sflag:s0], s1  }
0xd1: {  	s1 =	ssub.s32 @!p0 $0x0, s1;
	[sflag:s0] =	ssyncset.done @!p0 $0x0  }
0xd2: {  	[sflag:s0] =	ssyncadd.s32 @!p0 s1  }
0xd3: {  	[bflag:$0x3] =	sbarrier.arrive $0xFFFF  }
0xd4: {  	_ =	shalt  }

// kernel: _run.9.cloned.1.call-start
scs
__scs_entry_jumppad:
0x0: {  	(pc) =	sbr.rel $0x88, $3  }
0x1: {  	(tag) =	ssettag $0x0;
	lr =	simm.s32 $0x1  }
0x2: {  	[smem:$0x3F9B] =	sst lr;
	_ =	strace $0xD0000000  }
0x3: {  	_ = 	snop  }
0x4: {  	_ = 	snop  }
0x5: {  	_ = 	snop  }
0x6: {  	_ = 	snop  }
0x7: {  	_ = 	snop  }
__scs_overlays_trampoline_lowered:
0x8: {  	[smem:$0x3FAA] =	sst s0  }
0x9: {  	[smem:$0x3FAB] =	sst s1  }
0xa: {  	[smem:$0x3FAC] =	sst s2  }
0xb: {  	[smem:$0x3FAD] =	sst s3  }
0xc: {  	[smem:$0x3FAE] =	sst s4  }
0xd: {  	[smem:$0x3FAF] =	sst s5  }
0xe: {  	[smem:$0x3FB0] =	sst s6  }
0xf: {  	[smem:$0x3FB1] =	sst s7  }
0x10: {  	[smem:$0x3FB2] =	sst s8  }
0x11: {  	[smem:$0x3FB3] =	sst s9;
	s0 =	simm.s32 @!p0 $0x0  }
0x12: {  	s1 =	sld [smem:$0x3F99];
	s0 =	simm.s32 @p0 $0x1  }
0x13: {  	[smem:$0x3FB4] =	sst s0;
	s0 =	simm.s32 @!p1 $0x0  }
0x14: {  	s2 =	sld [smem:$0x3F98];
	s0 =	simm.s32 @p1 $0x1  }
0x15: {  	[smem:$0x3FB5] =	sst s0;
	s0 =	simm.s32 @!p2 $0x0  }
0x16: {  	s3 =	sld [smem:$0x3FDB];
	s0 =	simm.s32 @p2 $0x1  }
0x17: {  	s4 =	simm.s32 $0x1BF5;
	[smem:$0x3FB7] =	sst s0  }
0x18: {  	s0 =	sld [smem:$0x3F9A];
	_ =	swait.ge [sflag:s4], $0x0  }
0x19: {  	s7 =	sld [smem:$0x3F9B]  }
0x1a: {  	s8 =	sadd.s32 $0xFFFFE003, lr  }
0x1b: {  	s9 =	sadd.s32 $0xFFFFFEF7, lr;
	s5 =	simm.s32 $0xFFFFFFFF;
	p2 =	slt.u32 s8, $0xFFFFF086  }
0x1c: {  	p1 =	slt.u32 s9, $0xF7A;
	s5 =	simm.s32 @!p2 $0x0  }
0x1d: {  	s5 =	simm.s32 @p1 $0x1;
	p0 =	seq.s32 s7, s2  }
0x1e: {  	s7 =	smul.u32 @!p0 $0xF7A, s2;
	p2 =	seq.s32 @!p0 s5, $0x0  }
0x1f: {  	s9 =	smul.u32 $0xF7A, s1;
	s8 =	simm.s32 @!p0 $0x1BF5;
	p2 =	por !p2, p0  }
0x20: {  	[sflag:s8] =	ssyncset.s32 @!p0 $0xFFFFF086;
	s6 =	sadd.s32 @!p0 s3, s7;
	s7 =	simm.s32 @!p0 $0x108  }
0x21: {  	s3 =	sadd.s32 s3, s9;
	s6 =	sadd.s32 @!p0 $0x88, s6;
	s7 =	simm.s32 @p2 $0x1082  }
0x22: {  	[simem:s7], [sflag:s8] =	dma.local @!p0 [hbm:s6], $0xF7A  }
0x23: {  	s9 =	sor.u32 $0xD0000000, s2;
	s6 =	simm.s32 $0x108;
	_ =	swait.ge @!p0 [sflag:s8], $0x0  }
0x24: {  	s3 =	sadd.s32 $0x88, s3;
	s6 =	simm.s32 @!p1 $0x1082;
	[sflag:s4] =	ssyncset.s32 $0xFFFFF086  }
0x25: {  	[simem:s6], [sflag:s4] =	dma.local [hbm:s3], $0xF7A  }
0x26: {  	[smem:$0x3F9B] =	sst s1;
	(tag) =	ssettag s2;
	_ =	strace s9  }
0x27: {  	s1 =	sld [smem:$0x3FAB]  }
0x28: {  	s2 =	sld [smem:$0x3FAC]  }
0x29: {  	s4 =	sld [smem:$0x3FAE]  }
0x2a: {  	p0 =	seq.s32 s5, $0x0;
	s5 =	sld [smem:$0x3FAF]  }
0x2b: {  	s6 =	sld [smem:$0x3FB0]  }
0x2c: {  	s7 =	sld [smem:$0x3FB1]  }
0x2d: {  	s3 =	simm.s32 $0x108;
	s8 =	sld [smem:$0x3FB2]  }
0x2e: {  	s3 =	simm.s32 @!p0 $0x1082;
	s9 =	sld [smem:$0x3FB3]  }
0x2f: {  	lr =	sadd.s32 s0, s3;
	s0 =	sld [smem:$0x3FAA]  }
0x30: {  	s3 =	sld [smem:$0x3FAD]  }
0x31: {  	[smem:$0x3FB6] =	sst s10  }
0x32: {  	s10 =	sld [smem:$0x3FB4];
	_ =	sdelay $0x3  }
0x33: {  	p0 =	seq.s32 s10, $0x1;
	s10 =	sld [smem:$0x3FB6];
	_ =	sdelay $0x3  }
0x34: {  	[smem:$0x3FB6] =	sst s10  }
0x35: {  	s10 =	sld [smem:$0x3FB5];
	_ =	sdelay $0x3  }
0x36: {  	p1 =	seq.s32 s10, $0x1;
	s10 =	sld [smem:$0x3FB6];
	_ =	sdelay $0x3  }
0x37: {  	[smem:$0x3FB6] =	sst s10  }
0x38: {  	s10 =	sld [smem:$0x3FB7]  }
0x39: {  	_ = 	snop;
	(pc) =	sbr.ind lr, $3  }
0x3a: {  	_ = 	snop  }
0x3b: {  	_ = 	snop  }
0x3c: {  	p2 =	seq.s32 s10, $0x1;
	s10 =	sld [smem:$0x3FB6]  }
0x3d: {  	_ =	shalt  }
0x3e: {  	_ =	shalt  }
0x3f: {  	_ =	shalt  }
0x40: {  	_ =	shalt  }
0x41: {  	_ =	shalt  }
0x42: {  	_ =	shalt  }
0x43: {  	_ =	shalt  }
0x44: {  	_ =	shalt  }
0x45: {  	_ =	shalt  }
0x46: {  	_ =	shalt  }
0x47: {  	_ =	shalt  }
0x48: {  	_ =	shalt  }
0x49: {  	_ =	shalt  }
0x4a: {  	_ =	shalt  }
0x4b: {  	_ =	shalt  }
0x4c: {  	_ =	shalt  }
0x4d: {  	_ =	shalt  }
0x4e: {  	_ =	shalt  }
0x4f: {  	_ =	shalt  }
0x50: {  	_ =	shalt  }
0x51: {  	_ =	shalt  }
0x52: {  	_ =	shalt  }
0x53: {  	_ =	shalt  }
0x54: {  	_ =	shalt  }
0x55: {  	_ =	shalt  }
0x56: {  	_ =	shalt  }
0x57: {  	_ =	shalt  }
0x58: {  	_ =	shalt  }
0x59: {  	_ =	shalt  }
0x5a: {  	_ =	shalt  }
0x5b: {  	_ =	shalt  }
0x5c: {  	_ =	shalt  }
0x5d: {  	_ =	shalt  }
0x5e: {  	_ =	shalt  }
0x5f: {  	_ =	shalt  }
0x60: {  	_ =	shalt  }
0x61: {  	_ =	shalt  }
0x62: {  	_ =	shalt  }
0x63: {  	_ =	shalt  }
0x64: {  	_ =	shalt  }
0x65: {  	_ =	shalt  }
0x66: {  	_ =	shalt  }
0x67: {  	_ =	shalt  }
0x68: {  	_ =	shalt  }
0x69: {  	_ =	shalt  }
0x6a: {  	_ =	shalt  }
0x6b: {  	_ =	shalt  }
0x6c: {  	_ =	shalt  }
0x6d: {  	_ =	shalt  }
0x6e: {  	_ =	shalt  }
0x6f: {  	_ =	shalt  }
0x70: {  	_ =	shalt  }
0x71: {  	_ =	shalt  }
0x72: {  	_ =	shalt  }
0x73: {  	_ =	shalt  }
0x74: {  	_ =	shalt  }
0x75: {  	_ =	shalt  }
0x76: {  	_ =	shalt  }
0x77: {  	_ =	shalt  }
0x78: {  	_ =	shalt  }
0x79: {  	_ =	shalt  }
0x7a: {  	_ =	shalt  }
0x7b: {  	_ =	shalt  }
0x7c: {  	_ =	shalt  }
0x7d: {  	_ =	shalt  }
0x7e: {  	_ =	shalt  }
0x7f: {  	_ =	shalt  }
0x80: {  	_ =	shalt  }
0x81: {  	_ =	shalt  }
0x82: {  	_ =	shalt  }
0x83: {  	_ =	shalt  }
0x84: {  	_ =	shalt  }
0x85: {  	_ =	shalt  }
0x86: {  	_ =	shalt  }
0x87: {  	_ =	shalt  }
.Lfunc_end0:
.L_simem_size_0:
called_computation_lowered:
.L_overlay_start_0:
0x88: {  	s2 =	sld [smem:$0x3FD9]  }
0x89: {  	s3 =	sld [smem:$0x3FFE];
	_ =	sdelay $0x1  }
0x8a: {  	s1 =	srdreg.scid  }
0x8b: {  	s0 =	sand.u32 $0x1, s1  }
0x8c: {  	s17 =	sshll.u32 s0, $0xA;
	s2 =	sadd.s32 s3, s2  }
0x8d: {  	s2 =	sadd.s32 s2, s17  }
0x8e: {  	[smem:$0x3FC2] =	sst s2  }
0x8f: {  	_ = 	snop  }
0x90: {  	s2 =	sld [smem:$0x3FD0];
	(tm) =	ssettm $0x1  }
0x91: {  	s18 =	sld [smem:$0x3FFB];
	_ =	sdelay $0x3  }
0x92: {  	_ =	strace s18  }
0x93: {  	s3 =	sld [smem:$0x3FFC];
	_ =	sdelay $0x3  }
0x94: {  	_ =	strace s3  }
0x95: {  	s3 =	sld [smem:$0x3FFD];
	_ =	sdelay $0x3  }
0x96: {  	_ =	strace s3  }
0x97: {  	_ =	strace $0x8FFFFFFF  }
0x98: {  	s19 =	sld [smem:$0x3FDB];
	_ =	sdelay $0x1  }
0x99: {  	s4 =	simm.s32 $_scs_section_size  }
0x9a: {  	s5 =	simm.s32 $_size__tile_overlayer_lowered;
	s6 =	simm.s32 $_tile_overlayer_lowered  }
0x9b: {  	s22 =	simm.s32 $0x1BFF;
	s21 =	sshll.u32 s6, $0x1;
	s3 =	sadd.s32 s4, s19  }
0x9c: {  	s7 =	simm.s32 $0x0;
	s20 =	sshll.u32 s5, $0x1;
	s5 =	sadd.s32 s21, s3  }
0x9d: {  	[timem:s7], [sflag:s22] =	dma.local [hbm:s5], s20  }
0x9e: {  	_ =	swait.ge [sflag:s22], s20  }
0x9f: {  	s4 =	ssub.s32 $0x0, s20;
	[sflag:s22] =	ssyncset.done $0x0  }
0xa0: {  	[sflag:s22] =	ssyncadd.s32 s4;
	_ =	sdelay $0x1  }
0xa1: {  	s23 =	simm.s32 $0x1B8B  }
0xa2: {  	_ =	swait.ge [sflag:s23], $0x1  }
0xa3: {  	[sflag:s23] =	ssyncset.done $0x0  }
0xa4: {  	s25 =	simm.s32 $0x1B8E;
	s24 =	sld [smem:$0x3FFE];
	[sflag:s23] =	ssyncadd.s32 $0xFFFFFFFF  }
0xa5: {  	s26 =	simm.s32 $execute0_lowered;
	[smem:$0x3FD2] =	sst s25  }
0xa6: {  	s5 =	sshll.u32 s26, $0x1;
	_ =	strace $0x80000046;
	[dreg:$0x1] =	wrdreg $0xFFFFFFFF  }
0xa7: {  	s28 =	simm.s32 $_size_execute0_lowered;
	s3 =	sadd.s32 s3, s5;
	[dreg:$0x0] =	wrdreg $0x0  }
0xa8: {  	s5 =	sshll.u32 s28, $0x1;
	[dreg:$0x2] =	wrdreg s3  }
0xa9: {  	[dreg:$0x3] =	wrdreg s5  }
0xaa: {  	[dreg:$0x4] =	wrdreg $0xC0  }
0xab: {  	_ =	task [dreg:s7], $0x5FFFF  }
0xac: {  	[dreg:$0x1] =	wrdreg $0xFFFFFFFF  }
0xad: {  	[dreg:$0x0] =	wrdreg $0x60  }
0xae: {  	[dreg:$0x2] =	wrdreg s24  }
0xaf: {  	[dreg:$0x3] =	wrdreg s2  }
0xb0: {  	[dreg:$0x4] =	wrdreg $0x2B000  }
0xb1: {  	[dreg:$0x5] =	wrdreg $0x9  }
0xb2: {  	_ =	task.clear_ibuf [dreg:s7], $0x6FFFF;
	_ =	strace $0x90000046  }
0xb3: {  	s29 =	simm.s32 $0x9;
	_ =	strace $0x80000048  }
0xb4: {  	_ =	swait.ge [sflag:s29], $0x1  }
0xb5: {  	[sflag:s29] =	ssyncadd.s32 $0xFFFFFFFF  }
0xb6: {  	_ =	strace $0x90000048  }
0xb7: {  	_ =	sfence  }
0xb8: {  	s30 =	sld [smem:$0x0];
	_ =	sdelay $0x2  }
0xb9: {  	s31 =	sshll.u32 s1, $0xD;
	s1 =	sshrl.u32 s1, $0x2  }
0xba: {  	s3 =	sand.u32 $0x4000, s31;
	s1 =	sadd.s32 s1, s30  }
0xbb: {  	s0 =	sor.u32 s3, s0;
	s1 =	sshll.u32 s1, $0x11  }
0xbc: {  	s0 =	sor.u32 s1, s0  }
0xbd: {  	s0 =	sadd.s32 $0x8F2B, s0  }
0xbe: {  	[sflag:s0] =	ssyncadd.remote.s32 $0x1  }
0xbf: {  	_ =	sfence.sel $0xFFFF  }
0xc0: {  	[dreg:$0x0] =	wrdreg $0xFFFFFFFF;
	(pc) =	sbr.abs _section_cstart, $3  }
0xc1: {  	[dreg:$0x1] =	wrdreg $0xFFFFFFFF  }
0xc2: {  	_ =	task.clear_ibuf [dreg:s7], $0x2FFFF;
	_ =	strace $0x9FFFFFFF  }
0xc3: {  	(tm) =	ssettm $0x7FFFFFFF  }
tec
execute0_lowered:
.L_overlay_start_1:
0x0: {  	(tag) =	ssettag $0x1  }
0x1: {  	s4 =	rddreg [dreg:$0x0]  }
0x2: {  	s7 =	rddreg [dreg:$0x1]  }
0x3: {  	s0 =	srdreg.scid;
	s2 =	rddreg [dreg:$0x2]  }
0x4: {  	s3 =	simm.s32 $0x0;
	s6 =	sand.u32 $0x1, s0;
	s0 =	rddreg [dreg:$0x3]  }
0x5: {  	s1 =	stileid.u32;
	s12 =	simm.s32 $0x0;
	[smem:$0x7FF] =	sst s3  }
0x6: {  	s10 =	smul.u32 $0x280, s1;
	s11 =	sadd.s32 $0xD800, s4;
	s5 =	sshll.u32 s6, $0x4  }
0x7: {  	s8 =	ssub.s32 $0x2, s6;
	_ =	strace $0x80000047;
	p0 =	seq.s32 s6, $0x1  }
0x8: {  	s5 =	sor.u32 s1, s5;
	s9 =	sshrl.u32 s8, $0x1;
	s31 =	sshrl.u32 s10, $0x3  }
0x9: {  	s7 =	smov.u32 @p0 s11;
	s11 =	simm.s32 $0x2800;
	s5 =	smul.u32 $0x500, s5  }
0xa: {  	s8 =	ssub.s32 s8, s9;
	s7 =	sadd.s32 s7, s31;
	s9 =	simm.s32 $0x2880  }
0xb: {  	s6 =	smax.u32 s8, $0x1;
	s8 =	simm.s32 $0x1;
	s5 =	sadd.s32 s5, s4  }
0xc: {  	v0 =	vimm.f32 $1.000000000e+00;
	v1 =	vimm.f32 $0.0e+00;
	s4 =	sadd.s32 $0x3800, s5;
	s5 =	sadd.s32 s10, s2;
	s10 =	simm.s32 $0x80  }
.LBB2_1:
0xd: {  	[tilespmem:s3], [sflag:$0x1] =	stream.linear.gather [hbm4b:s4+s3], $0x2800, $0x38;
	[tilespmem:$0x2D80] =	vst v63  }
0xe: {  	_ =	swait.ge [sflag:s8], $0x2800  }
0xf: {  	[sflag:s8] =	ssyncset.done $0x0  }
0x10: {  	[sflag:s8] =	ssyncadd.s32 $0xFFFFD800  }
0x11: {  	[tilespmem:$0x2800] =	vst v0  }
0x12: {  	[tilespmem:$0x2810] =	vst v0  }
0x13: {  	[tilespmem:$0x2820] =	vst v0  }
0x14: {  	[tilespmem:$0x2830] =	vst v0  }
0x15: {  	[tilespmem:$0x2840] =	vst v0  }
0x16: {  	[tilespmem:$0x2850] =	vst v0  }
0x17: {  	[tilespmem:$0x2860] =	vst v0  }
0x18: {  	[tilespmem:$0x2870] =	vst v0  }
0x19: {  	[tilespmem:$0x2880] =	vst v1  }
0x1a: {  	[tilespmem:$0x2890] =	vst v1  }
0x1b: {  	[tilespmem:$0x28A0] =	vst v1  }
0x1c: {  	[tilespmem:$0x28B0] =	vst v1  }
0x1d: {  	[tilespmem:$0x28C0] =	vst v1  }
0x1e: {  	[tilespmem:$0x28D0] =	vst v1  }
0x1f: {  	[tilespmem:$0x28E0] =	vst v1  }
0x20: {  	[tilespmem:$0x28F0] =	vst v1  }
0x21: {  	[tilespmem:$0x2900] =	vst v1  }
0x22: {  	[tilespmem:$0x2910] =	vst v1  }
0x23: {  	[tilespmem:$0x2920] =	vst v1  }
0x24: {  	[tilespmem:$0x2930] =	vst v1  }
0x25: {  	[tilespmem:$0x2940] =	vst v1  }
0x26: {  	[tilespmem:$0x2950] =	vst v1  }
0x27: {  	[tilespmem:$0x2960] =	vst v1  }
0x28: {  	[tilespmem:$0x2970] =	vst v1  }
0x29: {  	[tilespmem:$0x2980] =	vst v1  }
0x2a: {  	[tilespmem:$0x2990] =	vst v1  }
0x2b: {  	[tilespmem:$0x29A0] =	vst v1  }
0x2c: {  	[tilespmem:$0x29B0] =	vst v1  }
0x2d: {  	[tilespmem:$0x29C0] =	vst v1  }
0x2e: {  	[tilespmem:$0x29D0] =	vst v1  }
0x2f: {  	[tilespmem:$0x29E0] =	vst v1  }
0x30: {  	[tilespmem:$0x29F0] =	vst v1  }
0x31: {  	[tilespmem:$0x2A00] =	vst v1  }
0x32: {  	[tilespmem:$0x2A10] =	vst v1  }
0x33: {  	[tilespmem:$0x2A20] =	vst v1  }
0x34: {  	[tilespmem:$0x2A30] =	vst v1  }
0x35: {  	[tilespmem:$0x2A40] =	vst v1  }
0x36: {  	[tilespmem:$0x2A50] =	vst v1  }
0x37: {  	[tilespmem:$0x2A60] =	vst v1  }
0x38: {  	[tilespmem:$0x2A70] =	vst v1  }
0x39: {  	[tilespmem:$0x2A80] =	vst v1  }
0x3a: {  	[tilespmem:$0x2A90] =	vst v1  }
0x3b: {  	[tilespmem:$0x2AA0] =	vst v1  }
0x3c: {  	[tilespmem:$0x2AB0] =	vst v1  }
0x3d: {  	[tilespmem:$0x2AC0] =	vst v1  }
0x3e: {  	[tilespmem:$0x2AD0] =	vst v1  }
0x3f: {  	[tilespmem:$0x2AE0] =	vst v1  }
0x40: {  	[tilespmem:$0x2AF0] =	vst v1  }
0x41: {  	[spmem:s5] =	stream.linear.scatter [tilespmem:s9], [sflag:$0x1], $0x280, $0x38;
	[tilespmem:$0x2D80] =	vst v63  }
0x42: {  	_ =	swait.ge [sflag:s8], $0x280  }
0x43: {  	[sflag:s8] =	ssyncset.done $0x0  }
0x44: {  	[sflag:s8] =	ssyncadd.s32 $0xFFFFFD80  }
0x45: {  	s13 =	simm.s32 $0x0;
	[bflag:$0x0] =	sbarrier.arrive $0xFFFF  }
0x46: {  	[spmem:s2] =	stream.indirect.scatter.add.f32 [tilespmem:s11], [sflag:$0x1], $0x1, s13, s10, $0xb8;
	[tilespmem:$0x2D80] =	vst v63  }
0x47: {  	_ =	swait.ge [sflag:s8], $0x80  }
0x48: {  	s13 =	simm.s32 $0x200;
	[sflag:s8] =	ssyncset.done $0x0  }
.LBB2_2:
0x49: {  	s14 =	sshra.s32 s13, $0x2;
	[sflag:s8] =	ssyncadd.s32 $0xFFFFFF80;
	p0 =	sne.s32 s13, $0x9E00  }
0x4a: {  	[spmem:s2] =	stream.indirect.scatter.add.f32 [tilespmem:s11], [sflag:$0x1], $0x1, s14, s10, $0xb8;
	[tilespmem:$0x2D80] =	vst v63  }
.Ltmp0:
0x4b: {  	_ = 	snop;
	(pc) =	sbr.rel @p0 .LBB2_2-.Ltmp0, $4  }
0x4c: {  	_ = 	snop  }
0x4d: {  	s13 =	sadd.s32 $0x200, s13  }
0x4e: {  	_ =	swait.ge [sflag:s8], $0x80  }
0x4f: {  	[sflag:s8] =	ssyncset.done $0x0  }
0x50: {  	[sflag:s8] =	ssyncadd.s32 $0xFFFFFF80  }
0x51: {  	[bflag:$0x0] =	sbarrier.arrive $0xFFFF  }
0x52: {  	[tilespmem:s9], [sflag:$0x1] =	stream.linear.gather [spmem:s5], $0x280, $0x38;
	[tilespmem:$0x2D80] =	vst v63  }
0x53: {  	s12 =	sadd.s32 $0x1, s12;
	_ =	swait.ge [sflag:s8], $0x280  }
0x54: {  	p0 =	sne.s32 s12, s6;
	[sflag:s8] =	ssyncset.done $0x0  }
.Ltmp1:
0x55: {  	[sflag:s8] =	ssyncadd.s32 $0xFFFFFD80;
	(pc) =	sbr.rel @p0 .LBB2_1-.Ltmp1, $4  }
0x56: {  	[hbm4b:s7+s3] =	stream.linear.scatter [tilespmem:s9], [sflag:$0x1], $0x280, $0x38;
	[tilespmem:$0x2D80] =	vst v63  }
0x57: {  	_ =	swait.ge [sflag:s8], $0x280  }
0x58: {  	[sflag:s8] =	ssyncset.done $0x0  }
0x59: {  	[sflag:s8] =	ssyncadd.s32 $0xFFFFFD80  }
0x5a: {  	_ =	sfence.sel $0x180000  }
0x5b: {  	[bflag:$0x0] =	sbarrier.arrive $0xFFFF  }
0x5c: {  	p0 =	sne.s32 s1, $0x0;
	_ =	strace $0x90000047  }
0x5d: {  	s0 =	sadd.s32 @!p0 $0x100000, s0;
	[bflag:$0x2] =	sbarrier.arrive $0xFFFF  }
0x5e: {  	[sflag:s0] =	ssyncadd.tile.s32 @!p0 $0x1;
	_ =	shalt  }
.Lfunc_end2:
_tile_overlayer_lowered:
.L_overlay_start_2:
0x5f: {  	(tag) =	ssettag $0x2  }
0x60: {  	s0 =	rddreg [dreg:$0x0];
	s2 =	stileid.u32  }
0x61: {  	s1 =	rddreg [dreg:$0x1];
	p0 =	sne.s32 s2, $0x0  }
0x62: {  	s3 =	rddreg [dreg:$0x2];
	[bflag:$0x3] =	sbarrier.arrive $0xFFFF;
	s2 =	simm.s32 @!p0 $0x1C01  }
0x63: {  	[timem:s3], [sflag:s2] =	dma.local @!p0 [hbm:s0], s1  }
0x64: {  	s0 =	simm.s32 @!p0 $0x1  }
0x65: {  	_ =	swait.ge @!p0 [sflag:s0], s1  }
0x66: {  	s1 =	ssub.s32 @!p0 $0x0, s1;
	[sflag:s0] =	ssyncset.done @!p0 $0x0  }
0x67: {  	[sflag:s0] =	ssyncadd.s32 @!p0 s1  }
0x68: {  	[bflag:$0x3] =	sbarrier.arrive $0xFFFF  }
0x69: {  	_ =	shalt  }

</sc_bundles>
